<compile_context>
chip_gen: v7x
topology: tpu7x:2x2x1
jax: 0.10.2.dev20260603
libtpu: 0.0.44.dev20260713+nightly
codegen_flags: <defaults>
</compile_context>

<pallas_src>
import functools

import jax
import jax.numpy as jnp
from jax import lax
from jax.experimental import pallas as pl
from jax.experimental.pallas import tpu as pltpu
from jax.experimental.pallas import tpu_sc as plsc

N_BINS = 15
N_ROWS = 1_000_000
N_CLS = 64
NW = 32
CHUNK = 480
NCHUNK = 64
ROWS_W = CHUNK * NCHUNK
SC_ROWS = ROWS_W * NW
TC_ROWS = N_ROWS - SC_ROWS
GROUPS = CHUNK // 16
TC_BLOCK = TC_ROWS
TC_GRID = 1


def _iota16():
    return lax.iota(jnp.int32, 16)


def _process_group(lbuf, labbuf, hists, g):
    cnt_h, acc_h, conf_h = hists
    lanes = _iota16()
    rows = g * 16 + lanes
    ms = [jnp.full((16,), -jnp.inf, dtype=jnp.float32) for _ in range(4)]
    ss = [jnp.zeros((16,), dtype=jnp.float32) for _ in range(4)]
    for j in range(N_CLS):
        v = plsc.load_gather(lbuf, [rows, (lanes + j) & (N_CLS - 1)])
        ss[j % 4] = ss[j % 4] + jnp.exp(v)
        ms[j % 4] = jnp.maximum(ms[j % 4], v)
    s = (ss[0] + ss[1]) + (ss[2] + ss[3])
    m = jnp.maximum(jnp.maximum(ms[0], ms[1]), jnp.maximum(ms[2], ms[3]))
    conf = jnp.exp(m) / s

    lab = plsc.load_gather(labbuf, [rows])
    v_lab = plsc.load_gather(lbuf, [rows, lab])
    acc = jnp.where(v_lab == m, 1.0, 0.0).astype(jnp.float32)

    binf = conf * jnp.float32(N_BINS)
    bi = binf.astype(jnp.int32)
    exact = (bi.astype(jnp.float32) == binf).astype(jnp.int32)
    bi = jnp.minimum(bi - exact, N_BINS - 1)

    slots = lanes * 16 + bi
    ones = jnp.ones((16,), dtype=jnp.float32)
    plsc.addupdate_scatter(cnt_h, [slots], ones)
    plsc.addupdate_scatter(acc_h, [slots], acc)
    plsc.addupdate_scatter(conf_h, [slots], conf)


def _sc_partials(logits, labels):
    mesh = plsc.VectorSubcoreMesh(core_axis_name="c", subcore_axis_name="s")

    @functools.partial(
        pl.kernel,
        mesh=mesh,
        out_type=jax.ShapeDtypeStruct((NW, 48), jnp.float32),
        compiler_params=pltpu.CompilerParams(needs_layout_passes=False),
        scratch_types=[
            pltpu.VMEM((CHUNK, N_CLS), jnp.float32),
            pltpu.VMEM((CHUNK, N_CLS), jnp.float32),
            pltpu.VMEM((CHUNK,), jnp.int32),
            pltpu.VMEM((CHUNK,), jnp.int32),
            pltpu.VMEM((256,), jnp.float32),
            pltpu.VMEM((256,), jnp.float32),
            pltpu.VMEM((256,), jnp.float32),
            pltpu.VMEM((48,), jnp.float32),
            pltpu.SemaphoreType.DMA,
            pltpu.SemaphoreType.DMA,
            pltpu.SemaphoreType.DMA,
            pltpu.SemaphoreType.DMA,
        ],
    )
    def body(logits_hbm, labels_hbm, out_hbm, lbuf0, lbuf1, labb0, labb1,
             cnt_h, acc_h, conf_h, stage, sg0, sg1, sb0, sb1):
        wid = lax.axis_index("s") * 2 + lax.axis_index("c")
        row0 = wid * ROWS_W
        lanes = _iota16()
        z16 = jnp.zeros((16,), dtype=jnp.float32)
        for k in range(16):
            cnt_h[pl.ds(k * 16, 16)] = z16
            acc_h[pl.ds(k * 16, 16)] = z16
            conf_h[pl.ds(k * 16, 16)] = z16
        hists = (cnt_h, acc_h, conf_h)

        def dma_logits(c, buf, sem):
            return pltpu.make_async_copy(
                logits_hbm.at[pl.ds(row0 + c * CHUNK, CHUNK)], buf, sem)

        def dma_labels(c, buf, sem):
            return pltpu.make_async_copy(
                labels_hbm.at[pl.ds(row0 + c * CHUNK, CHUNK)], buf, sem)

        def process(lbuf, labbuf):
            def g_body(g, carry):
                _process_group(lbuf, labbuf, hists, g)
                return carry
            lax.fori_loop(0, GROUPS, g_body, 0)

        dma_logits(0, lbuf0, sg0).start()
        dma_labels(0, labb0, sb0).start()

        def pair_body(c2, carry):
            c = c2 * 2
            dma_logits(c + 1, lbuf1, sg1).start()
            dma_labels(c + 1, labb1, sb1).start()
            dma_logits(c, lbuf0, sg0).wait()
            dma_labels(c, labb0, sb0).wait()
            process(lbuf0, labb0)

            @pl.when(c2 < (NCHUNK // 2) - 1)
            def _next():
                dma_logits(c + 2, lbuf0, sg0).start()
                dma_labels(c + 2, labb0, sb0).start()
            dma_logits(c + 1, lbuf1, sg1).wait()
            dma_labels(c + 1, labb1, sb1).wait()
            process(lbuf1, labb1)
            return carry
        lax.fori_loop(0, NCHUNK // 2, pair_body, 0)

        for h_idx, h in enumerate(hists):
            tot = z16
            for lane in range(16):
                tot = tot + plsc.load_gather(h, [lane * 16 + lanes])
            stage[pl.ds(h_idx * 16, 16)] = tot
        pltpu.sync_copy(stage, out_hbm.at[wid])

    return body(logits, labels)


def _tc_partials_body(logits_ref, labels_ref, out_ref, acc_ref):
    i = pl.program_id(0)

    @pl.when(i == 0)
    def _init():
        acc_ref[...] = jnp.zeros_like(acc_ref)

    l = logits_ref[...]
    lab = labels_ref[0]
    b, c = l.shape
    m = jnp.max(l, axis=1, keepdims=True)
    z = jnp.sum(jnp.exp(l - m), axis=1, keepdims=True)
    conf = 1.0 / z
    iota = lax.broadcasted_iota(jnp.int32, (b, c), 1)
    pred = jnp.min(jnp.where(l == m, iota, c), axis=1, keepdims=True)
    acc = (pred == lab).astype(jnp.float32)

    bidx = lax.broadcasted_iota(jnp.int32, (1, N_BINS), 1).astype(jnp.float32)
    lows = bidx / N_BINS
    highs = (bidx + 1.0) / N_BINS
    in_bin = ((conf > lows) & (conf <= highs)).astype(jnp.float32)

    acc_ref[0:1, 0:N_BINS] += jnp.sum(in_bin, axis=0, keepdims=True)
    acc_ref[1:2, 0:N_BINS] += jnp.sum(in_bin * acc, axis=0, keepdims=True)
    acc_ref[2:3, 0:N_BINS] += jnp.sum(in_bin * conf, axis=0, keepdims=True)

    @pl.when(i == TC_GRID - 1)
    def _emit():
        out_ref[0:1, 0:16] = acc_ref[0:1, 0:16]
        out_ref[0:1, 16:32] = acc_ref[1:2, 0:16]
        out_ref[0:1, 32:48] = acc_ref[2:3, 0:16]


def _combine_body(p_ref, q_ref, out_ref):
    p = p_ref[...]
    q = q_ref[...]
    cnt = (jnp.sum(p[:, 0:N_BINS], axis=0, keepdims=True)
           + q[0:1, 0:N_BINS])
    asum = (jnp.sum(p[:, 16:16 + N_BINS], axis=0, keepdims=True)
            + q[0:1, 16:16 + N_BINS])
    csum = (jnp.sum(p[:, 32:32 + N_BINS], axis=0, keepdims=True)
            + q[0:1, 32:32 + N_BINS])
    prop = cnt / N_ROWS
    safe = jnp.maximum(cnt, 1.0)
    nonempty = (cnt > 0).astype(jnp.float32)
    per_bin = jnp.abs(csum / safe - asum / safe) * prop * nonempty
    out_ref[...] = jnp.sum(per_bin, axis=1, keepdims=True)


def kernel(logits, labels):
    labels = labels.astype(jnp.int32)
    partials = _sc_partials(logits, labels)
    tail_logits = logits[SC_ROWS:]
    tail_labels = labels[SC_ROWS:].reshape(TC_GRID, TC_BLOCK, 1)
    tc_part = pl.pallas_call(
        _tc_partials_body,
        grid=(TC_GRID,),
        in_specs=[
            pl.BlockSpec((TC_BLOCK, N_CLS), lambda i: (i, 0)),
            pl.BlockSpec((1, TC_BLOCK, 1), lambda i: (i, 0, 0)),
        ],
        out_specs=pl.BlockSpec((1, 48), lambda i: (0, 0)),
        out_shape=jax.ShapeDtypeStruct((1, 48), jnp.float32),
        scratch_shapes=[pltpu.VMEM((8, 128), jnp.float32)],
    )(tail_logits, tail_labels)
    out = pl.pallas_call(
        _combine_body,
        out_shape=jax.ShapeDtypeStruct((1, 1), jnp.float32),
    )(partials, tc_part)
    return out.reshape(1)

# --- scband reference (transcript-rebuilt; emitter-appended) ---
"""Pipeline reference for scband-eceloss-6674379178673 (READ-ONLY COPY).

The authoritative reference and input builder live on the scoring server;
editing this copy changes nothing except your own understanding.
"""

import jax, jax.numpy as jnp
import numpy as np

N_BINS = 15


def setup_inputs(seed: int = 0) -> dict:
    key = jax.random.key(seed)
    k1, k2 = jax.random.split(key)
    logits = jax.random.normal(k1, (1000000, 64), dtype=jnp.float32)
    labels = jax.random.randint(k2, (1000000,), 0, 64, dtype=jnp.int64)
    return {"logits": logits, "labels": labels}


def reference(logits, labels):
    bin_boundaries = jnp.linspace(0.0, 1.0, N_BINS + 1)
    bins_lower = bin_boundaries[:-1]
    bins_upper = bin_boundaries[1:]

    distributions = jax.nn.softmax(logits, axis=-1)
    confidences = jnp.max(distributions, axis=1)
    predictions = jnp.argmax(distributions, axis=1)
    accuracies = (predictions == labels).astype(jnp.float32)

    n = confidences.shape[0]
    # [n_bins, N] membership masks: conf > lower AND conf <= upper
    in_bin = (confidences[None, :] > bins_lower[:, None]) & (
        confidences[None, :] <= bins_upper[:, None]
    )
    in_bin_f = in_bin.astype(jnp.float32)

    count = jnp.sum(in_bin_f, axis=1)                       # [n_bins]
    prop_in_bin = count / n
    safe_count = jnp.maximum(count, 1.0)
    accuracy_in_bin = jnp.sum(in_bin_f * accuracies[None, :], axis=1) / safe_count
    avg_confidence_in_bin = jnp.sum(in_bin_f * confidences[None, :], axis=1) / safe_count

    nonempty = (count > 0).astype(jnp.float32)
    per_bin = jnp.abs(avg_confidence_in_bin - accuracy_in_bin) * prop_in_bin * nonempty
    ece = jnp.sum(per_bin)
    return ece.reshape(1)

if __name__ == "__main__":
    import jax
    _d = setup_inputs()
    print(jax.jit(kernel)(*tuple(_d.values())))

</pallas_src>

<mosaic_0001>
#map = affine_map<(d0, d1) -> (0, 0)>
#map1 = affine_map<(d0, d1) -> (0)>
module attributes {stable_mosaic.version = 14 : i64} {
  func.func @body(%arg0: i32, %arg1: i32, %arg2: memref<1000000x64xf32, #tpu.memory_space<hbm>>, %arg3: memref<1000000xi32, #tpu.memory_space<hbm>>, %arg4: memref<32x48xf32, #tpu.memory_space<hbm>>, %arg5: memref<480x64xf32, #tpu.memory_space<vmem>>, %arg6: memref<480x64xf32, #tpu.memory_space<vmem>>, %arg7: memref<480xi32, #tpu.memory_space<vmem>>, %arg8: memref<480xi32, #tpu.memory_space<vmem>>, %arg9: memref<256xf32, #tpu.memory_space<vmem>>, %arg10: memref<256xf32, #tpu.memory_space<vmem>>, %arg11: memref<256xf32, #tpu.memory_space<vmem>>, %arg12: memref<48xf32, #tpu.memory_space<vmem>>, %arg13: memref<!tpu.dma_semaphore, #tpu.memory_space<semaphore_mem>>, %arg14: memref<!tpu.dma_semaphore, #tpu.memory_space<semaphore_mem>>, %arg15: memref<!tpu.dma_semaphore, #tpu.memory_space<semaphore_mem>>, %arg16: memref<!tpu.dma_semaphore, #tpu.memory_space<semaphore_mem>>) attributes {dimension_semantics = [#tpu.dimension_semantics<core_parallel>, #tpu.dimension_semantics<subcore_parallel>], iteration_bounds = array<i64: 2, 16>, scalar_prefetch = 0 : i64, scratch_operands = 12 : i64, tpu.core_type = #tpu.core_type<sc_vector_subcore>, window_params = [{transform_indices = #map}, {transform_indices = #map1}, {transform_indices = #map}]} {
    %mul3A = arith.constant 2 : i32
    %mul3A_0 = arith.muli %arg1, %mul3A : i32
    %add3A = arith.addi %mul3A_0, %arg0 : i32
    %mul3A_1 = arith.constant 30720 : i32
    %mul3A_2 = arith.muli %add3A, %mul3A_1 : i32
    %iota3A = tpu.iota {dimensions = array<i32: 0>} : vector<16xi32>
    %broadcast_in_dim3A = arith.constant 0.000000e+00 : f32
    %broadcast_in_dim3A_3 = vector.broadcast %broadcast_in_dim3A : f32 to vector<16xf32>
    %swap3A = arith.constant 0 : index
    %swap3A_4 = tpu.vector_load %arg9[%swap3A] {strides = array<i32>} : memref<256xf32, #tpu.memory_space<vmem>>, vector<16xf32>,
    tpu.vector_store %arg9[%swap3A], %broadcast_in_dim3A_3 {strides = array<i32>} : memref<256xf32, #tpu.memory_space<vmem>>, vector<16xf32>,
    %swap3A_5 = arith.constant 0 : index
    %swap3A_6 = tpu.vector_load %arg10[%swap3A_5] {strides = array<i32>} : memref<256xf32, #tpu.memory_space<vmem>>, vector<16xf32>,
    tpu.vector_store %arg10[%swap3A_5], %broadcast_in_dim3A_3 {strides = array<i32>} : memref<256xf32, #tpu.memory_space<vmem>>, vector<16xf32>,
    %swap3A_7 = arith.constant 0 : index
    %swap3A_8 = tpu.vector_load %arg11[%swap3A_7] {strides = array<i32>} : memref<256xf32, #tpu.memory_space<vmem>>, vector<16xf32>,
    tpu.vector_store %arg11[%swap3A_7], %broadcast_in_dim3A_3 {strides = array<i32>} : memref<256xf32, #tpu.memory_space<vmem>>, vector<16xf32>,
    %swap3A_9 = arith.constant 16 : index
    %swap3A_10 = tpu.vector_load %arg9[%swap3A_9] {strides = array<i32>} : memref<256xf32, #tpu.memory_space<vmem>>, vector<16xf32>,
    tpu.vector_store %arg9[%swap3A_9], %broadcast_in_dim3A_3 {strides = array<i32>} : memref<256xf32, #tpu.memory_space<vmem>>, vector<16xf32>,
    %swap3A_11 = arith.constant 16 : index
    %swap3A_12 = tpu.vector_load %arg10[%swap3A_11] {strides = array<i32>} : memref<256xf32, #tpu.memory_space<vmem>>, vector<16xf32>,
    tpu.vector_store %arg10[%swap3A_11], %broadcast_in_dim3A_3 {strides = array<i32>} : memref<256xf32, #tpu.memory_space<vmem>>, vector<16xf32>,
    %swap3A_13 = arith.constant 16 : index
    %swap3A_14 = tpu.vector_load %arg11[%swap3A_13] {strides = array<i32>} : memref<256xf32, #tpu.memory_space<vmem>>, vector<16xf32>,
    tpu.vector_store %arg11[%swap3A_13], %broadcast_in_dim3A_3 {strides = array<i32>} : memref<256xf32, #tpu.memory_space<vmem>>, vector<16xf32>,
    %swap3A_15 = arith.constant 32 : index
    %swap3A_16 = tpu.vector_load %arg9[%swap3A_15] {strides = array<i32>} : memref<256xf32, #tpu.memory_space<vmem>>, vector<16xf32>,
    tpu.vector_store %arg9[%swap3A_15], %broadcast_in_dim3A_3 {strides = array<i32>} : memref<256xf32, #tpu.memory_space<vmem>>, vector<16xf32>,
    %swap3A_17 = arith.constant 32 : index
    %swap3A_18 = tpu.vector_load %arg10[%swap3A_17] {strides = array<i32>} : memref<256xf32, #tpu.memory_space<vmem>>, vector<16xf32>,
    tpu.vector_store %arg10[%swap3A_17], %broadcast_in_dim3A_3 {strides = array<i32>} : memref<256xf32, #tpu.memory_space<vmem>>, vector<16xf32>,
    %swap3A_19 = arith.constant 32 : index
    %swap3A_20 = tpu.vector_load %arg11[%swap3A_19] {strides = array<i32>} : memref<256xf32, #tpu.memory_space<vmem>>, vector<16xf32>,
    tpu.vector_store %arg11[%swap3A_19], %broadcast_in_dim3A_3 {strides = array<i32>} : memref<256xf32, #tpu.memory_space<vmem>>, vector<16xf32>,
    %swap3A_21 = arith.constant 48 : index
    %swap3A_22 = tpu.vector_load %arg9[%swap3A_21] {strides = array<i32>} : memref<256xf32, #tpu.memory_space<vmem>>, vector<16xf32>,
    tpu.vector_store %arg9[%swap3A_21], %broadcast_in_dim3A_3 {strides = array<i32>} : memref<256xf32, #tpu.memory_space<vmem>>, vector<16xf32>,
    %swap3A_23 = arith.constant 48 : index
    %swap3A_24 = tpu.vector_load %arg10[%swap3A_23] {strides = array<i32>} : memref<256xf32, #tpu.memory_space<vmem>>, vector<16xf32>,
    tpu.vector_store %arg10[%swap3A_23], %broadcast_in_dim3A_3 {strides = array<i32>} : memref<256xf32, #tpu.memory_space<vmem>>, vector<16xf32>,
    %swap3A_25 = arith.constant 48 : index
    %swap3A_26 = tpu.vector_load %arg11[%swap3A_25] {strides = array<i32>} : memref<256xf32, #tpu.memory_space<vmem>>, vector<16xf32>,
    tpu.vector_store %arg11[%swap3A_25], %broadcast_in_dim3A_3 {strides = array<i32>} : memref<256xf32, #tpu.memory_space<vmem>>, vector<16xf32>,
    %swap3A_27 = arith.constant 64 : index
    %swap3A_28 = tpu.vector_load %arg9[%swap3A_27] {strides = array<i32>} : memref<256xf32, #tpu.memory_space<vmem>>, vector<16xf32>,
    tpu.vector_store %arg9[%swap3A_27], %broadcast_in_dim3A_3 {strides = array<i32>} : memref<256xf32, #tpu.memory_space<vmem>>, vector<16xf32>,
    %swap3A_29 = arith.constant 64 : index
    %swap3A_30 = tpu.vector_load %arg10[%swap3A_29] {strides = array<i32>} : memref<256xf32, #tpu.memory_space<vmem>>, vector<16xf32>,
    tpu.vector_store %arg10[%swap3A_29], %broadcast_in_dim3A_3 {strides = array<i32>} : memref<256xf32, #tpu.memory_space<vmem>>, vector<16xf32>,
    %swap3A_31 = arith.constant 64 : index
    %swap3A_32 = tpu.vector_load %arg11[%swap3A_31] {strides = array<i32>} : memref<256xf32, #tpu.memory_space<vmem>>, vector<16xf32>,
    tpu.vector_store %arg11[%swap3A_31], %broadcast_in_dim3A_3 {strides = array<i32>} : memref<256xf32, #tpu.memory_space<vmem>>, vector<16xf32>,
    %swap3A_33 = arith.constant 80 : index
    %swap3A_34 = tpu.vector_load %arg9[%swap3A_33] {strides = array<i32>} : memref<256xf32, #tpu.memory_space<vmem>>, vector<16xf32>,
    tpu.vector_store %arg9[%swap3A_33], %broadcast_in_dim3A_3 {strides = array<i32>} : memref<256xf32, #tpu.memory_space<vmem>>, vector<16xf32>,
    %swap3A_35 = arith.constant 80 : index
    %swap3A_36 = tpu.vector_load %arg10[%swap3A_35] {strides = array<i32>} : memref<256xf32, #tpu.memory_space<vmem>>, vector<16xf32>,
    tpu.vector_store %arg10[%swap3A_35], %broadcast_in_dim3A_3 {strides = array<i32>} : memref<256xf32, #tpu.memory_space<vmem>>, vector<16xf32>,
    %swap3A_37 = arith.constant 80 : index
    %swap3A_38 = tpu.vector_load %arg11[%swap3A_37] {strides = array<i32>} : memref<256xf32, #tpu.memory_space<vmem>>, vector<16xf32>,
    tpu.vector_store %arg11[%swap3A_37], %broadcast_in_dim3A_3 {strides = array<i32>} : memref<256xf32, #tpu.memory_space<vmem>>, vector<16xf32>,
    %swap3A_39 = arith.constant 96 : index
    %swap3A_40 = tpu.vector_load %arg9[%swap3A_39] {strides = array<i32>} : memref<256xf32, #tpu.memory_space<vmem>>, vector<16xf32>,
    tpu.vector_store %arg9[%swap3A_39], %broadcast_in_dim3A_3 {strides = array<i32>} : memref<256xf32, #tpu.memory_space<vmem>>, vector<16xf32>,
    %swap3A_41 = arith.constant 96 : index
    %swap3A_42 = tpu.vector_load %arg10[%swap3A_41] {strides = array<i32>} : memref<256xf32, #tpu.memory_space<vmem>>, vector<16xf32>,
    tpu.vector_store %arg10[%swap3A_41], %broadcast_in_dim3A_3 {strides = array<i32>} : memref<256xf32, #tpu.memory_space<vmem>>, vector<16xf32>,
    %swap3A_43 = arith.constant 96 : index
    %swap3A_44 = tpu.vector_load %arg11[%swap3A_43] {strides = array<i32>} : memref<256xf32, #tpu.memory_space<vmem>>, vector<16xf32>,
    tpu.vector_store %arg11[%swap3A_43], %broadcast_in_dim3A_3 {strides = array<i32>} : memref<256xf32, #tpu.memory_space<vmem>>, vector<16xf32>,
    %swap3A_45 = arith.constant 112 : index
    %swap3A_46 = tpu.vector_load %arg9[%swap3A_45] {strides = array<i32>} : memref<256xf32, #tpu.memory_space<vmem>>, vector<16xf32>,
    tpu.vector_store %arg9[%swap3A_45], %broadcast_in_dim3A_3 {strides = array<i32>} : memref<256xf32, #tpu.memory_space<vmem>>, vector<16xf32>,
    %swap3A_47 = arith.constant 112 : index
    %swap3A_48 = tpu.vector_load %arg10[%swap3A_47] {strides = array<i32>} : memref<256xf32, #tpu.memory_space<vmem>>, vector<16xf32>,
    tpu.vector_store %arg10[%swap3A_47], %broadcast_in_dim3A_3 {strides = array<i32>} : memref<256xf32, #tpu.memory_space<vmem>>, vector<16xf32>,
    %swap3A_49 = arith.constant 112 : index
    %swap3A_50 = tpu.vector_load %arg11[%swap3A_49] {strides = array<i32>} : memref<256xf32, #tpu.memory_space<vmem>>, vector<16xf32>,
    tpu.vector_store %arg11[%swap3A_49], %broadcast_in_dim3A_3 {strides = array<i32>} : memref<256xf32, #tpu.memory_space<vmem>>, vector<16xf32>,
    %swap3A_51 = arith.constant 128 : index
    %swap3A_52 = tpu.vector_load %arg9[%swap3A_51] {strides = array<i32>} : memref<256xf32, #tpu.memory_space<vmem>>, vector<16xf32>,
    tpu.vector_store %arg9[%swap3A_51], %broadcast_in_dim3A_3 {strides = array<i32>} : memref<256xf32, #tpu.memory_space<vmem>>, vector<16xf32>,
    %swap3A_53 = arith.constant 128 : index
    %swap3A_54 = tpu.vector_load %arg10[%swap3A_53] {strides = array<i32>} : memref<256xf32, #tpu.memory_space<vmem>>, vector<16xf32>,
    tpu.vector_store %arg10[%swap3A_53], %broadcast_in_dim3A_3 {strides = array<i32>} : memref<256xf32, #tpu.memory_space<vmem>>, vector<16xf32>,
    %swap3A_55 = arith.constant 128 : index
    %swap3A_56 = tpu.vector_load %arg11[%swap3A_55] {strides = array<i32>} : memref<256xf32, #tpu.memory_space<vmem>>, vector<16xf32>,
    tpu.vector_store %arg11[%swap3A_55], %broadcast_in_dim3A_3 {strides = array<i32>} : memref<256xf32, #tpu.memory_space<vmem>>, vector<16xf32>,
    %swap3A_57 = arith.constant 144 : index
    %swap3A_58 = tpu.vector_load %arg9[%swap3A_57] {strides = array<i32>} : memref<256xf32, #tpu.memory_space<vmem>>, vector<16xf32>,
    tpu.vector_store %arg9[%swap3A_57], %broadcast_in_dim3A_3 {strides = array<i32>} : memref<256xf32, #tpu.memory_space<vmem>>, vector<16xf32>,
    %swap3A_59 = arith.constant 144 : index
    %swap3A_60 = tpu.vector_load %arg10[%swap3A_59] {strides = array<i32>} : memref<256xf32, #tpu.memory_space<vmem>>, vector<16xf32>,
    tpu.vector_store %arg10[%swap3A_59], %broadcast_in_dim3A_3 {strides = array<i32>} : memref<256xf32, #tpu.memory_space<vmem>>, vector<16xf32>,
    %swap3A_61 = arith.constant 144 : index
    %swap3A_62 = tpu.vector_load %arg11[%swap3A_61] {strides = array<i32>} : memref<256xf32, #tpu.memory_space<vmem>>, vector<16xf32>,
    tpu.vector_store %arg11[%swap3A_61], %broadcast_in_dim3A_3 {strides = array<i32>} : memref<256xf32, #tpu.memory_space<vmem>>, vector<16xf32>,
    %swap3A_63 = arith.constant 160 : index
    %swap3A_64 = tpu.vector_load %arg9[%swap3A_63] {strides = array<i32>} : memref<256xf32, #tpu.memory_space<vmem>>, vector<16xf32>,
    tpu.vector_store %arg9[%swap3A_63], %broadcast_in_dim3A_3 {strides = array<i32>} : memref<256xf32, #tpu.memory_space<vmem>>, vector<16xf32>,
    %swap3A_65 = arith.constant 160 : index
    %swap3A_66 = tpu.vector_load %arg10[%swap3A_65] {strides = array<i32>} : memref<256xf32, #tpu.memory_space<vmem>>, vector<16xf32>,
    tpu.vector_store %arg10[%swap3A_65], %broadcast_in_dim3A_3 {strides = array<i32>} : memref<256xf32, #tpu.memory_space<vmem>>, vector<16xf32>,
    %swap3A_67 = arith.constant 160 : index
    %swap3A_68 = tpu.vector_load %arg11[%swap3A_67] {strides = array<i32>} : memref<256xf32, #tpu.memory_space<vmem>>, vector<16xf32>,
    tpu.vector_store %arg11[%swap3A_67], %broadcast_in_dim3A_3 {strides = array<i32>} : memref<256xf32, #tpu.memory_space<vmem>>, vector<16xf32>,
    %swap3A_69 = arith.constant 176 : index
    %swap3A_70 = tpu.vector_load %arg9[%swap3A_69] {strides = array<i32>} : memref<256xf32, #tpu.memory_space<vmem>>, vector<16xf32>,
    tpu.vector_store %arg9[%swap3A_69], %broadcast_in_dim3A_3 {strides = array<i32>} : memref<256xf32, #tpu.memory_space<vmem>>, vector<16xf32>,
    %swap3A_71 = arith.constant 176 : index
    %swap3A_72 = tpu.vector_load %arg10[%swap3A_71] {strides = array<i32>} : memref<256xf32, #tpu.memory_space<vmem>>, vector<16xf32>,
    tpu.vector_store %arg10[%swap3A_71], %broadcast_in_dim3A_3 {strides = array<i32>} : memref<256xf32, #tpu.memory_space<vmem>>, vector<16xf32>,
    %swap3A_73 = arith.constant 176 : index
    %swap3A_74 = tpu.vector_load %arg11[%swap3A_73] {strides = array<i32>} : memref<256xf32, #tpu.memory_space<vmem>>, vector<16xf32>,
    tpu.vector_store %arg11[%swap3A_73], %broadcast_in_dim3A_3 {strides = array<i32>} : memref<256xf32, #tpu.memory_space<vmem>>, vector<16xf32>,
    %swap3A_75 = arith.constant 192 : index
    %swap3A_76 = tpu.vector_load %arg9[%swap3A_75] {strides = array<i32>} : memref<256xf32, #tpu.memory_space<vmem>>, vector<16xf32>,
    tpu.vector_store %arg9[%swap3A_75], %broadcast_in_dim3A_3 {strides = array<i32>} : memref<256xf32, #tpu.memory_space<vmem>>, vector<16xf32>,
    %swap3A_77 = arith.constant 192 : index
    %swap3A_78 = tpu.vector_load %arg10[%swap3A_77] {strides = array<i32>} : memref<256xf32, #tpu.memory_space<vmem>>, vector<16xf32>,
    tpu.vector_store %arg10[%swap3A_77], %broadcast_in_dim3A_3 {strides = array<i32>} : memref<256xf32, #tpu.memory_space<vmem>>, vector<16xf32>,
    %swap3A_79 = arith.constant 192 : index
    %swap3A_80 = tpu.vector_load %arg11[%swap3A_79] {strides = array<i32>} : memref<256xf32, #tpu.memory_space<vmem>>, vector<16xf32>,
    tpu.vector_store %arg11[%swap3A_79], %broadcast_in_dim3A_3 {strides = array<i32>} : memref<256xf32, #tpu.memory_space<vmem>>, vector<16xf32>,
    %swap3A_81 = arith.constant 208 : index
    %swap3A_82 = tpu.vector_load %arg9[%swap3A_81] {strides = array<i32>} : memref<256xf32, #tpu.memory_space<vmem>>, vector<16xf32>,
    tpu.vector_store %arg9[%swap3A_81], %broadcast_in_dim3A_3 {strides = array<i32>} : memref<256xf32, #tpu.memory_space<vmem>>, vector<16xf32>,
    %swap3A_83 = arith.constant 208 : index
    %swap3A_84 = tpu.vector_load %arg10[%swap3A_83] {strides = array<i32>} : memref<256xf32, #tpu.memory_space<vmem>>, vector<16xf32>,
    tpu.vector_store %arg10[%swap3A_83], %broadcast_in_dim3A_3 {strides = array<i32>} : memref<256xf32, #tpu.memory_space<vmem>>, vector<16xf32>,
    %swap3A_85 = arith.constant 208 : index
    %swap3A_86 = tpu.vector_load %arg11[%swap3A_85] {strides = array<i32>} : memref<256xf32, #tpu.memory_space<vmem>>, vector<16xf32>,
    tpu.vector_store %arg11[%swap3A_85], %broadcast_in_dim3A_3 {strides = array<i32>} : memref<256xf32, #tpu.memory_space<vmem>>, vector<16xf32>,
    %swap3A_87 = arith.constant 224 : index
    %swap3A_88 = tpu.vector_load %arg9[%swap3A_87] {strides = array<i32>} : memref<256xf32, #tpu.memory_space<vmem>>, vector<16xf32>,
    tpu.vector_store %arg9[%swap3A_87], %broadcast_in_dim3A_3 {strides = array<i32>} : memref<256xf32, #tpu.memory_space<vmem>>, vector<16xf32>,
    %swap3A_89 = arith.constant 224 : index
    %swap3A_90 = tpu.vector_load %arg10[%swap3A_89] {strides = array<i32>} : memref<256xf32, #tpu.memory_space<vmem>>, vector<16xf32>,
    tpu.vector_store %arg10[%swap3A_89], %broadcast_in_dim3A_3 {strides = array<i32>} : memref<256xf32, #tpu.memory_space<vmem>>, vector<16xf32>,
    %swap3A_91 = arith.constant 224 : index
    %swap3A_92 = tpu.vector_load %arg11[%swap3A_91] {strides = array<i32>} : memref<256xf32, #tpu.memory_space<vmem>>, vector<16xf32>,
    tpu.vector_store %arg11[%swap3A_91], %broadcast_in_dim3A_3 {strides = array<i32>} : memref<256xf32, #tpu.memory_space<vmem>>, vector<16xf32>,
    %swap3A_93 = arith.constant 240 : index
    %swap3A_94 = tpu.vector_load %arg9[%swap3A_93] {strides = array<i32>} : memref<256xf32, #tpu.memory_space<vmem>>, vector<16xf32>,
    tpu.vector_store %arg9[%swap3A_93], %broadcast_in_dim3A_3 {strides = array<i32>} : memref<256xf32, #tpu.memory_space<vmem>>, vector<16xf32>,
    %swap3A_95 = arith.constant 240 : index
    %swap3A_96 = tpu.vector_load %arg10[%swap3A_95] {strides = array<i32>} : memref<256xf32, #tpu.memory_space<vmem>>, vector<16xf32>,
    tpu.vector_store %arg10[%swap3A_95], %broadcast_in_dim3A_3 {strides = array<i32>} : memref<256xf32, #tpu.memory_space<vmem>>, vector<16xf32>,
    %swap3A_97 = arith.constant 240 : index
    %swap3A_98 = tpu.vector_load %arg11[%swap3A_97] {strides = array<i32>} : memref<256xf32, #tpu.memory_space<vmem>>, vector<16xf32>,
    tpu.vector_store %arg11[%swap3A_97], %broadcast_in_dim3A_3 {strides = array<i32>} : memref<256xf32, #tpu.memory_space<vmem>>, vector<16xf32>,
    %add3A_99 = arith.constant 0 : i32
    %add3A_100 = arith.addi %mul3A_2, %add3A_99 : i32
    %dma_start3A = arith.constant 0 : i32
    %dma_start3A_101 = tpu.memref_slice %arg2[%add3A_100, %dma_start3A] : memref<1000000x64xf32, #tpu.memory_space<hbm>> -> memref<480x64xf32, #tpu.memory_space<hbm>>
    %dma_start3A_102 = arith.constant 0 : i32
    %dma_start3A_103 = tpu.memref_slice %arg2[%add3A_100, %dma_start3A_102] : memref<1000000x64xf32, #tpu.memory_space<hbm>> -> memref<480x64xf32, #tpu.memory_space<hbm>>
    tpu.enqueue_dma source(%dma_start3A_103 : memref<480x64xf32, #tpu.memory_space<hbm>>) target(%arg5 : memref<480x64xf32, #tpu.memory_space<vmem>>) target_semaphore(%arg13 : memref<!tpu.dma_semaphore, #tpu.memory_space<semaphore_mem>>)
    %add3A_104 = arith.constant 0 : i32
    %add3A_105 = arith.addi %mul3A_2, %add3A_104 : i32
    %dma_start3A_106 = tpu.memref_slice %arg3[%add3A_105] : memref<1000000xi32, #tpu.memory_space<hbm>> -> memref<480xi32, #tpu.memory_space<hbm>>
    %dma_start3A_107 = tpu.memref_slice %arg3[%add3A_105] : memref<1000000xi32, #tpu.memory_space<hbm>> -> memref<480xi32, #tpu.memory_space<hbm>>
    tpu.enqueue_dma source(%dma_start3A_107 : memref<480xi32, #tpu.memory_space<hbm>>) target(%arg7 : memref<480xi32, #tpu.memory_space<vmem>>) target_semaphore(%arg15 : memref<!tpu.dma_semaphore, #tpu.memory_space<semaphore_mem>>)
    %scan3A = arith.constant 0 : i32
    %scan3A_108 = arith.constant 0 : i32
    %scan3A_109 = arith.constant 32 : i32
    %scan3A_110 = arith.addi %scan3A_108, %scan3A_109 : i32
    %scan3A_111 = arith.constant 1 : i32
    scf.for %scan3A_358 = %scan3A_108 to %scan3A_110 step %scan3A_111  : i32 {
      %mul3A_359 = arith.constant 2 : i32
      %mul3A_360 = arith.muli %scan3A_358, %mul3A_359 : i32
      %add3A_361 = arith.constant 1 : i32
      %add3A_362 = arith.addi %mul3A_360, %add3A_361 : i32
      %mul3A_363 = arith.constant 480 : i32
      %mul3A_364 = arith.muli %add3A_362, %mul3A_363 : i32
      %add3A_365 = arith.addi %mul3A_2, %mul3A_364 : i32
      %dma_start3A_366 = arith.constant 0 : i32
      %dma_start3A_367 = tpu.memref_slice %arg2[%add3A_365, %dma_start3A_366] : memref<1000000x64xf32, #tpu.memory_space<hbm>> -> memref<480x64xf32, #tpu.memory_space<hbm>>
      %dma_start3A_368 = arith.constant 0 : i32
      %dma_start3A_369 = tpu.memref_slice %arg2[%add3A_365, %dma_start3A_368] : memref<1000000x64xf32, #tpu.memory_space<hbm>> -> memref<480x64xf32, #tpu.memory_space<hbm>>
      tpu.enqueue_dma source(%dma_start3A_369 : memref<480x64xf32, #tpu.memory_space<hbm>>) target(%arg6 : memref<480x64xf32, #tpu.memory_space<vmem>>) target_semaphore(%arg14 : memref<!tpu.dma_semaphore, #tpu.memory_space<semaphore_mem>>)
      %add3A_370 = arith.constant 1 : i32
      %add3A_371 = arith.addi %mul3A_360, %add3A_370 : i32
      %mul3A_372 = arith.constant 480 : i32
      %mul3A_373 = arith.muli %add3A_371, %mul3A_372 : i32
      %add3A_374 = arith.addi %mul3A_2, %mul3A_373 : i32
      %dma_start3A_375 = tpu.memref_slice %arg3[%add3A_374] : memref<1000000xi32, #tpu.memory_space<hbm>> -> memref<480xi32, #tpu.memory_space<hbm>>
      %dma_start3A_376 = tpu.memref_slice %arg3[%add3A_374] : memref<1000000xi32, #tpu.memory_space<hbm>> -> memref<480xi32, #tpu.memory_space<hbm>>
      tpu.enqueue_dma source(%dma_start3A_376 : memref<480xi32, #tpu.memory_space<hbm>>) target(%arg8 : memref<480xi32, #tpu.memory_space<vmem>>) target_semaphore(%arg16 : memref<!tpu.dma_semaphore, #tpu.memory_space<semaphore_mem>>)
      %mul3A_377 = arith.constant 480 : i32
      %mul3A_378 = arith.muli %mul3A_360, %mul3A_377 : i32
      %add3A_379 = arith.addi %mul3A_2, %mul3A_378 : i32
      %dma_wait3A = arith.constant 0 : i32
      %dma_wait3A_380 = tpu.memref_slice %arg2[%add3A_379, %dma_wait3A] : memref<1000000x64xf32, #tpu.memory_space<hbm>> -> memref<480x64xf32, #tpu.memory_space<hbm>>
      %dma_wait3A_381 = arith.constant 0 : i32
      %dma_wait3A_382 = tpu.memref_slice %arg2[%add3A_379, %dma_wait3A_381] : memref<1000000x64xf32, #tpu.memory_space<hbm>> -> memref<480x64xf32, #tpu.memory_space<hbm>>
      tpu.wait_dma2 semaphore(%arg13 : memref<!tpu.dma_semaphore, #tpu.memory_space<semaphore_mem>>) src(%dma_wait3A_382 : memref<480x64xf32, #tpu.memory_space<hbm>>) dst(%arg5 : memref<480x64xf32, #tpu.memory_space<vmem>>)
      %mul3A_383 = arith.constant 480 : i32
      %mul3A_384 = arith.muli %mul3A_360, %mul3A_383 : i32
      %add3A_385 = arith.addi %mul3A_2, %mul3A_384 : i32
      %dma_wait3A_386 = tpu.memref_slice %arg3[%add3A_385] : memref<1000000xi32, #tpu.memory_space<hbm>> -> memref<480xi32, #tpu.memory_space<hbm>>
      %dma_wait3A_387 = tpu.memref_slice %arg3[%add3A_385] : memref<1000000xi32, #tpu.memory_space<hbm>> -> memref<480xi32, #tpu.memory_space<hbm>>
      tpu.wait_dma2 semaphore(%arg15 : memref<!tpu.dma_semaphore, #tpu.memory_space<semaphore_mem>>) src(%dma_wait3A_387 : memref<480xi32, #tpu.memory_space<hbm>>) dst(%arg7 : memref<480xi32, #tpu.memory_space<vmem>>)
      %scan3A_388 = arith.constant 0 : i32
      %scan3A_389 = arith.constant 0 : i32
      %scan3A_390 = arith.constant 30 : i32
      %scan3A_391 = arith.addi %scan3A_389, %scan3A_390 : i32
      %scan3A_392 = arith.constant 1 : i32
      scf.for %scan3A_418 = %scan3A_389 to %scan3A_391 step %scan3A_392  : i32 {
        %iota3A_419 = tpu.iota {dimensions = array<i32: 0>} : vector<16xi32>
        %mul3A_420 = arith.constant 16 : i32
        %mul3A_421 = arith.muli %scan3A_418, %mul3A_420 : i32
        %add3A_422 = vector.broadcast %mul3A_421 : i32 to vector<16xi32>
        %add3A_423 = arith.addi %add3A_422, %iota3A_419 : vector<16xi32>
        %broadcast_in_dim3A_424 = arith.constant 0xFF800000 : f32
        %broadcast_in_dim3A_425 = vector.broadcast %broadcast_in_dim3A_424 : f32 to vector<16xf32>
        %broadcast_in_dim3A_426 = arith.constant 0xFF800000 : f32
        %broadcast_in_dim3A_427 = vector.broadcast %broadcast_in_dim3A_426 : f32 to vector<16xf32>
        %broadcast_in_dim3A_428 = arith.constant 0xFF800000 : f32
        %broadcast_in_dim3A_429 = vector.broadcast %broadcast_in_dim3A_428 : f32 to vector<16xf32>
        %broadcast_in_dim3A_430 = arith.constant 0xFF800000 : f32
        %broadcast_in_dim3A_431 = vector.broadcast %broadcast_in_dim3A_430 : f32 to vector<16xf32>
        %broadcast_in_dim3A_432 = arith.constant 0.000000e+00 : f32
        %broadcast_in_dim3A_433 = vector.broadcast %broadcast_in_dim3A_432 : f32 to vector<16xf32>
        %broadcast_in_dim3A_434 = arith.constant 0.000000e+00 : f32
        %broadcast_in_dim3A_435 = vector.broadcast %broadcast_in_dim3A_434 : f32 to vector<16xf32>
        %broadcast_in_dim3A_436 = arith.constant 0.000000e+00 : f32
        %broadcast_in_dim3A_437 = vector.broadcast %broadcast_in_dim3A_436 : f32 to vector<16xf32>
        %broadcast_in_dim3A_438 = arith.constant 0.000000e+00 : f32
        %broadcast_in_dim3A_439 = vector.broadcast %broadcast_in_dim3A_438 : f32 to vector<16xf32>
        %add3A_440 = arith.constant 0 : i32
        %add3A_441 = vector.broadcast %add3A_440 : i32 to vector<16xi32>
        %add3A_442 = arith.addi %iota3A_419, %add3A_441 : vector<16xi32>
        %and3A = arith.constant 63 : i32
        %and3A_443 = vector.broadcast %and3A : i32 to vector<16xi32>
        %and3A_444 = arith.andi %add3A_442, %and3A_443 : vector<16xi32>
        %gather3A_445 = tpu.vector_load_idx %arg5[%add3A_423, %and3A_444] : memref<480x64xf32, #tpu.memory_space<vmem>>[vector<16xi32>, vector<16xi32>], vector<16xf32>,
        %exp3A = math.exp %gather3A_445 : vector<16xf32>
        %add3A_446 = arith.addf %broadcast_in_dim3A_433, %exp3A : vector<16xf32>
        %max3A = arith.maximumf %broadcast_in_dim3A_425, %gather3A_445 : vector<16xf32>
        %add3A_447 = arith.constant 1 : i32
        %add3A_448 = vector.broadcast %add3A_447 : i32 to vector<16xi32>
        %add3A_449 = arith.addi %iota3A_419, %add3A_448 : vector<16xi32>
        %and3A_450 = arith.constant 63 : i32
        %and3A_451 = vector.broadcast %and3A_450 : i32 to vector<16xi32>
        %and3A_452 = arith.andi %add3A_449, %and3A_451 : vector<16xi32>
        %gather3A_453 = tpu.vector_load_idx %arg5[%add3A_423, %and3A_452] : memref<480x64xf32, #tpu.memory_space<vmem>>[vector<16xi32>, vector<16xi32>], vector<16xf32>,
        %exp3A_454 = math.exp %gather3A_453 : vector<16xf32>
        %add3A_455 = arith.addf %broadcast_in_dim3A_435, %exp3A_454 : vector<16xf32>
        %max3A_456 = arith.maximumf %broadcast_in_dim3A_427, %gather3A_453 : vector<16xf32>
        %add3A_457 = arith.constant 2 : i32
        %add3A_458 = vector.broadcast %add3A_457 : i32 to vector<16xi32>
        %add3A_459 = arith.addi %iota3A_419, %add3A_458 : vector<16xi32>
        %and3A_460 = arith.constant 63 : i32
        %and3A_461 = vector.broadcast %and3A_460 : i32 to vector<16xi32>
        %and3A_462 = arith.andi %add3A_459, %and3A_461 : vector<16xi32>
        %gather3A_463 = tpu.vector_load_idx %arg5[%add3A_423, %and3A_462] : memref<480x64xf32, #tpu.memory_space<vmem>>[vector<16xi32>, vector<16xi32>], vector<16xf32>,
        %exp3A_464 = math.exp %gather3A_463 : vector<16xf32>
        %add3A_465 = arith.addf %broadcast_in_dim3A_437, %exp3A_464 : vector<16xf32>
        %max3A_466 = arith.maximumf %broadcast_in_dim3A_429, %gather3A_463 : vector<16xf32>
        %add3A_467 = arith.constant 3 : i32
        %add3A_468 = vector.broadcast %add3A_467 : i32 to vector<16xi32>
        %add3A_469 = arith.addi %iota3A_419, %add3A_468 : vector<16xi32>
        %and3A_470 = arith.constant 63 : i32
        %and3A_471 = vector.broadcast %and3A_470 : i32 to vector<16xi32>
        %and3A_472 = arith.andi %add3A_469, %and3A_471 : vector<16xi32>
        %gather3A_473 = tpu.vector_load_idx %arg5[%add3A_423, %and3A_472] : memref<480x64xf32, #tpu.memory_space<vmem>>[vector<16xi32>, vector<16xi32>], vector<16xf32>,
        %exp3A_474 = math.exp %gather3A_473 : vector<16xf32>
        %add3A_475 = arith.addf %broadcast_in_dim3A_439, %exp3A_474 : vector<16xf32>
        %max3A_476 = arith.maximumf %broadcast_in_dim3A_431, %gather3A_473 : vector<16xf32>
        %add3A_477 = arith.constant 4 : i32
        %add3A_478 = vector.broadcast %add3A_477 : i32 to vector<16xi32>
        %add3A_479 = arith.addi %iota3A_419, %add3A_478 : vector<16xi32>
        %and3A_480 = arith.constant 63 : i32
        %and3A_481 = vector.broadcast %and3A_480 : i32 to vector<16xi32>
        %and3A_482 = arith.andi %add3A_479, %and3A_481 : vector<16xi32>
        %gather3A_483 = tpu.vector_load_idx %arg5[%add3A_423, %and3A_482] : memref<480x64xf32, #tpu.memory_space<vmem>>[vector<16xi32>, vector<16xi32>], vector<16xf32>,
        %exp3A_484 = math.exp %gather3A_483 : vector<16xf32>
        %add3A_485 = arith.addf %add3A_446, %exp3A_484 : vector<16xf32>
        %max3A_486 = arith.maximumf %max3A, %gather3A_483 : vector<16xf32>
        %add3A_487 = arith.constant 5 : i32
        %add3A_488 = vector.broadcast %add3A_487 : i32 to vector<16xi32>
        %add3A_489 = arith.addi %iota3A_419, %add3A_488 : vector<16xi32>
        %and3A_490 = arith.constant 63 : i32
        %and3A_491 = vector.broadcast %and3A_490 : i32 to vector<16xi32>
        %and3A_492 = arith.andi %add3A_489, %and3A_491 : vector<16xi32>
        %gather3A_493 = tpu.vector_load_idx %arg5[%add3A_423, %and3A_492] : memref<480x64xf32, #tpu.memory_space<vmem>>[vector<16xi32>, vector<16xi32>], vector<16xf32>,
        %exp3A_494 = math.exp %gather3A_493 : vector<16xf32>
        %add3A_495 = arith.addf %add3A_455, %exp3A_494 : vector<16xf32>
        %max3A_496 = arith.maximumf %max3A_456, %gather3A_493 : vector<16xf32>
        %add3A_497 = arith.constant 6 : i32
        %add3A_498 = vector.broadcast %add3A_497 : i32 to vector<16xi32>
        %add3A_499 = arith.addi %iota3A_419, %add3A_498 : vector<16xi32>
        %and3A_500 = arith.constant 63 : i32
        %and3A_501 = vector.broadcast %and3A_500 : i32 to vector<16xi32>
        %and3A_502 = arith.andi %add3A_499, %and3A_501 : vector<16xi32>
        %gather3A_503 = tpu.vector_load_idx %arg5[%add3A_423, %and3A_502] : memref<480x64xf32, #tpu.memory_space<vmem>>[vector<16xi32>, vector<16xi32>], vector<16xf32>,
        %exp3A_504 = math.exp %gather3A_503 : vector<16xf32>
        %add3A_505 = arith.addf %add3A_465, %exp3A_504 : vector<16xf32>
        %max3A_506 = arith.maximumf %max3A_466, %gather3A_503 : vector<16xf32>
        %add3A_507 = arith.constant 7 : i32
        %add3A_508 = vector.broadcast %add3A_507 : i32 to vector<16xi32>
        %add3A_509 = arith.addi %iota3A_419, %add3A_508 : vector<16xi32>
        %and3A_510 = arith.constant 63 : i32
        %and3A_511 = vector.broadcast %and3A_510 : i32 to vector<16xi32>
        %and3A_512 = arith.andi %add3A_509, %and3A_511 : vector<16xi32>
        %gather3A_513 = tpu.vector_load_idx %arg5[%add3A_423, %and3A_512] : memref<480x64xf32, #tpu.memory_space<vmem>>[vector<16xi32>, vector<16xi32>], vector<16xf32>,
        %exp3A_514 = math.exp %gather3A_513 : vector<16xf32>
        %add3A_515 = arith.addf %add3A_475, %exp3A_514 : vector<16xf32>
        %max3A_516 = arith.maximumf %max3A_476, %gather3A_513 : vector<16xf32>
        %add3A_517 = arith.constant 8 : i32
        %add3A_518 = vector.broadcast %add3A_517 : i32 to vector<16xi32>
        %add3A_519 = arith.addi %iota3A_419, %add3A_518 : vector<16xi32>
        %and3A_520 = arith.constant 63 : i32
        %and3A_521 = vector.broadcast %and3A_520 : i32 to vector<16xi32>
        %and3A_522 = arith.andi %add3A_519, %and3A_521 : vector<16xi32>
        %gather3A_523 = tpu.vector_load_idx %arg5[%add3A_423, %and3A_522] : memref<480x64xf32, #tpu.memory_space<vmem>>[vector<16xi32>, vector<16xi32>], vector<16xf32>,
        %exp3A_524 = math.exp %gather3A_523 : vector<16xf32>
        %add3A_525 = arith.addf %add3A_485, %exp3A_524 : vector<16xf32>
        %max3A_526 = arith.maximumf %max3A_486, %gather3A_523 : vector<16xf32>
        %add3A_527 = arith.constant 9 : i32
        %add3A_528 = vector.broadcast %add3A_527 : i32 to vector<16xi32>
        %add3A_529 = arith.addi %iota3A_419, %add3A_528 : vector<16xi32>
        %and3A_530 = arith.constant 63 : i32
        %and3A_531 = vector.broadcast %and3A_530 : i32 to vector<16xi32>
        %and3A_532 = arith.andi %add3A_529, %and3A_531 : vector<16xi32>
        %gather3A_533 = tpu.vector_load_idx %arg5[%add3A_423, %and3A_532] : memref<480x64xf32, #tpu.memory_space<vmem>>[vector<16xi32>, vector<16xi32>], vector<16xf32>,
        %exp3A_534 = math.exp %gather3A_533 : vector<16xf32>
        %add3A_535 = arith.addf %add3A_495, %exp3A_534 : vector<16xf32>
        %max3A_536 = arith.maximumf %max3A_496, %gather3A_533 : vector<16xf32>
        %add3A_537 = arith.constant 10 : i32
        %add3A_538 = vector.broadcast %add3A_537 : i32 to vector<16xi32>
        %add3A_539 = arith.addi %iota3A_419, %add3A_538 : vector<16xi32>
        %and3A_540 = arith.constant 63 : i32
        %and3A_541 = vector.broadcast %and3A_540 : i32 to vector<16xi32>
        %and3A_542 = arith.andi %add3A_539, %and3A_541 : vector<16xi32>
        %gather3A_543 = tpu.vector_load_idx %arg5[%add3A_423, %and3A_542] : memref<480x64xf32, #tpu.memory_space<vmem>>[vector<16xi32>, vector<16xi32>], vector<16xf32>,
        %exp3A_544 = math.exp %gather3A_543 : vector<16xf32>
        %add3A_545 = arith.addf %add3A_505, %exp3A_544 : vector<16xf32>
        %max3A_546 = arith.maximumf %max3A_506, %gather3A_543 : vector<16xf32>
        %add3A_547 = arith.constant 11 : i32
        %add3A_548 = vector.broadcast %add3A_547 : i32 to vector<16xi32>
        %add3A_549 = arith.addi %iota3A_419, %add3A_548 : vector<16xi32>
        %and3A_550 = arith.constant 63 : i32
        %and3A_551 = vector.broadcast %and3A_550 : i32 to vector<16xi32>
        %and3A_552 = arith.andi %add3A_549, %and3A_551 : vector<16xi32>
        %gather3A_553 = tpu.vector_load_idx %arg5[%add3A_423, %and3A_552] : memref<480x64xf32, #tpu.memory_space<vmem>>[vector<16xi32>, vector<16xi32>], vector<16xf32>,
        %exp3A_554 = math.exp %gather3A_553 : vector<16xf32>
        %add3A_555 = arith.addf %add3A_515, %exp3A_554 : vector<16xf32>
        %max3A_556 = arith.maximumf %max3A_516, %gather3A_553 : vector<16xf32>
        %add3A_557 = arith.constant 12 : i32
        %add3A_558 = vector.broadcast %add3A_557 : i32 to vector<16xi32>
        %add3A_559 = arith.addi %iota3A_419, %add3A_558 : vector<16xi32>
        %and3A_560 = arith.constant 63 : i32
        %and3A_561 = vector.broadcast %and3A_560 : i32 to vector<16xi32>
        %and3A_562 = arith.andi %add3A_559, %and3A_561 : vector<16xi32>
        %gather3A_563 = tpu.vector_load_idx %arg5[%add3A_423, %and3A_562] : memref<480x64xf32, #tpu.memory_space<vmem>>[vector<16xi32>, vector<16xi32>], vector<16xf32>,
        %exp3A_564 = math.exp %gather3A_563 : vector<16xf32>
        %add3A_565 = arith.addf %add3A_525, %exp3A_564 : vector<16xf32>
        %max3A_566 = arith.maximumf %max3A_526, %gather3A_563 : vector<16xf32>
        %add3A_567 = arith.constant 13 : i32
        %add3A_568 = vector.broadcast %add3A_567 : i32 to vector<16xi32>
        %add3A_569 = arith.addi %iota3A_419, %add3A_568 : vector<16xi32>
        %and3A_570 = arith.constant 63 : i32
        %and3A_571 = vector.broadcast %and3A_570 : i32 to vector<16xi32>
        %and3A_572 = arith.andi %add3A_569, %and3A_571 : vector<16xi32>
        %gather3A_573 = tpu.vector_load_idx %arg5[%add3A_423, %and3A_572] : memref<480x64xf32, #tpu.memory_space<vmem>>[vector<16xi32>, vector<16xi32>], vector<16xf32>,
        %exp3A_574 = math.exp %gather3A_573 : vector<16xf32>
        %add3A_575 = arith.addf %add3A_535, %exp3A_574 : vector<16xf32>
        %max3A_576 = arith.maximumf %max3A_536, %gather3A_573 : vector<16xf32>
        %add3A_577 = arith.constant 14 : i32
        %add3A_578 = vector.broadcast %add3A_577 : i32 to vector<16xi32>
        %add3A_579 = arith.addi %iota3A_419, %add3A_578 : vector<16xi32>
        %and3A_580 = arith.constant 63 : i32
        %and3A_581 = vector.broadcast %and3A_580 : i32 to vector<16xi32>
        %and3A_582 = arith.andi %add3A_579, %and3A_581 : vector<16xi32>
        %gather3A_583 = tpu.vector_load_idx %arg5[%add3A_423, %and3A_582] : memref<480x64xf32, #tpu.memory_space<vmem>>[vector<16xi32>, vector<16xi32>], vector<16xf32>,
        %exp3A_584 = math.exp %gather3A_583 : vector<16xf32>
        %add3A_585 = arith.addf %add3A_545, %exp3A_584 : vector<16xf32>
        %max3A_586 = arith.maximumf %max3A_546, %gather3A_583 : vector<16xf32>
        %add3A_587 = arith.constant 15 : i32
        %add3A_588 = vector.broadcast %add3A_587 : i32 to vector<16xi32>
        %add3A_589 = arith.addi %iota3A_419, %add3A_588 : vector<16xi32>
        %and3A_590 = arith.constant 63 : i32
        %and3A_591 = vector.broadcast %and3A_590 : i32 to vector<16xi32>
        %and3A_592 = arith.andi %add3A_589, %and3A_591 : vector<16xi32>
        %gather3A_593 = tpu.vector_load_idx %arg5[%add3A_423, %and3A_592] : memref<480x64xf32, #tpu.memory_space<vmem>>[vector<16xi32>, vector<16xi32>], vector<16xf32>,
        %exp3A_594 = math.exp %gather3A_593 : vector<16xf32>
        %add3A_595 = arith.addf %add3A_555, %exp3A_594 : vector<16xf32>
        %max3A_596 = arith.maximumf %max3A_556, %gather3A_593 : vector<16xf32>
        %add3A_597 = arith.constant 16 : i32
        %add3A_598 = vector.broadcast %add3A_597 : i32 to vector<16xi32>
        %add3A_599 = arith.addi %iota3A_419, %add3A_598 : vector<16xi32>
        %and3A_600 = arith.constant 63 : i32
        %and3A_601 = vector.broadcast %and3A_600 : i32 to vector<16xi32>
        %and3A_602 = arith.andi %add3A_599, %and3A_601 : vector<16xi32>
        %gather3A_603 = tpu.vector_load_idx %arg5[%add3A_423, %and3A_602] : memref<480x64xf32, #tpu.memory_space<vmem>>[vector<16xi32>, vector<16xi32>], vector<16xf32>,
        %exp3A_604 = math.exp %gather3A_603 : vector<16xf32>
        %add3A_605 = arith.addf %add3A_565, %exp3A_604 : vector<16xf32>
        %max3A_606 = arith.maximumf %max3A_566, %gather3A_603 : vector<16xf32>
        %add3A_607 = arith.constant 17 : i32
        %add3A_608 = vector.broadcast %add3A_607 : i32 to vector<16xi32>
        %add3A_609 = arith.addi %iota3A_419, %add3A_608 : vector<16xi32>
        %and3A_610 = arith.constant 63 : i32
        %and3A_611 = vector.broadcast %and3A_610 : i32 to vector<16xi32>
        %and3A_612 = arith.andi %add3A_609, %and3A_611 : vector<16xi32>
        %gather3A_613 = tpu.vector_load_idx %arg5[%add3A_423, %and3A_612] : memref<480x64xf32, #tpu.memory_space<vmem>>[vector<16xi32>, vector<16xi32>], vector<16xf32>,
        %exp3A_614 = math.exp %gather3A_613 : vector<16xf32>
        %add3A_615 = arith.addf %add3A_575, %exp3A_614 : vector<16xf32>
        %max3A_616 = arith.maximumf %max3A_576, %gather3A_613 : vector<16xf32>
        %add3A_617 = arith.constant 18 : i32
        %add3A_618 = vector.broadcast %add3A_617 : i32 to vector<16xi32>
        %add3A_619 = arith.addi %iota3A_419, %add3A_618 : vector<16xi32>
        %and3A_620 = arith.constant 63 : i32
        %and3A_621 = vector.broadcast %and3A_620 : i32 to vector<16xi32>
        %and3A_622 = arith.andi %add3A_619, %and3A_621 : vector<16xi32>
        %gather3A_623 = tpu.vector_load_idx %arg5[%add3A_423, %and3A_622] : memref<480x64xf32, #tpu.memory_space<vmem>>[vector<16xi32>, vector<16xi32>], vector<16xf32>,
        %exp3A_624 = math.exp %gather3A_623 : vector<16xf32>
        %add3A_625 = arith.addf %add3A_585, %exp3A_624 : vector<16xf32>
        %max3A_626 = arith.maximumf %max3A_586, %gather3A_623 : vector<16xf32>
        %add3A_627 = arith.constant 19 : i32
        %add3A_628 = vector.broadcast %add3A_627 : i32 to vector<16xi32>
        %add3A_629 = arith.addi %iota3A_419, %add3A_628 : vector<16xi32>
        %and3A_630 = arith.constant 63 : i32
        %and3A_631 = vector.broadcast %and3A_630 : i32 to vector<16xi32>
        %and3A_632 = arith.andi %add3A_629, %and3A_631 : vector<16xi32>
        %gather3A_633 = tpu.vector_load_idx %arg5[%add3A_423, %and3A_632] : memref<480x64xf32, #tpu.memory_space<vmem>>[vector<16xi32>, vector<16xi32>], vector<16xf32>,
        %exp3A_634 = math.exp %gather3A_633 : vector<16xf32>
        %add3A_635 = arith.addf %add3A_595, %exp3A_634 : vector<16xf32>
        %max3A_636 = arith.maximumf %max3A_596, %gather3A_633 : vector<16xf32>
        %add3A_637 = arith.constant 20 : i32
        %add3A_638 = vector.broadcast %add3A_637 : i32 to vector<16xi32>
        %add3A_639 = arith.addi %iota3A_419, %add3A_638 : vector<16xi32>
        %and3A_640 = arith.constant 63 : i32
        %and3A_641 = vector.broadcast %and3A_640 : i32 to vector<16xi32>
        %and3A_642 = arith.andi %add3A_639, %and3A_641 : vector<16xi32>
        %gather3A_643 = tpu.vector_load_idx %arg5[%add3A_423, %and3A_642] : memref<480x64xf32, #tpu.memory_space<vmem>>[vector<16xi32>, vector<16xi32>], vector<16xf32>,
        %exp3A_644 = math.exp %gather3A_643 : vector<16xf32>
        %add3A_645 = arith.addf %add3A_605, %exp3A_644 : vector<16xf32>
        %max3A_646 = arith.maximumf %max3A_606, %gather3A_643 : vector<16xf32>
        %add3A_647 = arith.constant 21 : i32
        %add3A_648 = vector.broadcast %add3A_647 : i32 to vector<16xi32>
        %add3A_649 = arith.addi %iota3A_419, %add3A_648 : vector<16xi32>
        %and3A_650 = arith.constant 63 : i32
        %and3A_651 = vector.broadcast %and3A_650 : i32 to vector<16xi32>
        %and3A_652 = arith.andi %add3A_649, %and3A_651 : vector<16xi32>
        %gather3A_653 = tpu.vector_load_idx %arg5[%add3A_423, %and3A_652] : memref<480x64xf32, #tpu.memory_space<vmem>>[vector<16xi32>, vector<16xi32>], vector<16xf32>,
        %exp3A_654 = math.exp %gather3A_653 : vector<16xf32>
        %add3A_655 = arith.addf %add3A_615, %exp3A_654 : vector<16xf32>
        %max3A_656 = arith.maximumf %max3A_616, %gather3A_653 : vector<16xf32>
        %add3A_657 = arith.constant 22 : i32
        %add3A_658 = vector.broadcast %add3A_657 : i32 to vector<16xi32>
        %add3A_659 = arith.addi %iota3A_419, %add3A_658 : vector<16xi32>
        %and3A_660 = arith.constant 63 : i32
        %and3A_661 = vector.broadcast %and3A_660 : i32 to vector<16xi32>
        %and3A_662 = arith.andi %add3A_659, %and3A_661 : vector<16xi32>
        %gather3A_663 = tpu.vector_load_idx %arg5[%add3A_423, %and3A_662] : memref<480x64xf32, #tpu.memory_space<vmem>>[vector<16xi32>, vector<16xi32>], vector<16xf32>,
        %exp3A_664 = math.exp %gather3A_663 : vector<16xf32>
        %add3A_665 = arith.addf %add3A_625, %exp3A_664 : vector<16xf32>
        %max3A_666 = arith.maximumf %max3A_626, %gather3A_663 : vector<16xf32>
        %add3A_667 = arith.constant 23 : i32
        %add3A_668 = vector.broadcast %add3A_667 : i32 to vector<16xi32>
        %add3A_669 = arith.addi %iota3A_419, %add3A_668 : vector<16xi32>
        %and3A_670 = arith.constant 63 : i32
        %and3A_671 = vector.broadcast %and3A_670 : i32 to vector<16xi32>
        %and3A_672 = arith.andi %add3A_669, %and3A_671 : vector<16xi32>
        %gather3A_673 = tpu.vector_load_idx %arg5[%add3A_423, %and3A_672] : memref<480x64xf32, #tpu.memory_space<vmem>>[vector<16xi32>, vector<16xi32>], vector<16xf32>,
        %exp3A_674 = math.exp %gather3A_673 : vector<16xf32>
        %add3A_675 = arith.addf %add3A_635, %exp3A_674 : vector<16xf32>
        %max3A_676 = arith.maximumf %max3A_636, %gather3A_673 : vector<16xf32>
        %add3A_677 = arith.constant 24 : i32
        %add3A_678 = vector.broadcast %add3A_677 : i32 to vector<16xi32>
        %add3A_679 = arith.addi %iota3A_419, %add3A_678 : vector<16xi32>
        %and3A_680 = arith.constant 63 : i32
        %and3A_681 = vector.broadcast %and3A_680 : i32 to vector<16xi32>
        %and3A_682 = arith.andi %add3A_679, %and3A_681 : vector<16xi32>
        %gather3A_683 = tpu.vector_load_idx %arg5[%add3A_423, %and3A_682] : memref<480x64xf32, #tpu.memory_space<vmem>>[vector<16xi32>, vector<16xi32>], vector<16xf32>,
        %exp3A_684 = math.exp %gather3A_683 : vector<16xf32>
        %add3A_685 = arith.addf %add3A_645, %exp3A_684 : vector<16xf32>
        %max3A_686 = arith.maximumf %max3A_646, %gather3A_683 : vector<16xf32>
        %add3A_687 = arith.constant 25 : i32
        %add3A_688 = vector.broadcast %add3A_687 : i32 to vector<16xi32>
        %add3A_689 = arith.addi %iota3A_419, %add3A_688 : vector<16xi32>
        %and3A_690 = arith.constant 63 : i32
        %and3A_691 = vector.broadcast %and3A_690 : i32 to vector<16xi32>
        %and3A_692 = arith.andi %add3A_689, %and3A_691 : vector<16xi32>
        %gather3A_693 = tpu.vector_load_idx %arg5[%add3A_423, %and3A_692] : memref<480x64xf32, #tpu.memory_space<vmem>>[vector<16xi32>, vector<16xi32>], vector<16xf32>,
        %exp3A_694 = math.exp %gather3A_693 : vector<16xf32>
        %add3A_695 = arith.addf %add3A_655, %exp3A_694 : vector<16xf32>
        %max3A_696 = arith.maximumf %max3A_656, %gather3A_693 : vector<16xf32>
        %add3A_697 = arith.constant 26 : i32
        %add3A_698 = vector.broadcast %add3A_697 : i32 to vector<16xi32>
        %add3A_699 = arith.addi %iota3A_419, %add3A_698 : vector<16xi32>
        %and3A_700 = arith.constant 63 : i32
        %and3A_701 = vector.broadcast %and3A_700 : i32 to vector<16xi32>
        %and3A_702 = arith.andi %add3A_699, %and3A_701 : vector<16xi32>
        %gather3A_703 = tpu.vector_load_idx %arg5[%add3A_423, %and3A_702] : memref<480x64xf32, #tpu.memory_space<vmem>>[vector<16xi32>, vector<16xi32>], vector<16xf32>,
        %exp3A_704 = math.exp %gather3A_703 : vector<16xf32>
        %add3A_705 = arith.addf %add3A_665, %exp3A_704 : vector<16xf32>
        %max3A_706 = arith.maximumf %max3A_666, %gather3A_703 : vector<16xf32>
        %add3A_707 = arith.constant 27 : i32
        %add3A_708 = vector.broadcast %add3A_707 : i32 to vector<16xi32>
        %add3A_709 = arith.addi %iota3A_419, %add3A_708 : vector<16xi32>
        %and3A_710 = arith.constant 63 : i32
        %and3A_711 = vector.broadcast %and3A_710 : i32 to vector<16xi32>
        %and3A_712 = arith.andi %add3A_709, %and3A_711 : vector<16xi32>
        %gather3A_713 = tpu.vector_load_idx %arg5[%add3A_423, %and3A_712] : memref<480x64xf32, #tpu.memory_space<vmem>>[vector<16xi32>, vector<16xi32>], vector<16xf32>,
        %exp3A_714 = math.exp %gather3A_713 : vector<16xf32>
        %add3A_715 = arith.addf %add3A_675, %exp3A_714 : vector<16xf32>
        %max3A_716 = arith.maximumf %max3A_676, %gather3A_713 : vector<16xf32>
        %add3A_717 = arith.constant 28 : i32
        %add3A_718 = vector.broadcast %add3A_717 : i32 to vector<16xi32>
        %add3A_719 = arith.addi %iota3A_419, %add3A_718 : vector<16xi32>
        %and3A_720 = arith.constant 63 : i32
        %and3A_721 = vector.broadcast %and3A_720 : i32 to vector<16xi32>
        %and3A_722 = arith.andi %add3A_719, %and3A_721 : vector<16xi32>
        %gather3A_723 = tpu.vector_load_idx %arg5[%add3A_423, %and3A_722] : memref<480x64xf32, #tpu.memory_space<vmem>>[vector<16xi32>, vector<16xi32>], vector<16xf32>,
        %exp3A_724 = math.exp %gather3A_723 : vector<16xf32>
        %add3A_725 = arith.addf %add3A_685, %exp3A_724 : vector<16xf32>
        %max3A_726 = arith.maximumf %max3A_686, %gather3A_723 : vector<16xf32>
        %add3A_727 = arith.constant 29 : i32
        %add3A_728 = vector.broadcast %add3A_727 : i32 to vector<16xi32>
        %add3A_729 = arith.addi %iota3A_419, %add3A_728 : vector<16xi32>
        %and3A_730 = arith.constant 63 : i32
        %and3A_731 = vector.broadcast %and3A_730 : i32 to vector<16xi32>
        %and3A_732 = arith.andi %add3A_729, %and3A_731 : vector<16xi32>
        %gather3A_733 = tpu.vector_load_idx %arg5[%add3A_423, %and3A_732] : memref<480x64xf32, #tpu.memory_space<vmem>>[vector<16xi32>, vector<16xi32>], vector<16xf32>,
        %exp3A_734 = math.exp %gather3A_733 : vector<16xf32>
        %add3A_735 = arith.addf %add3A_695, %exp3A_734 : vector<16xf32>
        %max3A_736 = arith.maximumf %max3A_696, %gather3A_733 : vector<16xf32>
        %add3A_737 = arith.constant 30 : i32
        %add3A_738 = vector.broadcast %add3A_737 : i32 to vector<16xi32>
        %add3A_739 = arith.addi %iota3A_419, %add3A_738 : vector<16xi32>
        %and3A_740 = arith.constant 63 : i32
        %and3A_741 = vector.broadcast %and3A_740 : i32 to vector<16xi32>
        %and3A_742 = arith.andi %add3A_739, %and3A_741 : vector<16xi32>
        %gather3A_743 = tpu.vector_load_idx %arg5[%add3A_423, %and3A_742] : memref<480x64xf32, #tpu.memory_space<vmem>>[vector<16xi32>, vector<16xi32>], vector<16xf32>,
        %exp3A_744 = math.exp %gather3A_743 : vector<16xf32>
        %add3A_745 = arith.addf %add3A_705, %exp3A_744 : vector<16xf32>
        %max3A_746 = arith.maximumf %max3A_706, %gather3A_743 : vector<16xf32>
        %add3A_747 = arith.constant 31 : i32
        %add3A_748 = vector.broadcast %add3A_747 : i32 to vector<16xi32>
        %add3A_749 = arith.addi %iota3A_419, %add3A_748 : vector<16xi32>
        %and3A_750 = arith.constant 63 : i32
        %and3A_751 = vector.broadcast %and3A_750 : i32 to vector<16xi32>
        %and3A_752 = arith.andi %add3A_749, %and3A_751 : vector<16xi32>
        %gather3A_753 = tpu.vector_load_idx %arg5[%add3A_423, %and3A_752] : memref<480x64xf32, #tpu.memory_space<vmem>>[vector<16xi32>, vector<16xi32>], vector<16xf32>,
        %exp3A_754 = math.exp %gather3A_753 : vector<16xf32>
        %add3A_755 = arith.addf %add3A_715, %exp3A_754 : vector<16xf32>
        %max3A_756 = arith.maximumf %max3A_716, %gather3A_753 : vector<16xf32>
        %add3A_757 = arith.constant 32 : i32
        %add3A_758 = vector.broadcast %add3A_757 : i32 to vector<16xi32>
        %add3A_759 = arith.addi %iota3A_419, %add3A_758 : vector<16xi32>
        %and3A_760 = arith.constant 63 : i32
        %and3A_761 = vector.broadcast %and3A_760 : i32 to vector<16xi32>
        %and3A_762 = arith.andi %add3A_759, %and3A_761 : vector<16xi32>
        %gather3A_763 = tpu.vector_load_idx %arg5[%add3A_423, %and3A_762] : memref<480x64xf32, #tpu.memory_space<vmem>>[vector<16xi32>, vector<16xi32>], vector<16xf32>,
        %exp3A_764 = math.exp %gather3A_763 : vector<16xf32>
        %add3A_765 = arith.addf %add3A_725, %exp3A_764 : vector<16xf32>
        %max3A_766 = arith.maximumf %max3A_726, %gather3A_763 : vector<16xf32>
        %add3A_767 = arith.constant 33 : i32
        %add3A_768 = vector.broadcast %add3A_767 : i32 to vector<16xi32>
        %add3A_769 = arith.addi %iota3A_419, %add3A_768 : vector<16xi32>
        %and3A_770 = arith.constant 63 : i32
        %and3A_771 = vector.broadcast %and3A_770 : i32 to vector<16xi32>
        %and3A_772 = arith.andi %add3A_769, %and3A_771 : vector<16xi32>
        %gather3A_773 = tpu.vector_load_idx %arg5[%add3A_423, %and3A_772] : memref<480x64xf32, #tpu.memory_space<vmem>>[vector<16xi32>, vector<16xi32>], vector<16xf32>,
        %exp3A_774 = math.exp %gather3A_773 : vector<16xf32>
        %add3A_775 = arith.addf %add3A_735, %exp3A_774 : vector<16xf32>
        %max3A_776 = arith.maximumf %max3A_736, %gather3A_773 : vector<16xf32>
        %add3A_777 = arith.constant 34 : i32
        %add3A_778 = vector.broadcast %add3A_777 : i32 to vector<16xi32>
        %add3A_779 = arith.addi %iota3A_419, %add3A_778 : vector<16xi32>
        %and3A_780 = arith.constant 63 : i32
        %and3A_781 = vector.broadcast %and3A_780 : i32 to vector<16xi32>
        %and3A_782 = arith.andi %add3A_779, %and3A_781 : vector<16xi32>
        %gather3A_783 = tpu.vector_load_idx %arg5[%add3A_423, %and3A_782] : memref<480x64xf32, #tpu.memory_space<vmem>>[vector<16xi32>, vector<16xi32>], vector<16xf32>,
        %exp3A_784 = math.exp %gather3A_783 : vector<16xf32>
        %add3A_785 = arith.addf %add3A_745, %exp3A_784 : vector<16xf32>
        %max3A_786 = arith.maximumf %max3A_746, %gather3A_783 : vector<16xf32>
        %add3A_787 = arith.constant 35 : i32
        %add3A_788 = vector.broadcast %add3A_787 : i32 to vector<16xi32>
        %add3A_789 = arith.addi %iota3A_419, %add3A_788 : vector<16xi32>
        %and3A_790 = arith.constant 63 : i32
        %and3A_791 = vector.broadcast %and3A_790 : i32 to vector<16xi32>
        %and3A_792 = arith.andi %add3A_789, %and3A_791 : vector<16xi32>
        %gather3A_793 = tpu.vector_load_idx %arg5[%add3A_423, %and3A_792] : memref<480x64xf32, #tpu.memory_space<vmem>>[vector<16xi32>, vector<16xi32>], vector<16xf32>,
        %exp3A_794 = math.exp %gather3A_793 : vector<16xf32>
        %add3A_795 = arith.addf %add3A_755, %exp3A_794 : vector<16xf32>
        %max3A_796 = arith.maximumf %max3A_756, %gather3A_793 : vector<16xf32>
        %add3A_797 = arith.constant 36 : i32
        %add3A_798 = vector.broadcast %add3A_797 : i32 to vector<16xi32>
        %add3A_799 = arith.addi %iota3A_419, %add3A_798 : vector<16xi32>
        %and3A_800 = arith.constant 63 : i32
        %and3A_801 = vector.broadcast %and3A_800 : i32 to vector<16xi32>
        %and3A_802 = arith.andi %add3A_799, %and3A_801 : vector<16xi32>
        %gather3A_803 = tpu.vector_load_idx %arg5[%add3A_423, %and3A_802] : memref<480x64xf32, #tpu.memory_space<vmem>>[vector<16xi32>, vector<16xi32>], vector<16xf32>,
        %exp3A_804 = math.exp %gather3A_803 : vector<16xf32>
        %add3A_805 = arith.addf %add3A_765, %exp3A_804 : vector<16xf32>
        %max3A_806 = arith.maximumf %max3A_766, %gather3A_803 : vector<16xf32>
        %add3A_807 = arith.constant 37 : i32
        %add3A_808 = vector.broadcast %add3A_807 : i32 to vector<16xi32>
        %add3A_809 = arith.addi %iota3A_419, %add3A_808 : vector<16xi32>
        %and3A_810 = arith.constant 63 : i32
        %and3A_811 = vector.broadcast %and3A_810 : i32 to vector<16xi32>
        %and3A_812 = arith.andi %add3A_809, %and3A_811 : vector<16xi32>
        %gather3A_813 = tpu.vector_load_idx %arg5[%add3A_423, %and3A_812] : memref<480x64xf32, #tpu.memory_space<vmem>>[vector<16xi32>, vector<16xi32>], vector<16xf32>,
        %exp3A_814 = math.exp %gather3A_813 : vector<16xf32>
        %add3A_815 = arith.addf %add3A_775, %exp3A_814 : vector<16xf32>
        %max3A_816 = arith.maximumf %max3A_776, %gather3A_813 : vector<16xf32>
        %add3A_817 = arith.constant 38 : i32
        %add3A_818 = vector.broadcast %add3A_817 : i32 to vector<16xi32>
        %add3A_819 = arith.addi %iota3A_419, %add3A_818 : vector<16xi32>
        %and3A_820 = arith.constant 63 : i32
        %and3A_821 = vector.broadcast %and3A_820 : i32 to vector<16xi32>
        %and3A_822 = arith.andi %add3A_819, %and3A_821 : vector<16xi32>
        %gather3A_823 = tpu.vector_load_idx %arg5[%add3A_423, %and3A_822] : memref<480x64xf32, #tpu.memory_space<vmem>>[vector<16xi32>, vector<16xi32>], vector<16xf32>,
        %exp3A_824 = math.exp %gather3A_823 : vector<16xf32>
        %add3A_825 = arith.addf %add3A_785, %exp3A_824 : vector<16xf32>
        %max3A_826 = arith.maximumf %max3A_786, %gather3A_823 : vector<16xf32>
        %add3A_827 = arith.constant 39 : i32
        %add3A_828 = vector.broadcast %add3A_827 : i32 to vector<16xi32>
        %add3A_829 = arith.addi %iota3A_419, %add3A_828 : vector<16xi32>
        %and3A_830 = arith.constant 63 : i32
        %and3A_831 = vector.broadcast %and3A_830 : i32 to vector<16xi32>
        %and3A_832 = arith.andi %add3A_829, %and3A_831 : vector<16xi32>
        %gather3A_833 = tpu.vector_load_idx %arg5[%add3A_423, %and3A_832] : memref<480x64xf32, #tpu.memory_space<vmem>>[vector<16xi32>, vector<16xi32>], vector<16xf32>,
        %exp3A_834 = math.exp %gather3A_833 : vector<16xf32>
        %add3A_835 = arith.addf %add3A_795, %exp3A_834 : vector<16xf32>
        %max3A_836 = arith.maximumf %max3A_796, %gather3A_833 : vector<16xf32>
        %add3A_837 = arith.constant 40 : i32
        %add3A_838 = vector.broadcast %add3A_837 : i32 to vector<16xi32>
        %add3A_839 = arith.addi %iota3A_419, %add3A_838 : vector<16xi32>
        %and3A_840 = arith.constant 63 : i32
        %and3A_841 = vector.broadcast %and3A_840 : i32 to vector<16xi32>
        %and3A_842 = arith.andi %add3A_839, %and3A_841 : vector<16xi32>
        %gather3A_843 = tpu.vector_load_idx %arg5[%add3A_423, %and3A_842] : memref<480x64xf32, #tpu.memory_space<vmem>>[vector<16xi32>, vector<16xi32>], vector<16xf32>,
        %exp3A_844 = math.exp %gather3A_843 : vector<16xf32>
        %add3A_845 = arith.addf %add3A_805, %exp3A_844 : vector<16xf32>
        %max3A_846 = arith.maximumf %max3A_806, %gather3A_843 : vector<16xf32>
        %add3A_847 = arith.constant 41 : i32
        %add3A_848 = vector.broadcast %add3A_847 : i32 to vector<16xi32>
        %add3A_849 = arith.addi %iota3A_419, %add3A_848 : vector<16xi32>
        %and3A_850 = arith.constant 63 : i32
        %and3A_851 = vector.broadcast %and3A_850 : i32 to vector<16xi32>
        %and3A_852 = arith.andi %add3A_849, %and3A_851 : vector<16xi32>
        %gather3A_853 = tpu.vector_load_idx %arg5[%add3A_423, %and3A_852] : memref<480x64xf32, #tpu.memory_space<vmem>>[vector<16xi32>, vector<16xi32>], vector<16xf32>,
        %exp3A_854 = math.exp %gather3A_853 : vector<16xf32>
        %add3A_855 = arith.addf %add3A_815, %exp3A_854 : vector<16xf32>
        %max3A_856 = arith.maximumf %max3A_816, %gather3A_853 : vector<16xf32>
        %add3A_857 = arith.constant 42 : i32
        %add3A_858 = vector.broadcast %add3A_857 : i32 to vector<16xi32>
        %add3A_859 = arith.addi %iota3A_419, %add3A_858 : vector<16xi32>
        %and3A_860 = arith.constant 63 : i32
        %and3A_861 = vector.broadcast %and3A_860 : i32 to vector<16xi32>
        %and3A_862 = arith.andi %add3A_859, %and3A_861 : vector<16xi32>
        %gather3A_863 = tpu.vector_load_idx %arg5[%add3A_423, %and3A_862] : memref<480x64xf32, #tpu.memory_space<vmem>>[vector<16xi32>, vector<16xi32>], vector<16xf32>,
        %exp3A_864 = math.exp %gather3A_863 : vector<16xf32>
        %add3A_865 = arith.addf %add3A_825, %exp3A_864 : vector<16xf32>
        %max3A_866 = arith.maximumf %max3A_826, %gather3A_863 : vector<16xf32>
        %add3A_867 = arith.constant 43 : i32
        %add3A_868 = vector.broadcast %add3A_867 : i32 to vector<16xi32>
        %add3A_869 = arith.addi %iota3A_419, %add3A_868 : vector<16xi32>
        %and3A_870 = arith.constant 63 : i32
        %and3A_871 = vector.broadcast %and3A_870 : i32 to vector<16xi32>
        %and3A_872 = arith.andi %add3A_869, %and3A_871 : vector<16xi32>
        %gather3A_873 = tpu.vector_load_idx %arg5[%add3A_423, %and3A_872] : memref<480x64xf32, #tpu.memory_space<vmem>>[vector<16xi32>, vector<16xi32>], vector<16xf32>,
        %exp3A_874 = math.exp %gather3A_873 : vector<16xf32>
        %add3A_875 = arith.addf %add3A_835, %exp3A_874 : vector<16xf32>
        %max3A_876 = arith.maximumf %max3A_836, %gather3A_873 : vector<16xf32>
        %add3A_877 = arith.constant 44 : i32
        %add3A_878 = vector.broadcast %add3A_877 : i32 to vector<16xi32>
        %add3A_879 = arith.addi %iota3A_419, %add3A_878 : vector<16xi32>
        %and3A_880 = arith.constant 63 : i32
        %and3A_881 = vector.broadcast %and3A_880 : i32 to vector<16xi32>
        %and3A_882 = arith.andi %add3A_879, %and3A_881 : vector<16xi32>
        %gather3A_883 = tpu.vector_load_idx %arg5[%add3A_423, %and3A_882] : memref<480x64xf32, #tpu.memory_space<vmem>>[vector<16xi32>, vector<16xi32>], vector<16xf32>,
        %exp3A_884 = math.exp %gather3A_883 : vector<16xf32>
        %add3A_885 = arith.addf %add3A_845, %exp3A_884 : vector<16xf32>
        %max3A_886 = arith.maximumf %max3A_846, %gather3A_883 : vector<16xf32>
        %add3A_887 = arith.constant 45 : i32
        %add3A_888 = vector.broadcast %add3A_887 : i32 to vector<16xi32>
        %add3A_889 = arith.addi %iota3A_419, %add3A_888 : vector<16xi32>
        %and3A_890 = arith.constant 63 : i32
        %and3A_891 = vector.broadcast %and3A_890 : i32 to vector<16xi32>
        %and3A_892 = arith.andi %add3A_889, %and3A_891 : vector<16xi32>
        %gather3A_893 = tpu.vector_load_idx %arg5[%add3A_423, %and3A_892] : memref<480x64xf32, #tpu.memory_space<vmem>>[vector<16xi32>, vector<16xi32>], vector<16xf32>,
        %exp3A_894 = math.exp %gather3A_893 : vector<16xf32>
        %add3A_895 = arith.addf %add3A_855, %exp3A_894 : vector<16xf32>
        %max3A_896 = arith.maximumf %max3A_856, %gather3A_893 : vector<16xf32>
        %add3A_897 = arith.constant 46 : i32
        %add3A_898 = vector.broadcast %add3A_897 : i32 to vector<16xi32>
        %add3A_899 = arith.addi %iota3A_419, %add3A_898 : vector<16xi32>
        %and3A_900 = arith.constant 63 : i32
        %and3A_901 = vector.broadcast %and3A_900 : i32 to vector<16xi32>
        %and3A_902 = arith.andi %add3A_899, %and3A_901 : vector<16xi32>
        %gather3A_903 = tpu.vector_load_idx %arg5[%add3A_423, %and3A_902] : memref<480x64xf32, #tpu.memory_space<vmem>>[vector<16xi32>, vector<16xi32>], vector<16xf32>,
        %exp3A_904 = math.exp %gather3A_903 : vector<16xf32>
        %add3A_905 = arith.addf %add3A_865, %exp3A_904 : vector<16xf32>
        %max3A_906 = arith.maximumf %max3A_866, %gather3A_903 : vector<16xf32>
        %add3A_907 = arith.constant 47 : i32
        %add3A_908 = vector.broadcast %add3A_907 : i32 to vector<16xi32>
        %add3A_909 = arith.addi %iota3A_419, %add3A_908 : vector<16xi32>
        %and3A_910 = arith.constant 63 : i32
        %and3A_911 = vector.broadcast %and3A_910 : i32 to vector<16xi32>
        %and3A_912 = arith.andi %add3A_909, %and3A_911 : vector<16xi32>
        %gather3A_913 = tpu.vector_load_idx %arg5[%add3A_423, %and3A_912] : memref<480x64xf32, #tpu.memory_space<vmem>>[vector<16xi32>, vector<16xi32>], vector<16xf32>,
        %exp3A_914 = math.exp %gather3A_913 : vector<16xf32>
        %add3A_915 = arith.addf %add3A_875, %exp3A_914 : vector<16xf32>
        %max3A_916 = arith.maximumf %max3A_876, %gather3A_913 : vector<16xf32>
        %add3A_917 = arith.constant 48 : i32
        %add3A_918 = vector.broadcast %add3A_917 : i32 to vector<16xi32>
        %add3A_919 = arith.addi %iota3A_419, %add3A_918 : vector<16xi32>
        %and3A_920 = arith.constant 63 : i32
        %and3A_921 = vector.broadcast %and3A_920 : i32 to vector<16xi32>
        %and3A_922 = arith.andi %add3A_919, %and3A_921 : vector<16xi32>
        %gather3A_923 = tpu.vector_load_idx %arg5[%add3A_423, %and3A_922] : memref<480x64xf32, #tpu.memory_space<vmem>>[vector<16xi32>, vector<16xi32>], vector<16xf32>,
        %exp3A_924 = math.exp %gather3A_923 : vector<16xf32>
        %add3A_925 = arith.addf %add3A_885, %exp3A_924 : vector<16xf32>
        %max3A_926 = arith.maximumf %max3A_886, %gather3A_923 : vector<16xf32>
        %add3A_927 = arith.constant 49 : i32
        %add3A_928 = vector.broadcast %add3A_927 : i32 to vector<16xi32>
        %add3A_929 = arith.addi %iota3A_419, %add3A_928 : vector<16xi32>
        %and3A_930 = arith.constant 63 : i32
        %and3A_931 = vector.broadcast %and3A_930 : i32 to vector<16xi32>
        %and3A_932 = arith.andi %add3A_929, %and3A_931 : vector<16xi32>
        %gather3A_933 = tpu.vector_load_idx %arg5[%add3A_423, %and3A_932] : memref<480x64xf32, #tpu.memory_space<vmem>>[vector<16xi32>, vector<16xi32>], vector<16xf32>,
        %exp3A_934 = math.exp %gather3A_933 : vector<16xf32>
        %add3A_935 = arith.addf %add3A_895, %exp3A_934 : vector<16xf32>
        %max3A_936 = arith.maximumf %max3A_896, %gather3A_933 : vector<16xf32>
        %add3A_937 = arith.constant 50 : i32
        %add3A_938 = vector.broadcast %add3A_937 : i32 to vector<16xi32>
        %add3A_939 = arith.addi %iota3A_419, %add3A_938 : vector<16xi32>
        %and3A_940 = arith.constant 63 : i32
        %and3A_941 = vector.broadcast %and3A_940 : i32 to vector<16xi32>
        %and3A_942 = arith.andi %add3A_939, %and3A_941 : vector<16xi32>
        %gather3A_943 = tpu.vector_load_idx %arg5[%add3A_423, %and3A_942] : memref<480x64xf32, #tpu.memory_space<vmem>>[vector<16xi32>, vector<16xi32>], vector<16xf32>,
        %exp3A_944 = math.exp %gather3A_943 : vector<16xf32>
        %add3A_945 = arith.addf %add3A_905, %exp3A_944 : vector<16xf32>
        %max3A_946 = arith.maximumf %max3A_906, %gather3A_943 : vector<16xf32>
        %add3A_947 = arith.constant 51 : i32
        %add3A_948 = vector.broadcast %add3A_947 : i32 to vector<16xi32>
        %add3A_949 = arith.addi %iota3A_419, %add3A_948 : vector<16xi32>
        %and3A_950 = arith.constant 63 : i32
        %and3A_951 = vector.broadcast %and3A_950 : i32 to vector<16xi32>
        %and3A_952 = arith.andi %add3A_949, %and3A_951 : vector<16xi32>
        %gather3A_953 = tpu.vector_load_idx %arg5[%add3A_423, %and3A_952] : memref<480x64xf32, #tpu.memory_space<vmem>>[vector<16xi32>, vector<16xi32>], vector<16xf32>,
        %exp3A_954 = math.exp %gather3A_953 : vector<16xf32>
        %add3A_955 = arith.addf %add3A_915, %exp3A_954 : vector<16xf32>
        %max3A_956 = arith.maximumf %max3A_916, %gather3A_953 : vector<16xf32>
        %add3A_957 = arith.constant 52 : i32
        %add3A_958 = vector.broadcast %add3A_957 : i32 to vector<16xi32>
        %add3A_959 = arith.addi %iota3A_419, %add3A_958 : vector<16xi32>
        %and3A_960 = arith.constant 63 : i32
        %and3A_961 = vector.broadcast %and3A_960 : i32 to vector<16xi32>
        %and3A_962 = arith.andi %add3A_959, %and3A_961 : vector<16xi32>
        %gather3A_963 = tpu.vector_load_idx %arg5[%add3A_423, %and3A_962] : memref<480x64xf32, #tpu.memory_space<vmem>>[vector<16xi32>, vector<16xi32>], vector<16xf32>,
        %exp3A_964 = math.exp %gather3A_963 : vector<16xf32>
        %add3A_965 = arith.addf %add3A_925, %exp3A_964 : vector<16xf32>
        %max3A_966 = arith.maximumf %max3A_926, %gather3A_963 : vector<16xf32>
        %add3A_967 = arith.constant 53 : i32
        %add3A_968 = vector.broadcast %add3A_967 : i32 to vector<16xi32>
        %add3A_969 = arith.addi %iota3A_419, %add3A_968 : vector<16xi32>
        %and3A_970 = arith.constant 63 : i32
        %and3A_971 = vector.broadcast %and3A_970 : i32 to vector<16xi32>
        %and3A_972 = arith.andi %add3A_969, %and3A_971 : vector<16xi32>
        %gather3A_973 = tpu.vector_load_idx %arg5[%add3A_423, %and3A_972] : memref<480x64xf32, #tpu.memory_space<vmem>>[vector<16xi32>, vector<16xi32>], vector<16xf32>,
        %exp3A_974 = math.exp %gather3A_973 : vector<16xf32>
        %add3A_975 = arith.addf %add3A_935, %exp3A_974 : vector<16xf32>
        %max3A_976 = arith.maximumf %max3A_936, %gather3A_973 : vector<16xf32>
        %add3A_977 = arith.constant 54 : i32
        %add3A_978 = vector.broadcast %add3A_977 : i32 to vector<16xi32>
        %add3A_979 = arith.addi %iota3A_419, %add3A_978 : vector<16xi32>
        %and3A_980 = arith.constant 63 : i32
        %and3A_981 = vector.broadcast %and3A_980 : i32 to vector<16xi32>
        %and3A_982 = arith.andi %add3A_979, %and3A_981 : vector<16xi32>
        %gather3A_983 = tpu.vector_load_idx %arg5[%add3A_423, %and3A_982] : memref<480x64xf32, #tpu.memory_space<vmem>>[vector<16xi32>, vector<16xi32>], vector<16xf32>,
        %exp3A_984 = math.exp %gather3A_983 : vector<16xf32>
        %add3A_985 = arith.addf %add3A_945, %exp3A_984 : vector<16xf32>
        %max3A_986 = arith.maximumf %max3A_946, %gather3A_983 : vector<16xf32>
        %add3A_987 = arith.constant 55 : i32
        %add3A_988 = vector.broadcast %add3A_987 : i32 to vector<16xi32>
        %add3A_989 = arith.addi %iota3A_419, %add3A_988 : vector<16xi32>
        %and3A_990 = arith.constant 63 : i32
        %and3A_991 = vector.broadcast %and3A_990 : i32 to vector<16xi32>
        %and3A_992 = arith.andi %add3A_989, %and3A_991 : vector<16xi32>
        %gather3A_993 = tpu.vector_load_idx %arg5[%add3A_423, %and3A_992] : memref<480x64xf32, #tpu.memory_space<vmem>>[vector<16xi32>, vector<16xi32>], vector<16xf32>,
        %exp3A_994 = math.exp %gather3A_993 : vector<16xf32>
        %add3A_995 = arith.addf %add3A_955, %exp3A_994 : vector<16xf32>
        %max3A_996 = arith.maximumf %max3A_956, %gather3A_993 : vector<16xf32>
        %add3A_997 = arith.constant 56 : i32
        %add3A_998 = vector.broadcast %add3A_997 : i32 to vector<16xi32>
        %add3A_999 = arith.addi %iota3A_419, %add3A_998 : vector<16xi32>
        %and3A_1000 = arith.constant 63 : i32
        %and3A_1001 = vector.broadcast %and3A_1000 : i32 to vector<16xi32>
        %and3A_1002 = arith.andi %add3A_999, %and3A_1001 : vector<16xi32>
        %gather3A_1003 = tpu.vector_load_idx %arg5[%add3A_423, %and3A_1002] : memref<480x64xf32, #tpu.memory_space<vmem>>[vector<16xi32>, vector<16xi32>], vector<16xf32>,
        %exp3A_1004 = math.exp %gather3A_1003 : vector<16xf32>
        %add3A_1005 = arith.addf %add3A_965, %exp3A_1004 : vector<16xf32>
        %max3A_1006 = arith.maximumf %max3A_966, %gather3A_1003 : vector<16xf32>
        %add3A_1007 = arith.constant 57 : i32
        %add3A_1008 = vector.broadcast %add3A_1007 : i32 to vector<16xi32>
        %add3A_1009 = arith.addi %iota3A_419, %add3A_1008 : vector<16xi32>
        %and3A_1010 = arith.constant 63 : i32
        %and3A_1011 = vector.broadcast %and3A_1010 : i32 to vector<16xi32>
        %and3A_1012 = arith.andi %add3A_1009, %and3A_1011 : vector<16xi32>
        %gather3A_1013 = tpu.vector_load_idx %arg5[%add3A_423, %and3A_1012] : memref<480x64xf32, #tpu.memory_space<vmem>>[vector<16xi32>, vector<16xi32>], vector<16xf32>,
        %exp3A_1014 = math.exp %gather3A_1013 : vector<16xf32>
        %add3A_1015 = arith.addf %add3A_975, %exp3A_1014 : vector<16xf32>
        %max3A_1016 = arith.maximumf %max3A_976, %gather3A_1013 : vector<16xf32>
        %add3A_1017 = arith.constant 58 : i32
        %add3A_1018 = vector.broadcast %add3A_1017 : i32 to vector<16xi32>
        %add3A_1019 = arith.addi %iota3A_419, %add3A_1018 : vector<16xi32>
        %and3A_1020 = arith.constant 63 : i32
        %and3A_1021 = vector.broadcast %and3A_1020 : i32 to vector<16xi32>
        %and3A_1022 = arith.andi %add3A_1019, %and3A_1021 : vector<16xi32>
        %gather3A_1023 = tpu.vector_load_idx %arg5[%add3A_423, %and3A_1022] : memref<480x64xf32, #tpu.memory_space<vmem>>[vector<16xi32>, vector<16xi32>], vector<16xf32>,
        %exp3A_1024 = math.exp %gather3A_1023 : vector<16xf32>
        %add3A_1025 = arith.addf %add3A_985, %exp3A_1024 : vector<16xf32>
        %max3A_1026 = arith.maximumf %max3A_986, %gather3A_1023 : vector<16xf32>
        %add3A_1027 = arith.constant 59 : i32
        %add3A_1028 = vector.broadcast %add3A_1027 : i32 to vector<16xi32>
        %add3A_1029 = arith.addi %iota3A_419, %add3A_1028 : vector<16xi32>
        %and3A_1030 = arith.constant 63 : i32
        %and3A_1031 = vector.broadcast %and3A_1030 : i32 to vector<16xi32>
        %and3A_1032 = arith.andi %add3A_1029, %and3A_1031 : vector<16xi32>
        %gather3A_1033 = tpu.vector_load_idx %arg5[%add3A_423, %and3A_1032] : memref<480x64xf32, #tpu.memory_space<vmem>>[vector<16xi32>, vector<16xi32>], vector<16xf32>,
        %exp3A_1034 = math.exp %gather3A_1033 : vector<16xf32>
        %add3A_1035 = arith.addf %add3A_995, %exp3A_1034 : vector<16xf32>
        %max3A_1036 = arith.maximumf %max3A_996, %gather3A_1033 : vector<16xf32>
        %add3A_1037 = arith.constant 60 : i32
        %add3A_1038 = vector.broadcast %add3A_1037 : i32 to vector<16xi32>
        %add3A_1039 = arith.addi %iota3A_419, %add3A_1038 : vector<16xi32>
        %and3A_1040 = arith.constant 63 : i32
        %and3A_1041 = vector.broadcast %and3A_1040 : i32 to vector<16xi32>
        %and3A_1042 = arith.andi %add3A_1039, %and3A_1041 : vector<16xi32>
        %gather3A_1043 = tpu.vector_load_idx %arg5[%add3A_423, %and3A_1042] : memref<480x64xf32, #tpu.memory_space<vmem>>[vector<16xi32>, vector<16xi32>], vector<16xf32>,
        %exp3A_1044 = math.exp %gather3A_1043 : vector<16xf32>
        %add3A_1045 = arith.addf %add3A_1005, %exp3A_1044 : vector<16xf32>
        %max3A_1046 = arith.maximumf %max3A_1006, %gather3A_1043 : vector<16xf32>
        %add3A_1047 = arith.constant 61 : i32
        %add3A_1048 = vector.broadcast %add3A_1047 : i32 to vector<16xi32>
        %add3A_1049 = arith.addi %iota3A_419, %add3A_1048 : vector<16xi32>
        %and3A_1050 = arith.constant 63 : i32
        %and3A_1051 = vector.broadcast %and3A_1050 : i32 to vector<16xi32>
        %and3A_1052 = arith.andi %add3A_1049, %and3A_1051 : vector<16xi32>
        %gather3A_1053 = tpu.vector_load_idx %arg5[%add3A_423, %and3A_1052] : memref<480x64xf32, #tpu.memory_space<vmem>>[vector<16xi32>, vector<16xi32>], vector<16xf32>,
        %exp3A_1054 = math.exp %gather3A_1053 : vector<16xf32>
        %add3A_1055 = arith.addf %add3A_1015, %exp3A_1054 : vector<16xf32>
        %max3A_1056 = arith.maximumf %max3A_1016, %gather3A_1053 : vector<16xf32>
        %add3A_1057 = arith.constant 62 : i32
        %add3A_1058 = vector.broadcast %add3A_1057 : i32 to vector<16xi32>
        %add3A_1059 = arith.addi %iota3A_419, %add3A_1058 : vector<16xi32>
        %and3A_1060 = arith.constant 63 : i32
        %and3A_1061 = vector.broadcast %and3A_1060 : i32 to vector<16xi32>
        %and3A_1062 = arith.andi %add3A_1059, %and3A_1061 : vector<16xi32>
        %gather3A_1063 = tpu.vector_load_idx %arg5[%add3A_423, %and3A_1062] : memref<480x64xf32, #tpu.memory_space<vmem>>[vector<16xi32>, vector<16xi32>], vector<16xf32>,
        %exp3A_1064 = math.exp %gather3A_1063 : vector<16xf32>
        %add3A_1065 = arith.addf %add3A_1025, %exp3A_1064 : vector<16xf32>
        %max3A_1066 = arith.maximumf %max3A_1026, %gather3A_1063 : vector<16xf32>
        %add3A_1067 = arith.constant 63 : i32
        %add3A_1068 = vector.broadcast %add3A_1067 : i32 to vector<16xi32>
        %add3A_1069 = arith.addi %iota3A_419, %add3A_1068 : vector<16xi32>
        %and3A_1070 = arith.constant 63 : i32
        %and3A_1071 = vector.broadcast %and3A_1070 : i32 to vector<16xi32>
        %and3A_1072 = arith.andi %add3A_1069, %and3A_1071 : vector<16xi32>
        %gather3A_1073 = tpu.vector_load_idx %arg5[%add3A_423, %and3A_1072] : memref<480x64xf32, #tpu.memory_space<vmem>>[vector<16xi32>, vector<16xi32>], vector<16xf32>,
        %exp3A_1074 = math.exp %gather3A_1073 : vector<16xf32>
        %add3A_1075 = arith.addf %add3A_1035, %exp3A_1074 : vector<16xf32>
        %max3A_1076 = arith.maximumf %max3A_1036, %gather3A_1073 : vector<16xf32>
        %add3A_1077 = arith.addf %add3A_1045, %add3A_1055 : vector<16xf32>
        %add3A_1078 = arith.addf %add3A_1065, %add3A_1075 : vector<16xf32>
        %add3A_1079 = arith.addf %add3A_1077, %add3A_1078 : vector<16xf32>
        %max3A_1080 = arith.maximumf %max3A_1046, %max3A_1056 : vector<16xf32>
        %max3A_1081 = arith.maximumf %max3A_1066, %max3A_1076 : vector<16xf32>
        %max3A_1082 = arith.maximumf %max3A_1080, %max3A_1081 : vector<16xf32>
        %exp3A_1083 = math.exp %max3A_1082 : vector<16xf32>
        %div3A = arith.divf %exp3A_1083, %add3A_1079 : vector<16xf32>
        %gather3A_1084 = tpu.vector_load_idx %arg7[%add3A_423] : memref<480xi32, #tpu.memory_space<vmem>>[vector<16xi32>], vector<16xi32>,
        %gather3A_1085 = tpu.vector_load_idx %arg5[%add3A_423, %gather3A_1084] : memref<480x64xf32, #tpu.memory_space<vmem>>[vector<16xi32>, vector<16xi32>], vector<16xf32>,
        %eq3A = arith.cmpf oeq, %gather3A_1085, %max3A_1082 : vector<16xf32>
        %jit3A = arith.constant 1.000000e+00 : f32
        %jit3A_1086 = arith.constant 0.000000e+00 : f32
        %broadcast_in_dim3A_1087 = vector.broadcast %jit3A : f32 to vector<16xf32>
        %broadcast_in_dim3A_1088 = vector.broadcast %jit3A_1086 : f32 to vector<16xf32>
        %select_n3A = arith.select %eq3A, %broadcast_in_dim3A_1087, %broadcast_in_dim3A_1088 : vector<16xi1>, vector<16xf32>
        %mul3A_1089 = arith.constant 1.500000e+01 : f32
        %mul3A_1090 = vector.broadcast %mul3A_1089 : f32 to vector<16xf32>
        %mul3A_1091 = arith.mulf %div3A, %mul3A_1090 : vector<16xf32>
        %convert_element_type3A_1092 = arith.fptosi %mul3A_1091 : vector<16xf32> to vector<16xi32>
        %convert_element_type3A_1093 = arith.sitofp %convert_element_type3A_1092 : vector<16xi32> to vector<16xf32>
        %eq3A_1094 = arith.cmpf oeq, %convert_element_type3A_1093, %mul3A_1091 : vector<16xf32>
        %convert_element_type3A_1095 = arith.extui %eq3A_1094 : vector<16xi1> to vector<16xi32>
        %sub3A = arith.subi %convert_element_type3A_1092, %convert_element_type3A_1095 : vector<16xi32>
        %min3A = arith.constant 14 : i32
        %min3A_1096 = vector.broadcast %min3A : i32 to vector<16xi32>
        %min3A_1097 = arith.minsi %sub3A, %min3A_1096 : vector<16xi32>
        %mul3A_1098 = arith.constant 16 : i32
        %mul3A_1099 = vector.broadcast %mul3A_1098 : i32 to vector<16xi32>
        %mul3A_1100 = arith.muli %iota3A_419, %mul3A_1099 : vector<16xi32>
        %add3A_1101 = arith.addi %mul3A_1100, %min3A_1097 : vector<16xi32>
        %broadcast_in_dim3A_1102 = arith.constant 1.000000e+00 : f32
        %broadcast_in_dim3A_1103 = vector.broadcast %broadcast_in_dim3A_1102 : f32 to vector<16xf32>
        tpu.vector_store_idx %arg9[%add3A_1101], %broadcast_in_dim3A_1103 {add = true} : memref<256xf32, #tpu.memory_space<vmem>>[vector<16xi32>], vector<16xf32>,
        tpu.vector_store_idx %arg10[%add3A_1101], %select_n3A {add = true} : memref<256xf32, #tpu.memory_space<vmem>>[vector<16xi32>], vector<16xf32>,
        tpu.vector_store_idx %arg11[%add3A_1101], %div3A {add = true} : memref<256xf32, #tpu.memory_space<vmem>>[vector<16xi32>], vector<16xf32>,
      }
      %scan3A_393 = arith.constant 30 : i32
      %lt3A = arith.constant 31 : i32
      %lt3A_394 = arith.cmpi slt, %scan3A_358, %lt3A : i32
      %convert_element_type3A = arith.extui %lt3A_394 : i1 to i32
      %cond3A = arith.constant 0 : i32
      %cond3A_395 = arith.cmpi ne, %convert_element_type3A, %cond3A : i32
      scf.if %cond3A_395 {
        %add3A_418 = arith.constant 2 : i32
        %add3A_419 = arith.addi %mul3A_360, %add3A_418 : i32
        %mul3A_420 = arith.constant 480 : i32
        %mul3A_421 = arith.muli %add3A_419, %mul3A_420 : i32
        %add3A_422 = arith.addi %mul3A_2, %mul3A_421 : i32
        %dma_start3A_423 = arith.constant 0 : i32
        %dma_start3A_424 = tpu.memref_slice %arg2[%add3A_422, %dma_start3A_423] : memref<1000000x64xf32, #tpu.memory_space<hbm>> -> memref<480x64xf32, #tpu.memory_space<hbm>>
        %dma_start3A_425 = arith.constant 0 : i32
        %dma_start3A_426 = tpu.memref_slice %arg2[%add3A_422, %dma_start3A_425] : memref<1000000x64xf32, #tpu.memory_space<hbm>> -> memref<480x64xf32, #tpu.memory_space<hbm>>
        tpu.enqueue_dma source(%dma_start3A_426 : memref<480x64xf32, #tpu.memory_space<hbm>>) target(%arg5 : memref<480x64xf32, #tpu.memory_space<vmem>>) target_semaphore(%arg13 : memref<!tpu.dma_semaphore, #tpu.memory_space<semaphore_mem>>)
        %add3A_427 = arith.constant 2 : i32
        %add3A_428 = arith.addi %mul3A_360, %add3A_427 : i32
        %mul3A_429 = arith.constant 480 : i32
        %mul3A_430 = arith.muli %add3A_428, %mul3A_429 : i32
        %add3A_431 = arith.addi %mul3A_2, %mul3A_430 : i32
        %dma_start3A_432 = tpu.memref_slice %arg3[%add3A_431] : memref<1000000xi32, #tpu.memory_space<hbm>> -> memref<480xi32, #tpu.memory_space<hbm>>
        %dma_start3A_433 = tpu.memref_slice %arg3[%add3A_431] : memref<1000000xi32, #tpu.memory_space<hbm>> -> memref<480xi32, #tpu.memory_space<hbm>>
        tpu.enqueue_dma source(%dma_start3A_433 : memref<480xi32, #tpu.memory_space<hbm>>) target(%arg7 : memref<480xi32, #tpu.memory_space<vmem>>) target_semaphore(%arg15 : memref<!tpu.dma_semaphore, #tpu.memory_space<semaphore_mem>>)
      } else {
      }
      %add3A_396 = arith.constant 1 : i32
      %add3A_397 = arith.addi %mul3A_360, %add3A_396 : i32
      %mul3A_398 = arith.constant 480 : i32
      %mul3A_399 = arith.muli %add3A_397, %mul3A_398 : i32
      %add3A_400 = arith.addi %mul3A_2, %mul3A_399 : i32
      %dma_wait3A_401 = arith.constant 0 : i32
      %dma_wait3A_402 = tpu.memref_slice %arg2[%add3A_400, %dma_wait3A_401] : memref<1000000x64xf32, #tpu.memory_space<hbm>> -> memref<480x64xf32, #tpu.memory_space<hbm>>
      %dma_wait3A_403 = arith.constant 0 : i32
      %dma_wait3A_404 = tpu.memref_slice %arg2[%add3A_400, %dma_wait3A_403] : memref<1000000x64xf32, #tpu.memory_space<hbm>> -> memref<480x64xf32, #tpu.memory_space<hbm>>
      tpu.wait_dma2 semaphore(%arg14 : memref<!tpu.dma_semaphore, #tpu.memory_space<semaphore_mem>>) src(%dma_wait3A_404 : memref<480x64xf32, #tpu.memory_space<hbm>>) dst(%arg6 : memref<480x64xf32, #tpu.memory_space<vmem>>)
      %add3A_405 = arith.constant 1 : i32
      %add3A_406 = arith.addi %mul3A_360, %add3A_405 : i32
      %mul3A_407 = arith.constant 480 : i32
      %mul3A_408 = arith.muli %add3A_406, %mul3A_407 : i32
      %add3A_409 = arith.addi %mul3A_2, %mul3A_408 : i32
      %dma_wait3A_410 = tpu.memref_slice %arg3[%add3A_409] : memref<1000000xi32, #tpu.memory_space<hbm>> -> memref<480xi32, #tpu.memory_space<hbm>>
      %dma_wait3A_411 = tpu.memref_slice %arg3[%add3A_409] : memref<1000000xi32, #tpu.memory_space<hbm>> -> memref<480xi32, #tpu.memory_space<hbm>>
      tpu.wait_dma2 semaphore(%arg16 : memref<!tpu.dma_semaphore, #tpu.memory_space<semaphore_mem>>) src(%dma_wait3A_411 : memref<480xi32, #tpu.memory_space<hbm>>) dst(%arg8 : memref<480xi32, #tpu.memory_space<vmem>>)
      %scan3A_412 = arith.constant 0 : i32
      %scan3A_413 = arith.constant 0 : i32
      %scan3A_414 = arith.constant 30 : i32
      %scan3A_415 = arith.addi %scan3A_413, %scan3A_414 : i32
      %scan3A_416 = arith.constant 1 : i32
      scf.for %scan3A_418 = %scan3A_413 to %scan3A_415 step %scan3A_416  : i32 {
        %iota3A_419 = tpu.iota {dimensions = array<i32: 0>} : vector<16xi32>
        %mul3A_420 = arith.constant 16 : i32
        %mul3A_421 = arith.muli %scan3A_418, %mul3A_420 : i32
        %add3A_422 = vector.broadcast %mul3A_421 : i32 to vector<16xi32>
        %add3A_423 = arith.addi %add3A_422, %iota3A_419 : vector<16xi32>
        %broadcast_in_dim3A_424 = arith.constant 0xFF800000 : f32
        %broadcast_in_dim3A_425 = vector.broadcast %broadcast_in_dim3A_424 : f32 to vector<16xf32>
        %broadcast_in_dim3A_426 = arith.constant 0xFF800000 : f32
        %broadcast_in_dim3A_427 = vector.broadcast %broadcast_in_dim3A_426 : f32 to vector<16xf32>
        %broadcast_in_dim3A_428 = arith.constant 0xFF800000 : f32
        %broadcast_in_dim3A_429 = vector.broadcast %broadcast_in_dim3A_428 : f32 to vector<16xf32>
        %broadcast_in_dim3A_430 = arith.constant 0xFF800000 : f32
        %broadcast_in_dim3A_431 = vector.broadcast %broadcast_in_dim3A_430 : f32 to vector<16xf32>
        %broadcast_in_dim3A_432 = arith.constant 0.000000e+00 : f32
        %broadcast_in_dim3A_433 = vector.broadcast %broadcast_in_dim3A_432 : f32 to vector<16xf32>
        %broadcast_in_dim3A_434 = arith.constant 0.000000e+00 : f32
        %broadcast_in_dim3A_435 = vector.broadcast %broadcast_in_dim3A_434 : f32 to vector<16xf32>
        %broadcast_in_dim3A_436 = arith.constant 0.000000e+00 : f32
        %broadcast_in_dim3A_437 = vector.broadcast %broadcast_in_dim3A_436 : f32 to vector<16xf32>
        %broadcast_in_dim3A_438 = arith.constant 0.000000e+00 : f32
        %broadcast_in_dim3A_439 = vector.broadcast %broadcast_in_dim3A_438 : f32 to vector<16xf32>
        %add3A_440 = arith.constant 0 : i32
        %add3A_441 = vector.broadcast %add3A_440 : i32 to vector<16xi32>
        %add3A_442 = arith.addi %iota3A_419, %add3A_441 : vector<16xi32>
        %and3A = arith.constant 63 : i32
        %and3A_443 = vector.broadcast %and3A : i32 to vector<16xi32>
        %and3A_444 = arith.andi %add3A_442, %and3A_443 : vector<16xi32>
        %gather3A_445 = tpu.vector_load_idx %arg6[%add3A_423, %and3A_444] : memref<480x64xf32, #tpu.memory_space<vmem>>[vector<16xi32>, vector<16xi32>], vector<16xf32>,
        %exp3A = math.exp %gather3A_445 : vector<16xf32>
        %add3A_446 = arith.addf %broadcast_in_dim3A_433, %exp3A : vector<16xf32>
        %max3A = arith.maximumf %broadcast_in_dim3A_425, %gather3A_445 : vector<16xf32>
        %add3A_447 = arith.constant 1 : i32
        %add3A_448 = vector.broadcast %add3A_447 : i32 to vector<16xi32>
        %add3A_449 = arith.addi %iota3A_419, %add3A_448 : vector<16xi32>
        %and3A_450 = arith.constant 63 : i32
        %and3A_451 = vector.broadcast %and3A_450 : i32 to vector<16xi32>
        %and3A_452 = arith.andi %add3A_449, %and3A_451 : vector<16xi32>
        %gather3A_453 = tpu.vector_load_idx %arg6[%add3A_423, %and3A_452] : memref<480x64xf32, #tpu.memory_space<vmem>>[vector<16xi32>, vector<16xi32>], vector<16xf32>,
        %exp3A_454 = math.exp %gather3A_453 : vector<16xf32>
        %add3A_455 = arith.addf %broadcast_in_dim3A_435, %exp3A_454 : vector<16xf32>
        %max3A_456 = arith.maximumf %broadcast_in_dim3A_427, %gather3A_453 : vector<16xf32>
        %add3A_457 = arith.constant 2 : i32
        %add3A_458 = vector.broadcast %add3A_457 : i32 to vector<16xi32>
        %add3A_459 = arith.addi %iota3A_419, %add3A_458 : vector<16xi32>
        %and3A_460 = arith.constant 63 : i32
        %and3A_461 = vector.broadcast %and3A_460 : i32 to vector<16xi32>
        %and3A_462 = arith.andi %add3A_459, %and3A_461 : vector<16xi32>
        %gather3A_463 = tpu.vector_load_idx %arg6[%add3A_423, %and3A_462] : memref<480x64xf32, #tpu.memory_space<vmem>>[vector<16xi32>, vector<16xi32>], vector<16xf32>,
        %exp3A_464 = math.exp %gather3A_463 : vector<16xf32>
        %add3A_465 = arith.addf %broadcast_in_dim3A_437, %exp3A_464 : vector<16xf32>
        %max3A_466 = arith.maximumf %broadcast_in_dim3A_429, %gather3A_463 : vector<16xf32>
        %add3A_467 = arith.constant 3 : i32
        %add3A_468 = vector.broadcast %add3A_467 : i32 to vector<16xi32>
        %add3A_469 = arith.addi %iota3A_419, %add3A_468 : vector<16xi32>
        %and3A_470 = arith.constant 63 : i32
        %and3A_471 = vector.broadcast %and3A_470 : i32 to vector<16xi32>
        %and3A_472 = arith.andi %add3A_469, %and3A_471 : vector<16xi32>
        %gather3A_473 = tpu.vector_load_idx %arg6[%add3A_423, %and3A_472] : memref<480x64xf32, #tpu.memory_space<vmem>>[vector<16xi32>, vector<16xi32>], vector<16xf32>,
        %exp3A_474 = math.exp %gather3A_473 : vector<16xf32>
        %add3A_475 = arith.addf %broadcast_in_dim3A_439, %exp3A_474 : vector<16xf32>
        %max3A_476 = arith.maximumf %broadcast_in_dim3A_431, %gather3A_473 : vector<16xf32>
        %add3A_477 = arith.constant 4 : i32
        %add3A_478 = vector.broadcast %add3A_477 : i32 to vector<16xi32>
        %add3A_479 = arith.addi %iota3A_419, %add3A_478 : vector<16xi32>
        %and3A_480 = arith.constant 63 : i32
        %and3A_481 = vector.broadcast %and3A_480 : i32 to vector<16xi32>
        %and3A_482 = arith.andi %add3A_479, %and3A_481 : vector<16xi32>
        %gather3A_483 = tpu.vector_load_idx %arg6[%add3A_423, %and3A_482] : memref<480x64xf32, #tpu.memory_space<vmem>>[vector<16xi32>, vector<16xi32>], vector<16xf32>,
        %exp3A_484 = math.exp %gather3A_483 : vector<16xf32>
        %add3A_485 = arith.addf %add3A_446, %exp3A_484 : vector<16xf32>
        %max3A_486 = arith.maximumf %max3A, %gather3A_483 : vector<16xf32>
        %add3A_487 = arith.constant 5 : i32
        %add3A_488 = vector.broadcast %add3A_487 : i32 to vector<16xi32>
        %add3A_489 = arith.addi %iota3A_419, %add3A_488 : vector<16xi32>
        %and3A_490 = arith.constant 63 : i32
        %and3A_491 = vector.broadcast %and3A_490 : i32 to vector<16xi32>
        %and3A_492 = arith.andi %add3A_489, %and3A_491 : vector<16xi32>
        %gather3A_493 = tpu.vector_load_idx %arg6[%add3A_423, %and3A_492] : memref<480x64xf32, #tpu.memory_space<vmem>>[vector<16xi32>, vector<16xi32>], vector<16xf32>,
        %exp3A_494 = math.exp %gather3A_493 : vector<16xf32>
        %add3A_495 = arith.addf %add3A_455, %exp3A_494 : vector<16xf32>
        %max3A_496 = arith.maximumf %max3A_456, %gather3A_493 : vector<16xf32>
        %add3A_497 = arith.constant 6 : i32
        %add3A_498 = vector.broadcast %add3A_497 : i32 to vector<16xi32>
        %add3A_499 = arith.addi %iota3A_419, %add3A_498 : vector<16xi32>
        %and3A_500 = arith.constant 63 : i32
        %and3A_501 = vector.broadcast %and3A_500 : i32 to vector<16xi32>
        %and3A_502 = arith.andi %add3A_499, %and3A_501 : vector<16xi32>
        %gather3A_503 = tpu.vector_load_idx %arg6[%add3A_423, %and3A_502] : memref<480x64xf32, #tpu.memory_space<vmem>>[vector<16xi32>, vector<16xi32>], vector<16xf32>,
        %exp3A_504 = math.exp %gather3A_503 : vector<16xf32>
        %add3A_505 = arith.addf %add3A_465, %exp3A_504 : vector<16xf32>
        %max3A_506 = arith.maximumf %max3A_466, %gather3A_503 : vector<16xf32>
        %add3A_507 = arith.constant 7 : i32
        %add3A_508 = vector.broadcast %add3A_507 : i32 to vector<16xi32>
        %add3A_509 = arith.addi %iota3A_419, %add3A_508 : vector<16xi32>
        %and3A_510 = arith.constant 63 : i32
        %and3A_511 = vector.broadcast %and3A_510 : i32 to vector<16xi32>
        %and3A_512 = arith.andi %add3A_509, %and3A_511 : vector<16xi32>
        %gather3A_513 = tpu.vector_load_idx %arg6[%add3A_423, %and3A_512] : memref<480x64xf32, #tpu.memory_space<vmem>>[vector<16xi32>, vector<16xi32>], vector<16xf32>,
        %exp3A_514 = math.exp %gather3A_513 : vector<16xf32>
        %add3A_515 = arith.addf %add3A_475, %exp3A_514 : vector<16xf32>
        %max3A_516 = arith.maximumf %max3A_476, %gather3A_513 : vector<16xf32>
        %add3A_517 = arith.constant 8 : i32
        %add3A_518 = vector.broadcast %add3A_517 : i32 to vector<16xi32>
        %add3A_519 = arith.addi %iota3A_419, %add3A_518 : vector<16xi32>
        %and3A_520 = arith.constant 63 : i32
        %and3A_521 = vector.broadcast %and3A_520 : i32 to vector<16xi32>
        %and3A_522 = arith.andi %add3A_519, %and3A_521 : vector<16xi32>
        %gather3A_523 = tpu.vector_load_idx %arg6[%add3A_423, %and3A_522] : memref<480x64xf32, #tpu.memory_space<vmem>>[vector<16xi32>, vector<16xi32>], vector<16xf32>,
        %exp3A_524 = math.exp %gather3A_523 : vector<16xf32>
        %add3A_525 = arith.addf %add3A_485, %exp3A_524 : vector<16xf32>
        %max3A_526 = arith.maximumf %max3A_486, %gather3A_523 : vector<16xf32>
        %add3A_527 = arith.constant 9 : i32
        %add3A_528 = vector.broadcast %add3A_527 : i32 to vector<16xi32>
        %add3A_529 = arith.addi %iota3A_419, %add3A_528 : vector<16xi32>
        %and3A_530 = arith.constant 63 : i32
        %and3A_531 = vector.broadcast %and3A_530 : i32 to vector<16xi32>
        %and3A_532 = arith.andi %add3A_529, %and3A_531 : vector<16xi32>
        %gather3A_533 = tpu.vector_load_idx %arg6[%add3A_423, %and3A_532] : memref<480x64xf32, #tpu.memory_space<vmem>>[vector<16xi32>, vector<16xi32>], vector<16xf32>,
        %exp3A_534 = math.exp %gather3A_533 : vector<16xf32>
        %add3A_535 = arith.addf %add3A_495, %exp3A_534 : vector<16xf32>
        %max3A_536 = arith.maximumf %max3A_496, %gather3A_533 : vector<16xf32>
        %add3A_537 = arith.constant 10 : i32
        %add3A_538 = vector.broadcast %add3A_537 : i32 to vector<16xi32>
        %add3A_539 = arith.addi %iota3A_419, %add3A_538 : vector<16xi32>
        %and3A_540 = arith.constant 63 : i32
        %and3A_541 = vector.broadcast %and3A_540 : i32 to vector<16xi32>
        %and3A_542 = arith.andi %add3A_539, %and3A_541 : vector<16xi32>
        %gather3A_543 = tpu.vector_load_idx %arg6[%add3A_423, %and3A_542] : memref<480x64xf32, #tpu.memory_space<vmem>>[vector<16xi32>, vector<16xi32>], vector<16xf32>,
        %exp3A_544 = math.exp %gather3A_543 : vector<16xf32>
        %add3A_545 = arith.addf %add3A_505, %exp3A_544 : vector<16xf32>
        %max3A_546 = arith.maximumf %max3A_506, %gather3A_543 : vector<16xf32>
        %add3A_547 = arith.constant 11 : i32
        %add3A_548 = vector.broadcast %add3A_547 : i32 to vector<16xi32>
        %add3A_549 = arith.addi %iota3A_419, %add3A_548 : vector<16xi32>
        %and3A_550 = arith.constant 63 : i32
        %and3A_551 = vector.broadcast %and3A_550 : i32 to vector<16xi32>
        %and3A_552 = arith.andi %add3A_549, %and3A_551 : vector<16xi32>
        %gather3A_553 = tpu.vector_load_idx %arg6[%add3A_423, %and3A_552] : memref<480x64xf32, #tpu.memory_space<vmem>>[vector<16xi32>, vector<16xi32>], vector<16xf32>,
        %exp3A_554 = math.exp %gather3A_553 : vector<16xf32>
        %add3A_555 = arith.addf %add3A_515, %exp3A_554 : vector<16xf32>
        %max3A_556 = arith.maximumf %max3A_516, %gather3A_553 : vector<16xf32>
        %add3A_557 = arith.constant 12 : i32
        %add3A_558 = vector.broadcast %add3A_557 : i32 to vector<16xi32>
        %add3A_559 = arith.addi %iota3A_419, %add3A_558 : vector<16xi32>
        %and3A_560 = arith.constant 63 : i32
        %and3A_561 = vector.broadcast %and3A_560 : i32 to vector<16xi32>
        %and3A_562 = arith.andi %add3A_559, %and3A_561 : vector<16xi32>
        %gather3A_563 = tpu.vector_load_idx %arg6[%add3A_423, %and3A_562] : memref<480x64xf32, #tpu.memory_space<vmem>>[vector<16xi32>, vector<16xi32>], vector<16xf32>,
        %exp3A_564 = math.exp %gather3A_563 : vector<16xf32>
        %add3A_565 = arith.addf %add3A_525, %exp3A_564 : vector<16xf32>
        %max3A_566 = arith.maximumf %max3A_526, %gather3A_563 : vector<16xf32>
        %add3A_567 = arith.constant 13 : i32
        %add3A_568 = vector.broadcast %add3A_567 : i32 to vector<16xi32>
        %add3A_569 = arith.addi %iota3A_419, %add3A_568 : vector<16xi32>
        %and3A_570 = arith.constant 63 : i32
        %and3A_571 = vector.broadcast %and3A_570 : i32 to vector<16xi32>
        %and3A_572 = arith.andi %add3A_569, %and3A_571 : vector<16xi32>
        %gather3A_573 = tpu.vector_load_idx %arg6[%add3A_423, %and3A_572] : memref<480x64xf32, #tpu.memory_space<vmem>>[vector<16xi32>, vector<16xi32>], vector<16xf32>,
        %exp3A_574 = math.exp %gather3A_573 : vector<16xf32>
        %add3A_575 = arith.addf %add3A_535, %exp3A_574 : vector<16xf32>
        %max3A_576 = arith.maximumf %max3A_536, %gather3A_573 : vector<16xf32>
        %add3A_577 = arith.constant 14 : i32
        %add3A_578 = vector.broadcast %add3A_577 : i32 to vector<16xi32>
        %add3A_579 = arith.addi %iota3A_419, %add3A_578 : vector<16xi32>
        %and3A_580 = arith.constant 63 : i32
        %and3A_581 = vector.broadcast %and3A_580 : i32 to vector<16xi32>
        %and3A_582 = arith.andi %add3A_579, %and3A_581 : vector<16xi32>
        %gather3A_583 = tpu.vector_load_idx %arg6[%add3A_423, %and3A_582] : memref<480x64xf32, #tpu.memory_space<vmem>>[vector<16xi32>, vector<16xi32>], vector<16xf32>,
        %exp3A_584 = math.exp %gather3A_583 : vector<16xf32>
        %add3A_585 = arith.addf %add3A_545, %exp3A_584 : vector<16xf32>
        %max3A_586 = arith.maximumf %max3A_546, %gather3A_583 : vector<16xf32>
        %add3A_587 = arith.constant 15 : i32
        %add3A_588 = vector.broadcast %add3A_587 : i32 to vector<16xi32>
        %add3A_589 = arith.addi %iota3A_419, %add3A_588 : vector<16xi32>
        %and3A_590 = arith.constant 63 : i32
        %and3A_591 = vector.broadcast %and3A_590 : i32 to vector<16xi32>
        %and3A_592 = arith.andi %add3A_589, %and3A_591 : vector<16xi32>
        %gather3A_593 = tpu.vector_load_idx %arg6[%add3A_423, %and3A_592] : memref<480x64xf32, #tpu.memory_space<vmem>>[vector<16xi32>, vector<16xi32>], vector<16xf32>,
        %exp3A_594 = math.exp %gather3A_593 : vector<16xf32>
        %add3A_595 = arith.addf %add3A_555, %exp3A_594 : vector<16xf32>
        %max3A_596 = arith.maximumf %max3A_556, %gather3A_593 : vector<16xf32>
        %add3A_597 = arith.constant 16 : i32
        %add3A_598 = vector.broadcast %add3A_597 : i32 to vector<16xi32>
        %add3A_599 = arith.addi %iota3A_419, %add3A_598 : vector<16xi32>
        %and3A_600 = arith.constant 63 : i32
        %and3A_601 = vector.broadcast %and3A_600 : i32 to vector<16xi32>
        %and3A_602 = arith.andi %add3A_599, %and3A_601 : vector<16xi32>
        %gather3A_603 = tpu.vector_load_idx %arg6[%add3A_423, %and3A_602] : memref<480x64xf32, #tpu.memory_space<vmem>>[vector<16xi32>, vector<16xi32>], vector<16xf32>,
        %exp3A_604 = math.exp %gather3A_603 : vector<16xf32>
        %add3A_605 = arith.addf %add3A_565, %exp3A_604 : vector<16xf32>
        %max3A_606 = arith.maximumf %max3A_566, %gather3A_603 : vector<16xf32>
        %add3A_607 = arith.constant 17 : i32
        %add3A_608 = vector.broadcast %add3A_607 : i32 to vector<16xi32>
        %add3A_609 = arith.addi %iota3A_419, %add3A_608 : vector<16xi32>
        %and3A_610 = arith.constant 63 : i32
        %and3A_611 = vector.broadcast %and3A_610 : i32 to vector<16xi32>
        %and3A_612 = arith.andi %add3A_609, %and3A_611 : vector<16xi32>
        %gather3A_613 = tpu.vector_load_idx %arg6[%add3A_423, %and3A_612] : memref<480x64xf32, #tpu.memory_space<vmem>>[vector<16xi32>, vector<16xi32>], vector<16xf32>,
        %exp3A_614 = math.exp %gather3A_613 : vector<16xf32>
        %add3A_615 = arith.addf %add3A_575, %exp3A_614 : vector<16xf32>
        %max3A_616 = arith.maximumf %max3A_576, %gather3A_613 : vector<16xf32>
        %add3A_617 = arith.constant 18 : i32
        %add3A_618 = vector.broadcast %add3A_617 : i32 to vector<16xi32>
        %add3A_619 = arith.addi %iota3A_419, %add3A_618 : vector<16xi32>
        %and3A_620 = arith.constant 63 : i32
        %and3A_621 = vector.broadcast %and3A_620 : i32 to vector<16xi32>
        %and3A_622 = arith.andi %add3A_619, %and3A_621 : vector<16xi32>
        %gather3A_623 = tpu.vector_load_idx %arg6[%add3A_423, %and3A_622] : memref<480x64xf32, #tpu.memory_space<vmem>>[vector<16xi32>, vector<16xi32>], vector<16xf32>,
        %exp3A_624 = math.exp %gather3A_623 : vector<16xf32>
        %add3A_625 = arith.addf %add3A_585, %exp3A_624 : vector<16xf32>
        %max3A_626 = arith.maximumf %max3A_586, %gather3A_623 : vector<16xf32>
        %add3A_627 = arith.constant 19 : i32
        %add3A_628 = vector.broadcast %add3A_627 : i32 to vector<16xi32>
        %add3A_629 = arith.addi %iota3A_419, %add3A_628 : vector<16xi32>
        %and3A_630 = arith.constant 63 : i32
        %and3A_631 = vector.broadcast %and3A_630 : i32 to vector<16xi32>
        %and3A_632 = arith.andi %add3A_629, %and3A_631 : vector<16xi32>
        %gather3A_633 = tpu.vector_load_idx %arg6[%add3A_423, %and3A_632] : memref<480x64xf32, #tpu.memory_space<vmem>>[vector<16xi32>, vector<16xi32>], vector<16xf32>,
        %exp3A_634 = math.exp %gather3A_633 : vector<16xf32>
        %add3A_635 = arith.addf %add3A_595, %exp3A_634 : vector<16xf32>
        %max3A_636 = arith.maximumf %max3A_596, %gather3A_633 : vector<16xf32>
        %add3A_637 = arith.constant 20 : i32
        %add3A_638 = vector.broadcast %add3A_637 : i32 to vector<16xi32>
        %add3A_639 = arith.addi %iota3A_419, %add3A_638 : vector<16xi32>
        %and3A_640 = arith.constant 63 : i32
        %and3A_641 = vector.broadcast %and3A_640 : i32 to vector<16xi32>
        %and3A_642 = arith.andi %add3A_639, %and3A_641 : vector<16xi32>
        %gather3A_643 = tpu.vector_load_idx %arg6[%add3A_423, %and3A_642] : memref<480x64xf32, #tpu.memory_space<vmem>>[vector<16xi32>, vector<16xi32>], vector<16xf32>,
        %exp3A_644 = math.exp %gather3A_643 : vector<16xf32>
        %add3A_645 = arith.addf %add3A_605, %exp3A_644 : vector<16xf32>
        %max3A_646 = arith.maximumf %max3A_606, %gather3A_643 : vector<16xf32>
        %add3A_647 = arith.constant 21 : i32
        %add3A_648 = vector.broadcast %add3A_647 : i32 to vector<16xi32>
        %add3A_649 = arith.addi %iota3A_419, %add3A_648 : vector<16xi32>
        %and3A_650 = arith.constant 63 : i32
        %and3A_651 = vector.broadcast %and3A_650 : i32 to vector<16xi32>
        %and3A_652 = arith.andi %add3A_649, %and3A_651 : vector<16xi32>
        %gather3A_653 = tpu.vector_load_idx %arg6[%add3A_423, %and3A_652] : memref<480x64xf32, #tpu.memory_space<vmem>>[vector<16xi32>, vector<16xi32>], vector<16xf32>,
        %exp3A_654 = math.exp %gather3A_653 : vector<16xf32>
        %add3A_655 = arith.addf %add3A_615, %exp3A_654 : vector<16xf32>
        %max3A_656 = arith.maximumf %max3A_616, %gather3A_653 : vector<16xf32>
        %add3A_657 = arith.constant 22 : i32
        %add3A_658 = vector.broadcast %add3A_657 : i32 to vector<16xi32>
        %add3A_659 = arith.addi %iota3A_419, %add3A_658 : vector<16xi32>
        %and3A_660 = arith.constant 63 : i32
        %and3A_661 = vector.broadcast %and3A_660 : i32 to vector<16xi32>
        %and3A_662 = arith.andi %add3A_659, %and3A_661 : vector<16xi32>
        %gather3A_663 = tpu.vector_load_idx %arg6[%add3A_423, %and3A_662] : memref<480x64xf32, #tpu.memory_space<vmem>>[vector<16xi32>, vector<16xi32>], vector<16xf32>,
        %exp3A_664 = math.exp %gather3A_663 : vector<16xf32>
        %add3A_665 = arith.addf %add3A_625, %exp3A_664 : vector<16xf32>
        %max3A_666 = arith.maximumf %max3A_626, %gather3A_663 : vector<16xf32>
        %add3A_667 = arith.constant 23 : i32
        %add3A_668 = vector.broadcast %add3A_667 : i32 to vector<16xi32>
        %add3A_669 = arith.addi %iota3A_419, %add3A_668 : vector<16xi32>
        %and3A_670 = arith.constant 63 : i32
        %and3A_671 = vector.broadcast %and3A_670 : i32 to vector<16xi32>
        %and3A_672 = arith.andi %add3A_669, %and3A_671 : vector<16xi32>
        %gather3A_673 = tpu.vector_load_idx %arg6[%add3A_423, %and3A_672] : memref<480x64xf32, #tpu.memory_space<vmem>>[vector<16xi32>, vector<16xi32>], vector<16xf32>,
        %exp3A_674 = math.exp %gather3A_673 : vector<16xf32>
        %add3A_675 = arith.addf %add3A_635, %exp3A_674 : vector<16xf32>
        %max3A_676 = arith.maximumf %max3A_636, %gather3A_673 : vector<16xf32>
        %add3A_677 = arith.constant 24 : i32
        %add3A_678 = vector.broadcast %add3A_677 : i32 to vector<16xi32>
        %add3A_679 = arith.addi %iota3A_419, %add3A_678 : vector<16xi32>
        %and3A_680 = arith.constant 63 : i32
        %and3A_681 = vector.broadcast %and3A_680 : i32 to vector<16xi32>
        %and3A_682 = arith.andi %add3A_679, %and3A_681 : vector<16xi32>
        %gather3A_683 = tpu.vector_load_idx %arg6[%add3A_423, %and3A_682] : memref<480x64xf32, #tpu.memory_space<vmem>>[vector<16xi32>, vector<16xi32>], vector<16xf32>,
        %exp3A_684 = math.exp %gather3A_683 : vector<16xf32>
        %add3A_685 = arith.addf %add3A_645, %exp3A_684 : vector<16xf32>
        %max3A_686 = arith.maximumf %max3A_646, %gather3A_683 : vector<16xf32>
        %add3A_687 = arith.constant 25 : i32
        %add3A_688 = vector.broadcast %add3A_687 : i32 to vector<16xi32>
        %add3A_689 = arith.addi %iota3A_419, %add3A_688 : vector<16xi32>
        %and3A_690 = arith.constant 63 : i32
        %and3A_691 = vector.broadcast %and3A_690 : i32 to vector<16xi32>
        %and3A_692 = arith.andi %add3A_689, %and3A_691 : vector<16xi32>
        %gather3A_693 = tpu.vector_load_idx %arg6[%add3A_423, %and3A_692] : memref<480x64xf32, #tpu.memory_space<vmem>>[vector<16xi32>, vector<16xi32>], vector<16xf32>,
        %exp3A_694 = math.exp %gather3A_693 : vector<16xf32>
        %add3A_695 = arith.addf %add3A_655, %exp3A_694 : vector<16xf32>
        %max3A_696 = arith.maximumf %max3A_656, %gather3A_693 : vector<16xf32>
        %add3A_697 = arith.constant 26 : i32
        %add3A_698 = vector.broadcast %add3A_697 : i32 to vector<16xi32>
        %add3A_699 = arith.addi %iota3A_419, %add3A_698 : vector<16xi32>
        %and3A_700 = arith.constant 63 : i32
        %and3A_701 = vector.broadcast %and3A_700 : i32 to vector<16xi32>
        %and3A_702 = arith.andi %add3A_699, %and3A_701 : vector<16xi32>
        %gather3A_703 = tpu.vector_load_idx %arg6[%add3A_423, %and3A_702] : memref<480x64xf32, #tpu.memory_space<vmem>>[vector<16xi32>, vector<16xi32>], vector<16xf32>,
        %exp3A_704 = math.exp %gather3A_703 : vector<16xf32>
        %add3A_705 = arith.addf %add3A_665, %exp3A_704 : vector<16xf32>
        %max3A_706 = arith.maximumf %max3A_666, %gather3A_703 : vector<16xf32>
        %add3A_707 = arith.constant 27 : i32
        %add3A_708 = vector.broadcast %add3A_707 : i32 to vector<16xi32>
        %add3A_709 = arith.addi %iota3A_419, %add3A_708 : vector<16xi32>
        %and3A_710 = arith.constant 63 : i32
        %and3A_711 = vector.broadcast %and3A_710 : i32 to vector<16xi32>
        %and3A_712 = arith.andi %add3A_709, %and3A_711 : vector<16xi32>
        %gather3A_713 = tpu.vector_load_idx %arg6[%add3A_423, %and3A_712] : memref<480x64xf32, #tpu.memory_space<vmem>>[vector<16xi32>, vector<16xi32>], vector<16xf32>,
        %exp3A_714 = math.exp %gather3A_713 : vector<16xf32>
        %add3A_715 = arith.addf %add3A_675, %exp3A_714 : vector<16xf32>
        %max3A_716 = arith.maximumf %max3A_676, %gather3A_713 : vector<16xf32>
        %add3A_717 = arith.constant 28 : i32
        %add3A_718 = vector.broadcast %add3A_717 : i32 to vector<16xi32>
        %add3A_719 = arith.addi %iota3A_419, %add3A_718 : vector<16xi32>
        %and3A_720 = arith.constant 63 : i32
        %and3A_721 = vector.broadcast %and3A_720 : i32 to vector<16xi32>
        %and3A_722 = arith.andi %add3A_719, %and3A_721 : vector<16xi32>
        %gather3A_723 = tpu.vector_load_idx %arg6[%add3A_423, %and3A_722] : memref<480x64xf32, #tpu.memory_space<vmem>>[vector<16xi32>, vector<16xi32>], vector<16xf32>,
        %exp3A_724 = math.exp %gather3A_723 : vector<16xf32>
        %add3A_725 = arith.addf %add3A_685, %exp3A_724 : vector<16xf32>
        %max3A_726 = arith.maximumf %max3A_686, %gather3A_723 : vector<16xf32>
        %add3A_727 = arith.constant 29 : i32
        %add3A_728 = vector.broadcast %add3A_727 : i32 to vector<16xi32>
        %add3A_729 = arith.addi %iota3A_419, %add3A_728 : vector<16xi32>
        %and3A_730 = arith.constant 63 : i32
        %and3A_731 = vector.broadcast %and3A_730 : i32 to vector<16xi32>
        %and3A_732 = arith.andi %add3A_729, %and3A_731 : vector<16xi32>
        %gather3A_733 = tpu.vector_load_idx %arg6[%add3A_423, %and3A_732] : memref<480x64xf32, #tpu.memory_space<vmem>>[vector<16xi32>, vector<16xi32>], vector<16xf32>,
        %exp3A_734 = math.exp %gather3A_733 : vector<16xf32>
        %add3A_735 = arith.addf %add3A_695, %exp3A_734 : vector<16xf32>
        %max3A_736 = arith.maximumf %max3A_696, %gather3A_733 : vector<16xf32>
        %add3A_737 = arith.constant 30 : i32
        %add3A_738 = vector.broadcast %add3A_737 : i32 to vector<16xi32>
        %add3A_739 = arith.addi %iota3A_419, %add3A_738 : vector<16xi32>
        %and3A_740 = arith.constant 63 : i32
        %and3A_741 = vector.broadcast %and3A_740 : i32 to vector<16xi32>
        %and3A_742 = arith.andi %add3A_739, %and3A_741 : vector<16xi32>
        %gather3A_743 = tpu.vector_load_idx %arg6[%add3A_423, %and3A_742] : memref<480x64xf32, #tpu.memory_space<vmem>>[vector<16xi32>, vector<16xi32>], vector<16xf32>,
        %exp3A_744 = math.exp %gather3A_743 : vector<16xf32>
        %add3A_745 = arith.addf %add3A_705, %exp3A_744 : vector<16xf32>
        %max3A_746 = arith.maximumf %max3A_706, %gather3A_743 : vector<16xf32>
        %add3A_747 = arith.constant 31 : i32
        %add3A_748 = vector.broadcast %add3A_747 : i32 to vector<16xi32>
        %add3A_749 = arith.addi %iota3A_419, %add3A_748 : vector<16xi32>
        %and3A_750 = arith.constant 63 : i32
        %and3A_751 = vector.broadcast %and3A_750 : i32 to vector<16xi32>
        %and3A_752 = arith.andi %add3A_749, %and3A_751 : vector<16xi32>
        %gather3A_753 = tpu.vector_load_idx %arg6[%add3A_423, %and3A_752] : memref<480x64xf32, #tpu.memory_space<vmem>>[vector<16xi32>, vector<16xi32>], vector<16xf32>,
        %exp3A_754 = math.exp %gather3A_753 : vector<16xf32>
        %add3A_755 = arith.addf %add3A_715, %exp3A_754 : vector<16xf32>
        %max3A_756 = arith.maximumf %max3A_716, %gather3A_753 : vector<16xf32>
        %add3A_757 = arith.constant 32 : i32
        %add3A_758 = vector.broadcast %add3A_757 : i32 to vector<16xi32>
        %add3A_759 = arith.addi %iota3A_419, %add3A_758 : vector<16xi32>
        %and3A_760 = arith.constant 63 : i32
        %and3A_761 = vector.broadcast %and3A_760 : i32 to vector<16xi32>
        %and3A_762 = arith.andi %add3A_759, %and3A_761 : vector<16xi32>
        %gather3A_763 = tpu.vector_load_idx %arg6[%add3A_423, %and3A_762] : memref<480x64xf32, #tpu.memory_space<vmem>>[vector<16xi32>, vector<16xi32>], vector<16xf32>,
        %exp3A_764 = math.exp %gather3A_763 : vector<16xf32>
        %add3A_765 = arith.addf %add3A_725, %exp3A_764 : vector<16xf32>
        %max3A_766 = arith.maximumf %max3A_726, %gather3A_763 : vector<16xf32>
        %add3A_767 = arith.constant 33 : i32
        %add3A_768 = vector.broadcast %add3A_767 : i32 to vector<16xi32>
        %add3A_769 = arith.addi %iota3A_419, %add3A_768 : vector<16xi32>
        %and3A_770 = arith.constant 63 : i32
        %and3A_771 = vector.broadcast %and3A_770 : i32 to vector<16xi32>
        %and3A_772 = arith.andi %add3A_769, %and3A_771 : vector<16xi32>
        %gather3A_773 = tpu.vector_load_idx %arg6[%add3A_423, %and3A_772] : memref<480x64xf32, #tpu.memory_space<vmem>>[vector<16xi32>, vector<16xi32>], vector<16xf32>,
        %exp3A_774 = math.exp %gather3A_773 : vector<16xf32>
        %add3A_775 = arith.addf %add3A_735, %exp3A_774 : vector<16xf32>
        %max3A_776 = arith.maximumf %max3A_736, %gather3A_773 : vector<16xf32>
        %add3A_777 = arith.constant 34 : i32
        %add3A_778 = vector.broadcast %add3A_777 : i32 to vector<16xi32>
        %add3A_779 = arith.addi %iota3A_419, %add3A_778 : vector<16xi32>
        %and3A_780 = arith.constant 63 : i32
        %and3A_781 = vector.broadcast %and3A_780 : i32 to vector<16xi32>
        %and3A_782 = arith.andi %add3A_779, %and3A_781 : vector<16xi32>
        %gather3A_783 = tpu.vector_load_idx %arg6[%add3A_423, %and3A_782] : memref<480x64xf32, #tpu.memory_space<vmem>>[vector<16xi32>, vector<16xi32>], vector<16xf32>,
        %exp3A_784 = math.exp %gather3A_783 : vector<16xf32>
        %add3A_785 = arith.addf %add3A_745, %exp3A_784 : vector<16xf32>
        %max3A_786 = arith.maximumf %max3A_746, %gather3A_783 : vector<16xf32>
        %add3A_787 = arith.constant 35 : i32
        %add3A_788 = vector.broadcast %add3A_787 : i32 to vector<16xi32>
        %add3A_789 = arith.addi %iota3A_419, %add3A_788 : vector<16xi32>
        %and3A_790 = arith.constant 63 : i32
        %and3A_791 = vector.broadcast %and3A_790 : i32 to vector<16xi32>
        %and3A_792 = arith.andi %add3A_789, %and3A_791 : vector<16xi32>
        %gather3A_793 = tpu.vector_load_idx %arg6[%add3A_423, %and3A_792] : memref<480x64xf32, #tpu.memory_space<vmem>>[vector<16xi32>, vector<16xi32>], vector<16xf32>,
        %exp3A_794 = math.exp %gather3A_793 : vector<16xf32>
        %add3A_795 = arith.addf %add3A_755, %exp3A_794 : vector<16xf32>
        %max3A_796 = arith.maximumf %max3A_756, %gather3A_793 : vector<16xf32>
        %add3A_797 = arith.constant 36 : i32
        %add3A_798 = vector.broadcast %add3A_797 : i32 to vector<16xi32>
        %add3A_799 = arith.addi %iota3A_419, %add3A_798 : vector<16xi32>
        %and3A_800 = arith.constant 63 : i32
        %and3A_801 = vector.broadcast %and3A_800 : i32 to vector<16xi32>
        %and3A_802 = arith.andi %add3A_799, %and3A_801 : vector<16xi32>
        %gather3A_803 = tpu.vector_load_idx %arg6[%add3A_423, %and3A_802] : memref<480x64xf32, #tpu.memory_space<vmem>>[vector<16xi32>, vector<16xi32>], vector<16xf32>,
        %exp3A_804 = math.exp %gather3A_803 : vector<16xf32>
        %add3A_805 = arith.addf %add3A_765, %exp3A_804 : vector<16xf32>
        %max3A_806 = arith.maximumf %max3A_766, %gather3A_803 : vector<16xf32>
        %add3A_807 = arith.constant 37 : i32
        %add3A_808 = vector.broadcast %add3A_807 : i32 to vector<16xi32>
        %add3A_809 = arith.addi %iota3A_419, %add3A_808 : vector<16xi32>
        %and3A_810 = arith.constant 63 : i32
        %and3A_811 = vector.broadcast %and3A_810 : i32 to vector<16xi32>
        %and3A_812 = arith.andi %add3A_809, %and3A_811 : vector<16xi32>
        %gather3A_813 = tpu.vector_load_idx %arg6[%add3A_423, %and3A_812] : memref<480x64xf32, #tpu.memory_space<vmem>>[vector<16xi32>, vector<16xi32>], vector<16xf32>,
        %exp3A_814 = math.exp %gather3A_813 : vector<16xf32>
        %add3A_815 = arith.addf %add3A_775, %exp3A_814 : vector<16xf32>
        %max3A_816 = arith.maximumf %max3A_776, %gather3A_813 : vector<16xf32>
        %add3A_817 = arith.constant 38 : i32
        %add3A_818 = vector.broadcast %add3A_817 : i32 to vector<16xi32>
        %add3A_819 = arith.addi %iota3A_419, %add3A_818 : vector<16xi32>
        %and3A_820 = arith.constant 63 : i32
        %and3A_821 = vector.broadcast %and3A_820 : i32 to vector<16xi32>
        %and3A_822 = arith.andi %add3A_819, %and3A_821 : vector<16xi32>
        %gather3A_823 = tpu.vector_load_idx %arg6[%add3A_423, %and3A_822] : memref<480x64xf32, #tpu.memory_space<vmem>>[vector<16xi32>, vector<16xi32>], vector<16xf32>,
        %exp3A_824 = math.exp %gather3A_823 : vector<16xf32>
        %add3A_825 = arith.addf %add3A_785, %exp3A_824 : vector<16xf32>
        %max3A_826 = arith.maximumf %max3A_786, %gather3A_823 : vector<16xf32>
        %add3A_827 = arith.constant 39 : i32
        %add3A_828 = vector.broadcast %add3A_827 : i32 to vector<16xi32>
        %add3A_829 = arith.addi %iota3A_419, %add3A_828 : vector<16xi32>
        %and3A_830 = arith.constant 63 : i32
        %and3A_831 = vector.broadcast %and3A_830 : i32 to vector<16xi32>
        %and3A_832 = arith.andi %add3A_829, %and3A_831 : vector<16xi32>
        %gather3A_833 = tpu.vector_load_idx %arg6[%add3A_423, %and3A_832] : memref<480x64xf32, #tpu.memory_space<vmem>>[vector<16xi32>, vector<16xi32>], vector<16xf32>,
        %exp3A_834 = math.exp %gather3A_833 : vector<16xf32>
        %add3A_835 = arith.addf %add3A_795, %exp3A_834 : vector<16xf32>
        %max3A_836 = arith.maximumf %max3A_796, %gather3A_833 : vector<16xf32>
        %add3A_837 = arith.constant 40 : i32
        %add3A_838 = vector.broadcast %add3A_837 : i32 to vector<16xi32>
        %add3A_839 = arith.addi %iota3A_419, %add3A_838 : vector<16xi32>
        %and3A_840 = arith.constant 63 : i32
        %and3A_841 = vector.broadcast %and3A_840 : i32 to vector<16xi32>
        %and3A_842 = arith.andi %add3A_839, %and3A_841 : vector<16xi32>
        %gather3A_843 = tpu.vector_load_idx %arg6[%add3A_423, %and3A_842] : memref<480x64xf32, #tpu.memory_space<vmem>>[vector<16xi32>, vector<16xi32>], vector<16xf32>,
        %exp3A_844 = math.exp %gather3A_843 : vector<16xf32>
        %add3A_845 = arith.addf %add3A_805, %exp3A_844 : vector<16xf32>
        %max3A_846 = arith.maximumf %max3A_806, %gather3A_843 : vector<16xf32>
        %add3A_847 = arith.constant 41 : i32
        %add3A_848 = vector.broadcast %add3A_847 : i32 to vector<16xi32>
        %add3A_849 = arith.addi %iota3A_419, %add3A_848 : vector<16xi32>
        %and3A_850 = arith.constant 63 : i32
        %and3A_851 = vector.broadcast %and3A_850 : i32 to vector<16xi32>
        %and3A_852 = arith.andi %add3A_849, %and3A_851 : vector<16xi32>
        %gather3A_853 = tpu.vector_load_idx %arg6[%add3A_423, %and3A_852] : memref<480x64xf32, #tpu.memory_space<vmem>>[vector<16xi32>, vector<16xi32>], vector<16xf32>,
        %exp3A_854 = math.exp %gather3A_853 : vector<16xf32>
        %add3A_855 = arith.addf %add3A_815, %exp3A_854 : vector<16xf32>
        %max3A_856 = arith.maximumf %max3A_816, %gather3A_853 : vector<16xf32>
        %add3A_857 = arith.constant 42 : i32
        %add3A_858 = vector.broadcast %add3A_857 : i32 to vector<16xi32>
        %add3A_859 = arith.addi %iota3A_419, %add3A_858 : vector<16xi32>
        %and3A_860 = arith.constant 63 : i32
        %and3A_861 = vector.broadcast %and3A_860 : i32 to vector<16xi32>
        %and3A_862 = arith.andi %add3A_859, %and3A_861 : vector<16xi32>
        %gather3A_863 = tpu.vector_load_idx %arg6[%add3A_423, %and3A_862] : memref<480x64xf32, #tpu.memory_space<vmem>>[vector<16xi32>, vector<16xi32>], vector<16xf32>,
        %exp3A_864 = math.exp %gather3A_863 : vector<16xf32>
        %add3A_865 = arith.addf %add3A_825, %exp3A_864 : vector<16xf32>
        %max3A_866 = arith.maximumf %max3A_826, %gather3A_863 : vector<16xf32>
        %add3A_867 = arith.constant 43 : i32
        %add3A_868 = vector.broadcast %add3A_867 : i32 to vector<16xi32>
        %add3A_869 = arith.addi %iota3A_419, %add3A_868 : vector<16xi32>
        %and3A_870 = arith.constant 63 : i32
        %and3A_871 = vector.broadcast %and3A_870 : i32 to vector<16xi32>
        %and3A_872 = arith.andi %add3A_869, %and3A_871 : vector<16xi32>
        %gather3A_873 = tpu.vector_load_idx %arg6[%add3A_423, %and3A_872] : memref<480x64xf32, #tpu.memory_space<vmem>>[vector<16xi32>, vector<16xi32>], vector<16xf32>,
        %exp3A_874 = math.exp %gather3A_873 : vector<16xf32>
        %add3A_875 = arith.addf %add3A_835, %exp3A_874 : vector<16xf32>
        %max3A_876 = arith.maximumf %max3A_836, %gather3A_873 : vector<16xf32>
        %add3A_877 = arith.constant 44 : i32
        %add3A_878 = vector.broadcast %add3A_877 : i32 to vector<16xi32>
        %add3A_879 = arith.addi %iota3A_419, %add3A_878 : vector<16xi32>
        %and3A_880 = arith.constant 63 : i32
        %and3A_881 = vector.broadcast %and3A_880 : i32 to vector<16xi32>
        %and3A_882 = arith.andi %add3A_879, %and3A_881 : vector<16xi32>
        %gather3A_883 = tpu.vector_load_idx %arg6[%add3A_423, %and3A_882] : memref<480x64xf32, #tpu.memory_space<vmem>>[vector<16xi32>, vector<16xi32>], vector<16xf32>,
        %exp3A_884 = math.exp %gather3A_883 : vector<16xf32>
        %add3A_885 = arith.addf %add3A_845, %exp3A_884 : vector<16xf32>
        %max3A_886 = arith.maximumf %max3A_846, %gather3A_883 : vector<16xf32>
        %add3A_887 = arith.constant 45 : i32
        %add3A_888 = vector.broadcast %add3A_887 : i32 to vector<16xi32>
        %add3A_889 = arith.addi %iota3A_419, %add3A_888 : vector<16xi32>
        %and3A_890 = arith.constant 63 : i32
        %and3A_891 = vector.broadcast %and3A_890 : i32 to vector<16xi32>
        %and3A_892 = arith.andi %add3A_889, %and3A_891 : vector<16xi32>
        %gather3A_893 = tpu.vector_load_idx %arg6[%add3A_423, %and3A_892] : memref<480x64xf32, #tpu.memory_space<vmem>>[vector<16xi32>, vector<16xi32>], vector<16xf32>,
        %exp3A_894 = math.exp %gather3A_893 : vector<16xf32>
        %add3A_895 = arith.addf %add3A_855, %exp3A_894 : vector<16xf32>
        %max3A_896 = arith.maximumf %max3A_856, %gather3A_893 : vector<16xf32>
        %add3A_897 = arith.constant 46 : i32
        %add3A_898 = vector.broadcast %add3A_897 : i32 to vector<16xi32>
        %add3A_899 = arith.addi %iota3A_419, %add3A_898 : vector<16xi32>
        %and3A_900 = arith.constant 63 : i32
        %and3A_901 = vector.broadcast %and3A_900 : i32 to vector<16xi32>
        %and3A_902 = arith.andi %add3A_899, %and3A_901 : vector<16xi32>
        %gather3A_903 = tpu.vector_load_idx %arg6[%add3A_423, %and3A_902] : memref<480x64xf32, #tpu.memory_space<vmem>>[vector<16xi32>, vector<16xi32>], vector<16xf32>,
        %exp3A_904 = math.exp %gather3A_903 : vector<16xf32>
        %add3A_905 = arith.addf %add3A_865, %exp3A_904 : vector<16xf32>
        %max3A_906 = arith.maximumf %max3A_866, %gather3A_903 : vector<16xf32>
        %add3A_907 = arith.constant 47 : i32
        %add3A_908 = vector.broadcast %add3A_907 : i32 to vector<16xi32>
        %add3A_909 = arith.addi %iota3A_419, %add3A_908 : vector<16xi32>
        %and3A_910 = arith.constant 63 : i32
        %and3A_911 = vector.broadcast %and3A_910 : i32 to vector<16xi32>
        %and3A_912 = arith.andi %add3A_909, %and3A_911 : vector<16xi32>
        %gather3A_913 = tpu.vector_load_idx %arg6[%add3A_423, %and3A_912] : memref<480x64xf32, #tpu.memory_space<vmem>>[vector<16xi32>, vector<16xi32>], vector<16xf32>,
        %exp3A_914 = math.exp %gather3A_913 : vector<16xf32>
        %add3A_915 = arith.addf %add3A_875, %exp3A_914 : vector<16xf32>
        %max3A_916 = arith.maximumf %max3A_876, %gather3A_913 : vector<16xf32>
        %add3A_917 = arith.constant 48 : i32
        %add3A_918 = vector.broadcast %add3A_917 : i32 to vector<16xi32>
        %add3A_919 = arith.addi %iota3A_419, %add3A_918 : vector<16xi32>
        %and3A_920 = arith.constant 63 : i32
        %and3A_921 = vector.broadcast %and3A_920 : i32 to vector<16xi32>
        %and3A_922 = arith.andi %add3A_919, %and3A_921 : vector<16xi32>
        %gather3A_923 = tpu.vector_load_idx %arg6[%add3A_423, %and3A_922] : memref<480x64xf32, #tpu.memory_space<vmem>>[vector<16xi32>, vector<16xi32>], vector<16xf32>,
        %exp3A_924 = math.exp %gather3A_923 : vector<16xf32>
        %add3A_925 = arith.addf %add3A_885, %exp3A_924 : vector<16xf32>
        %max3A_926 = arith.maximumf %max3A_886, %gather3A_923 : vector<16xf32>
        %add3A_927 = arith.constant 49 : i32
        %add3A_928 = vector.broadcast %add3A_927 : i32 to vector<16xi32>
        %add3A_929 = arith.addi %iota3A_419, %add3A_928 : vector<16xi32>
        %and3A_930 = arith.constant 63 : i32
        %and3A_931 = vector.broadcast %and3A_930 : i32 to vector<16xi32>
        %and3A_932 = arith.andi %add3A_929, %and3A_931 : vector<16xi32>
        %gather3A_933 = tpu.vector_load_idx %arg6[%add3A_423, %and3A_932] : memref<480x64xf32, #tpu.memory_space<vmem>>[vector<16xi32>, vector<16xi32>], vector<16xf32>,
        %exp3A_934 = math.exp %gather3A_933 : vector<16xf32>
        %add3A_935 = arith.addf %add3A_895, %exp3A_934 : vector<16xf32>
        %max3A_936 = arith.maximumf %max3A_896, %gather3A_933 : vector<16xf32>
        %add3A_937 = arith.constant 50 : i32
        %add3A_938 = vector.broadcast %add3A_937 : i32 to vector<16xi32>
        %add3A_939 = arith.addi %iota3A_419, %add3A_938 : vector<16xi32>
        %and3A_940 = arith.constant 63 : i32
        %and3A_941 = vector.broadcast %and3A_940 : i32 to vector<16xi32>
        %and3A_942 = arith.andi %add3A_939, %and3A_941 : vector<16xi32>
        %gather3A_943 = tpu.vector_load_idx %arg6[%add3A_423, %and3A_942] : memref<480x64xf32, #tpu.memory_space<vmem>>[vector<16xi32>, vector<16xi32>], vector<16xf32>,
        %exp3A_944 = math.exp %gather3A_943 : vector<16xf32>
        %add3A_945 = arith.addf %add3A_905, %exp3A_944 : vector<16xf32>
        %max3A_946 = arith.maximumf %max3A_906, %gather3A_943 : vector<16xf32>
        %add3A_947 = arith.constant 51 : i32
        %add3A_948 = vector.broadcast %add3A_947 : i32 to vector<16xi32>
        %add3A_949 = arith.addi %iota3A_419, %add3A_948 : vector<16xi32>
        %and3A_950 = arith.constant 63 : i32
        %and3A_951 = vector.broadcast %and3A_950 : i32 to vector<16xi32>
        %and3A_952 = arith.andi %add3A_949, %and3A_951 : vector<16xi32>
        %gather3A_953 = tpu.vector_load_idx %arg6[%add3A_423, %and3A_952] : memref<480x64xf32, #tpu.memory_space<vmem>>[vector<16xi32>, vector<16xi32>], vector<16xf32>,
        %exp3A_954 = math.exp %gather3A_953 : vector<16xf32>
        %add3A_955 = arith.addf %add3A_915, %exp3A_954 : vector<16xf32>
        %max3A_956 = arith.maximumf %max3A_916, %gather3A_953 : vector<16xf32>
        %add3A_957 = arith.constant 52 : i32
        %add3A_958 = vector.broadcast %add3A_957 : i32 to vector<16xi32>
        %add3A_959 = arith.addi %iota3A_419, %add3A_958 : vector<16xi32>
        %and3A_960 = arith.constant 63 : i32
        %and3A_961 = vector.broadcast %and3A_960 : i32 to vector<16xi32>
        %and3A_962 = arith.andi %add3A_959, %and3A_961 : vector<16xi32>
        %gather3A_963 = tpu.vector_load_idx %arg6[%add3A_423, %and3A_962] : memref<480x64xf32, #tpu.memory_space<vmem>>[vector<16xi32>, vector<16xi32>], vector<16xf32>,
        %exp3A_964 = math.exp %gather3A_963 : vector<16xf32>
        %add3A_965 = arith.addf %add3A_925, %exp3A_964 : vector<16xf32>
        %max3A_966 = arith.maximumf %max3A_926, %gather3A_963 : vector<16xf32>
        %add3A_967 = arith.constant 53 : i32
        %add3A_968 = vector.broadcast %add3A_967 : i32 to vector<16xi32>
        %add3A_969 = arith.addi %iota3A_419, %add3A_968 : vector<16xi32>
        %and3A_970 = arith.constant 63 : i32
        %and3A_971 = vector.broadcast %and3A_970 : i32 to vector<16xi32>
        %and3A_972 = arith.andi %add3A_969, %and3A_971 : vector<16xi32>
        %gather3A_973 = tpu.vector_load_idx %arg6[%add3A_423, %and3A_972] : memref<480x64xf32, #tpu.memory_space<vmem>>[vector<16xi32>, vector<16xi32>], vector<16xf32>,
        %exp3A_974 = math.exp %gather3A_973 : vector<16xf32>
        %add3A_975 = arith.addf %add3A_935, %exp3A_974 : vector<16xf32>
        %max3A_976 = arith.maximumf %max3A_936, %gather3A_973 : vector<16xf32>
        %add3A_977 = arith.constant 54 : i32
        %add3A_978 = vector.broadcast %add3A_977 : i32 to vector<16xi32>
        %add3A_979 = arith.addi %iota3A_419, %add3A_978 : vector<16xi32>
        %and3A_980 = arith.constant 63 : i32
        %and3A_981 = vector.broadcast %and3A_980 : i32 to vector<16xi32>
        %and3A_982 = arith.andi %add3A_979, %and3A_981 : vector<16xi32>
        %gather3A_983 = tpu.vector_load_idx %arg6[%add3A_423, %and3A_982] : memref<480x64xf32, #tpu.memory_space<vmem>>[vector<16xi32>, vector<16xi32>], vector<16xf32>,
        %exp3A_984 = math.exp %gather3A_983 : vector<16xf32>
        %add3A_985 = arith.addf %add3A_945, %exp3A_984 : vector<16xf32>
        %max3A_986 = arith.maximumf %max3A_946, %gather3A_983 : vector<16xf32>
        %add3A_987 = arith.constant 55 : i32
        %add3A_988 = vector.broadcast %add3A_987 : i32 to vector<16xi32>
        %add3A_989 = arith.addi %iota3A_419, %add3A_988 : vector<16xi32>
        %and3A_990 = arith.constant 63 : i32
        %and3A_991 = vector.broadcast %and3A_990 : i32 to vector<16xi32>
        %and3A_992 = arith.andi %add3A_989, %and3A_991 : vector<16xi32>
        %gather3A_993 = tpu.vector_load_idx %arg6[%add3A_423, %and3A_992] : memref<480x64xf32, #tpu.memory_space<vmem>>[vector<16xi32>, vector<16xi32>], vector<16xf32>,
        %exp3A_994 = math.exp %gather3A_993 : vector<16xf32>
        %add3A_995 = arith.addf %add3A_955, %exp3A_994 : vector<16xf32>
        %max3A_996 = arith.maximumf %max3A_956, %gather3A_993 : vector<16xf32>
        %add3A_997 = arith.constant 56 : i32
        %add3A_998 = vector.broadcast %add3A_997 : i32 to vector<16xi32>
        %add3A_999 = arith.addi %iota3A_419, %add3A_998 : vector<16xi32>
        %and3A_1000 = arith.constant 63 : i32
        %and3A_1001 = vector.broadcast %and3A_1000 : i32 to vector<16xi32>
        %and3A_1002 = arith.andi %add3A_999, %and3A_1001 : vector<16xi32>
        %gather3A_1003 = tpu.vector_load_idx %arg6[%add3A_423, %and3A_1002] : memref<480x64xf32, #tpu.memory_space<vmem>>[vector<16xi32>, vector<16xi32>], vector<16xf32>,
        %exp3A_1004 = math.exp %gather3A_1003 : vector<16xf32>
        %add3A_1005 = arith.addf %add3A_965, %exp3A_1004 : vector<16xf32>
        %max3A_1006 = arith.maximumf %max3A_966, %gather3A_1003 : vector<16xf32>
        %add3A_1007 = arith.constant 57 : i32
        %add3A_1008 = vector.broadcast %add3A_1007 : i32 to vector<16xi32>
        %add3A_1009 = arith.addi %iota3A_419, %add3A_1008 : vector<16xi32>
        %and3A_1010 = arith.constant 63 : i32
        %and3A_1011 = vector.broadcast %and3A_1010 : i32 to vector<16xi32>
        %and3A_1012 = arith.andi %add3A_1009, %and3A_1011 : vector<16xi32>
        %gather3A_1013 = tpu.vector_load_idx %arg6[%add3A_423, %and3A_1012] : memref<480x64xf32, #tpu.memory_space<vmem>>[vector<16xi32>, vector<16xi32>], vector<16xf32>,
        %exp3A_1014 = math.exp %gather3A_1013 : vector<16xf32>
        %add3A_1015 = arith.addf %add3A_975, %exp3A_1014 : vector<16xf32>
        %max3A_1016 = arith.maximumf %max3A_976, %gather3A_1013 : vector<16xf32>
        %add3A_1017 = arith.constant 58 : i32
        %add3A_1018 = vector.broadcast %add3A_1017 : i32 to vector<16xi32>
        %add3A_1019 = arith.addi %iota3A_419, %add3A_1018 : vector<16xi32>
        %and3A_1020 = arith.constant 63 : i32
        %and3A_1021 = vector.broadcast %and3A_1020 : i32 to vector<16xi32>
        %and3A_1022 = arith.andi %add3A_1019, %and3A_1021 : vector<16xi32>
        %gather3A_1023 = tpu.vector_load_idx %arg6[%add3A_423, %and3A_1022] : memref<480x64xf32, #tpu.memory_space<vmem>>[vector<16xi32>, vector<16xi32>], vector<16xf32>,
        %exp3A_1024 = math.exp %gather3A_1023 : vector<16xf32>
        %add3A_1025 = arith.addf %add3A_985, %exp3A_1024 : vector<16xf32>
        %max3A_1026 = arith.maximumf %max3A_986, %gather3A_1023 : vector<16xf32>
        %add3A_1027 = arith.constant 59 : i32
        %add3A_1028 = vector.broadcast %add3A_1027 : i32 to vector<16xi32>
        %add3A_1029 = arith.addi %iota3A_419, %add3A_1028 : vector<16xi32>
        %and3A_1030 = arith.constant 63 : i32
        %and3A_1031 = vector.broadcast %and3A_1030 : i32 to vector<16xi32>
        %and3A_1032 = arith.andi %add3A_1029, %and3A_1031 : vector<16xi32>
        %gather3A_1033 = tpu.vector_load_idx %arg6[%add3A_423, %and3A_1032] : memref<480x64xf32, #tpu.memory_space<vmem>>[vector<16xi32>, vector<16xi32>], vector<16xf32>,
        %exp3A_1034 = math.exp %gather3A_1033 : vector<16xf32>
        %add3A_1035 = arith.addf %add3A_995, %exp3A_1034 : vector<16xf32>
        %max3A_1036 = arith.maximumf %max3A_996, %gather3A_1033 : vector<16xf32>
        %add3A_1037 = arith.constant 60 : i32
        %add3A_1038 = vector.broadcast %add3A_1037 : i32 to vector<16xi32>
        %add3A_1039 = arith.addi %iota3A_419, %add3A_1038 : vector<16xi32>
        %and3A_1040 = arith.constant 63 : i32
        %and3A_1041 = vector.broadcast %and3A_1040 : i32 to vector<16xi32>
        %and3A_1042 = arith.andi %add3A_1039, %and3A_1041 : vector<16xi32>
        %gather3A_1043 = tpu.vector_load_idx %arg6[%add3A_423, %and3A_1042] : memref<480x64xf32, #tpu.memory_space<vmem>>[vector<16xi32>, vector<16xi32>], vector<16xf32>,
        %exp3A_1044 = math.exp %gather3A_1043 : vector<16xf32>
        %add3A_1045 = arith.addf %add3A_1005, %exp3A_1044 : vector<16xf32>
        %max3A_1046 = arith.maximumf %max3A_1006, %gather3A_1043 : vector<16xf32>
        %add3A_1047 = arith.constant 61 : i32
        %add3A_1048 = vector.broadcast %add3A_1047 : i32 to vector<16xi32>
        %add3A_1049 = arith.addi %iota3A_419, %add3A_1048 : vector<16xi32>
        %and3A_1050 = arith.constant 63 : i32
        %and3A_1051 = vector.broadcast %and3A_1050 : i32 to vector<16xi32>
        %and3A_1052 = arith.andi %add3A_1049, %and3A_1051 : vector<16xi32>
        %gather3A_1053 = tpu.vector_load_idx %arg6[%add3A_423, %and3A_1052] : memref<480x64xf32, #tpu.memory_space<vmem>>[vector<16xi32>, vector<16xi32>], vector<16xf32>,
        %exp3A_1054 = math.exp %gather3A_1053 : vector<16xf32>
        %add3A_1055 = arith.addf %add3A_1015, %exp3A_1054 : vector<16xf32>
        %max3A_1056 = arith.maximumf %max3A_1016, %gather3A_1053 : vector<16xf32>
        %add3A_1057 = arith.constant 62 : i32
        %add3A_1058 = vector.broadcast %add3A_1057 : i32 to vector<16xi32>
        %add3A_1059 = arith.addi %iota3A_419, %add3A_1058 : vector<16xi32>
        %and3A_1060 = arith.constant 63 : i32
        %and3A_1061 = vector.broadcast %and3A_1060 : i32 to vector<16xi32>
        %and3A_1062 = arith.andi %add3A_1059, %and3A_1061 : vector<16xi32>
        %gather3A_1063 = tpu.vector_load_idx %arg6[%add3A_423, %and3A_1062] : memref<480x64xf32, #tpu.memory_space<vmem>>[vector<16xi32>, vector<16xi32>], vector<16xf32>,
        %exp3A_1064 = math.exp %gather3A_1063 : vector<16xf32>
        %add3A_1065 = arith.addf %add3A_1025, %exp3A_1064 : vector<16xf32>
        %max3A_1066 = arith.maximumf %max3A_1026, %gather3A_1063 : vector<16xf32>
        %add3A_1067 = arith.constant 63 : i32
        %add3A_1068 = vector.broadcast %add3A_1067 : i32 to vector<16xi32>
        %add3A_1069 = arith.addi %iota3A_419, %add3A_1068 : vector<16xi32>
        %and3A_1070 = arith.constant 63 : i32
        %and3A_1071 = vector.broadcast %and3A_1070 : i32 to vector<16xi32>
        %and3A_1072 = arith.andi %add3A_1069, %and3A_1071 : vector<16xi32>
        %gather3A_1073 = tpu.vector_load_idx %arg6[%add3A_423, %and3A_1072] : memref<480x64xf32, #tpu.memory_space<vmem>>[vector<16xi32>, vector<16xi32>], vector<16xf32>,
        %exp3A_1074 = math.exp %gather3A_1073 : vector<16xf32>
        %add3A_1075 = arith.addf %add3A_1035, %exp3A_1074 : vector<16xf32>
        %max3A_1076 = arith.maximumf %max3A_1036, %gather3A_1073 : vector<16xf32>
        %add3A_1077 = arith.addf %add3A_1045, %add3A_1055 : vector<16xf32>
        %add3A_1078 = arith.addf %add3A_1065, %add3A_1075 : vector<16xf32>
        %add3A_1079 = arith.addf %add3A_1077, %add3A_1078 : vector<16xf32>
        %max3A_1080 = arith.maximumf %max3A_1046, %max3A_1056 : vector<16xf32>
        %max3A_1081 = arith.maximumf %max3A_1066, %max3A_1076 : vector<16xf32>
        %max3A_1082 = arith.maximumf %max3A_1080, %max3A_1081 : vector<16xf32>
        %exp3A_1083 = math.exp %max3A_1082 : vector<16xf32>
        %div3A = arith.divf %exp3A_1083, %add3A_1079 : vector<16xf32>
        %gather3A_1084 = tpu.vector_load_idx %arg8[%add3A_423] : memref<480xi32, #tpu.memory_space<vmem>>[vector<16xi32>], vector<16xi32>,
        %gather3A_1085 = tpu.vector_load_idx %arg6[%add3A_423, %gather3A_1084] : memref<480x64xf32, #tpu.memory_space<vmem>>[vector<16xi32>, vector<16xi32>], vector<16xf32>,
        %eq3A = arith.cmpf oeq, %gather3A_1085, %max3A_1082 : vector<16xf32>
        %jit3A = arith.constant 1.000000e+00 : f32
        %jit3A_1086 = arith.constant 0.000000e+00 : f32
        %broadcast_in_dim3A_1087 = vector.broadcast %jit3A : f32 to vector<16xf32>
        %broadcast_in_dim3A_1088 = vector.broadcast %jit3A_1086 : f32 to vector<16xf32>
        %select_n3A = arith.select %eq3A, %broadcast_in_dim3A_1087, %broadcast_in_dim3A_1088 : vector<16xi1>, vector<16xf32>
        %mul3A_1089 = arith.constant 1.500000e+01 : f32
        %mul3A_1090 = vector.broadcast %mul3A_1089 : f32 to vector<16xf32>
        %mul3A_1091 = arith.mulf %div3A, %mul3A_1090 : vector<16xf32>
        %convert_element_type3A_1092 = arith.fptosi %mul3A_1091 : vector<16xf32> to vector<16xi32>
        %convert_element_type3A_1093 = arith.sitofp %convert_element_type3A_1092 : vector<16xi32> to vector<16xf32>
        %eq3A_1094 = arith.cmpf oeq, %convert_element_type3A_1093, %mul3A_1091 : vector<16xf32>
        %convert_element_type3A_1095 = arith.extui %eq3A_1094 : vector<16xi1> to vector<16xi32>
        %sub3A = arith.subi %convert_element_type3A_1092, %convert_element_type3A_1095 : vector<16xi32>
        %min3A = arith.constant 14 : i32
        %min3A_1096 = vector.broadcast %min3A : i32 to vector<16xi32>
        %min3A_1097 = arith.minsi %sub3A, %min3A_1096 : vector<16xi32>
        %mul3A_1098 = arith.constant 16 : i32
        %mul3A_1099 = vector.broadcast %mul3A_1098 : i32 to vector<16xi32>
        %mul3A_1100 = arith.muli %iota3A_419, %mul3A_1099 : vector<16xi32>
        %add3A_1101 = arith.addi %mul3A_1100, %min3A_1097 : vector<16xi32>
        %broadcast_in_dim3A_1102 = arith.constant 1.000000e+00 : f32
        %broadcast_in_dim3A_1103 = vector.broadcast %broadcast_in_dim3A_1102 : f32 to vector<16xf32>
        tpu.vector_store_idx %arg9[%add3A_1101], %broadcast_in_dim3A_1103 {add = true} : memref<256xf32, #tpu.memory_space<vmem>>[vector<16xi32>], vector<16xf32>,
        tpu.vector_store_idx %arg10[%add3A_1101], %select_n3A {add = true} : memref<256xf32, #tpu.memory_space<vmem>>[vector<16xi32>], vector<16xf32>,
        tpu.vector_store_idx %arg11[%add3A_1101], %div3A {add = true} : memref<256xf32, #tpu.memory_space<vmem>>[vector<16xi32>], vector<16xf32>,
      }
      %scan3A_417 = arith.constant 30 : i32
    }
    %scan3A_112 = arith.constant 32 : i32
    %add3A_113 = arith.constant 0 : i32
    %add3A_114 = vector.broadcast %add3A_113 : i32 to vector<16xi32>
    %add3A_115 = arith.addi %add3A_114, %iota3A : vector<16xi32>
    %gather3A = tpu.vector_load_idx %arg9[%add3A_115] : memref<256xf32, #tpu.memory_space<vmem>>[vector<16xi32>], vector<16xf32>,
    %add3A_116 = arith.addf %broadcast_in_dim3A_3, %gather3A : vector<16xf32>
    %add3A_117 = arith.constant 16 : i32
    %add3A_118 = vector.broadcast %add3A_117 : i32 to vector<16xi32>
    %add3A_119 = arith.addi %add3A_118, %iota3A : vector<16xi32>
    %gather3A_120 = tpu.vector_load_idx %arg9[%add3A_119] : memref<256xf32, #tpu.memory_space<vmem>>[vector<16xi32>], vector<16xf32>,
    %add3A_121 = arith.addf %add3A_116, %gather3A_120 : vector<16xf32>
    %add3A_122 = arith.constant 32 : i32
    %add3A_123 = vector.broadcast %add3A_122 : i32 to vector<16xi32>
    %add3A_124 = arith.addi %add3A_123, %iota3A : vector<16xi32>
    %gather3A_125 = tpu.vector_load_idx %arg9[%add3A_124] : memref<256xf32, #tpu.memory_space<vmem>>[vector<16xi32>], vector<16xf32>,
    %add3A_126 = arith.addf %add3A_121, %gather3A_125 : vector<16xf32>
    %add3A_127 = arith.constant 48 : i32
    %add3A_128 = vector.broadcast %add3A_127 : i32 to vector<16xi32>
    %add3A_129 = arith.addi %add3A_128, %iota3A : vector<16xi32>
    %gather3A_130 = tpu.vector_load_idx %arg9[%add3A_129] : memref<256xf32, #tpu.memory_space<vmem>>[vector<16xi32>], vector<16xf32>,
    %add3A_131 = arith.addf %add3A_126, %gather3A_130 : vector<16xf32>
    %add3A_132 = arith.constant 64 : i32
    %add3A_133 = vector.broadcast %add3A_132 : i32 to vector<16xi32>
    %add3A_134 = arith.addi %add3A_133, %iota3A : vector<16xi32>
    %gather3A_135 = tpu.vector_load_idx %arg9[%add3A_134] : memref<256xf32, #tpu.memory_space<vmem>>[vector<16xi32>], vector<16xf32>,
    %add3A_136 = arith.addf %add3A_131, %gather3A_135 : vector<16xf32>
    %add3A_137 = arith.constant 80 : i32
    %add3A_138 = vector.broadcast %add3A_137 : i32 to vector<16xi32>
    %add3A_139 = arith.addi %add3A_138, %iota3A : vector<16xi32>
    %gather3A_140 = tpu.vector_load_idx %arg9[%add3A_139] : memref<256xf32, #tpu.memory_space<vmem>>[vector<16xi32>], vector<16xf32>,
    %add3A_141 = arith.addf %add3A_136, %gather3A_140 : vector<16xf32>
    %add3A_142 = arith.constant 96 : i32
    %add3A_143 = vector.broadcast %add3A_142 : i32 to vector<16xi32>
    %add3A_144 = arith.addi %add3A_143, %iota3A : vector<16xi32>
    %gather3A_145 = tpu.vector_load_idx %arg9[%add3A_144] : memref<256xf32, #tpu.memory_space<vmem>>[vector<16xi32>], vector<16xf32>,
    %add3A_146 = arith.addf %add3A_141, %gather3A_145 : vector<16xf32>
    %add3A_147 = arith.constant 112 : i32
    %add3A_148 = vector.broadcast %add3A_147 : i32 to vector<16xi32>
    %add3A_149 = arith.addi %add3A_148, %iota3A : vector<16xi32>
    %gather3A_150 = tpu.vector_load_idx %arg9[%add3A_149] : memref<256xf32, #tpu.memory_space<vmem>>[vector<16xi32>], vector<16xf32>,
    %add3A_151 = arith.addf %add3A_146, %gather3A_150 : vector<16xf32>
    %add3A_152 = arith.constant 128 : i32
    %add3A_153 = vector.broadcast %add3A_152 : i32 to vector<16xi32>
    %add3A_154 = arith.addi %add3A_153, %iota3A : vector<16xi32>
    %gather3A_155 = tpu.vector_load_idx %arg9[%add3A_154] : memref<256xf32, #tpu.memory_space<vmem>>[vector<16xi32>], vector<16xf32>,
    %add3A_156 = arith.addf %add3A_151, %gather3A_155 : vector<16xf32>
    %add3A_157 = arith.constant 144 : i32
    %add3A_158 = vector.broadcast %add3A_157 : i32 to vector<16xi32>
    %add3A_159 = arith.addi %add3A_158, %iota3A : vector<16xi32>
    %gather3A_160 = tpu.vector_load_idx %arg9[%add3A_159] : memref<256xf32, #tpu.memory_space<vmem>>[vector<16xi32>], vector<16xf32>,
    %add3A_161 = arith.addf %add3A_156, %gather3A_160 : vector<16xf32>
    %add3A_162 = arith.constant 160 : i32
    %add3A_163 = vector.broadcast %add3A_162 : i32 to vector<16xi32>
    %add3A_164 = arith.addi %add3A_163, %iota3A : vector<16xi32>
    %gather3A_165 = tpu.vector_load_idx %arg9[%add3A_164] : memref<256xf32, #tpu.memory_space<vmem>>[vector<16xi32>], vector<16xf32>,
    %add3A_166 = arith.addf %add3A_161, %gather3A_165 : vector<16xf32>
    %add3A_167 = arith.constant 176 : i32
    %add3A_168 = vector.broadcast %add3A_167 : i32 to vector<16xi32>
    %add3A_169 = arith.addi %add3A_168, %iota3A : vector<16xi32>
    %gather3A_170 = tpu.vector_load_idx %arg9[%add3A_169] : memref<256xf32, #tpu.memory_space<vmem>>[vector<16xi32>], vector<16xf32>,
    %add3A_171 = arith.addf %add3A_166, %gather3A_170 : vector<16xf32>
    %add3A_172 = arith.constant 192 : i32
    %add3A_173 = vector.broadcast %add3A_172 : i32 to vector<16xi32>
    %add3A_174 = arith.addi %add3A_173, %iota3A : vector<16xi32>
    %gather3A_175 = tpu.vector_load_idx %arg9[%add3A_174] : memref<256xf32, #tpu.memory_space<vmem>>[vector<16xi32>], vector<16xf32>,
    %add3A_176 = arith.addf %add3A_171, %gather3A_175 : vector<16xf32>
    %add3A_177 = arith.constant 208 : i32
    %add3A_178 = vector.broadcast %add3A_177 : i32 to vector<16xi32>
    %add3A_179 = arith.addi %add3A_178, %iota3A : vector<16xi32>
    %gather3A_180 = tpu.vector_load_idx %arg9[%add3A_179] : memref<256xf32, #tpu.memory_space<vmem>>[vector<16xi32>], vector<16xf32>,
    %add3A_181 = arith.addf %add3A_176, %gather3A_180 : vector<16xf32>
    %add3A_182 = arith.constant 224 : i32
    %add3A_183 = vector.broadcast %add3A_182 : i32 to vector<16xi32>
    %add3A_184 = arith.addi %add3A_183, %iota3A : vector<16xi32>
    %gather3A_185 = tpu.vector_load_idx %arg9[%add3A_184] : memref<256xf32, #tpu.memory_space<vmem>>[vector<16xi32>], vector<16xf32>,
    %add3A_186 = arith.addf %add3A_181, %gather3A_185 : vector<16xf32>
    %add3A_187 = arith.constant 240 : i32
    %add3A_188 = vector.broadcast %add3A_187 : i32 to vector<16xi32>
    %add3A_189 = arith.addi %add3A_188, %iota3A : vector<16xi32>
    %gather3A_190 = tpu.vector_load_idx %arg9[%add3A_189] : memref<256xf32, #tpu.memory_space<vmem>>[vector<16xi32>], vector<16xf32>,
    %add3A_191 = arith.addf %add3A_186, %gather3A_190 : vector<16xf32>
    %swap3A_192 = arith.constant 0 : index
    %swap3A_193 = tpu.vector_load %arg12[%swap3A_192] {strides = array<i32>} : memref<48xf32, #tpu.memory_space<vmem>>, vector<16xf32>,
    tpu.vector_store %arg12[%swap3A_192], %add3A_191 {strides = array<i32>} : memref<48xf32, #tpu.memory_space<vmem>>, vector<16xf32>,
    %add3A_194 = arith.constant 0 : i32
    %add3A_195 = vector.broadcast %add3A_194 : i32 to vector<16xi32>
    %add3A_196 = arith.addi %add3A_195, %iota3A : vector<16xi32>
    %gather3A_197 = tpu.vector_load_idx %arg10[%add3A_196] : memref<256xf32, #tpu.memory_space<vmem>>[vector<16xi32>], vector<16xf32>,
    %add3A_198 = arith.addf %broadcast_in_dim3A_3, %gather3A_197 : vector<16xf32>
    %add3A_199 = arith.constant 16 : i32
    %add3A_200 = vector.broadcast %add3A_199 : i32 to vector<16xi32>
    %add3A_201 = arith.addi %add3A_200, %iota3A : vector<16xi32>
    %gather3A_202 = tpu.vector_load_idx %arg10[%add3A_201] : memref<256xf32, #tpu.memory_space<vmem>>[vector<16xi32>], vector<16xf32>,
    %add3A_203 = arith.addf %add3A_198, %gather3A_202 : vector<16xf32>
    %add3A_204 = arith.constant 32 : i32
    %add3A_205 = vector.broadcast %add3A_204 : i32 to vector<16xi32>
    %add3A_206 = arith.addi %add3A_205, %iota3A : vector<16xi32>
    %gather3A_207 = tpu.vector_load_idx %arg10[%add3A_206] : memref<256xf32, #tpu.memory_space<vmem>>[vector<16xi32>], vector<16xf32>,
    %add3A_208 = arith.addf %add3A_203, %gather3A_207 : vector<16xf32>
    %add3A_209 = arith.constant 48 : i32
    %add3A_210 = vector.broadcast %add3A_209 : i32 to vector<16xi32>
    %add3A_211 = arith.addi %add3A_210, %iota3A : vector<16xi32>
    %gather3A_212 = tpu.vector_load_idx %arg10[%add3A_211] : memref<256xf32, #tpu.memory_space<vmem>>[vector<16xi32>], vector<16xf32>,
    %add3A_213 = arith.addf %add3A_208, %gather3A_212 : vector<16xf32>
    %add3A_214 = arith.constant 64 : i32
    %add3A_215 = vector.broadcast %add3A_214 : i32 to vector<16xi32>
    %add3A_216 = arith.addi %add3A_215, %iota3A : vector<16xi32>
    %gather3A_217 = tpu.vector_load_idx %arg10[%add3A_216] : memref<256xf32, #tpu.memory_space<vmem>>[vector<16xi32>], vector<16xf32>,
    %add3A_218 = arith.addf %add3A_213, %gather3A_217 : vector<16xf32>
    %add3A_219 = arith.constant 80 : i32
    %add3A_220 = vector.broadcast %add3A_219 : i32 to vector<16xi32>
    %add3A_221 = arith.addi %add3A_220, %iota3A : vector<16xi32>
    %gather3A_222 = tpu.vector_load_idx %arg10[%add3A_221] : memref<256xf32, #tpu.memory_space<vmem>>[vector<16xi32>], vector<16xf32>,
    %add3A_223 = arith.addf %add3A_218, %gather3A_222 : vector<16xf32>
    %add3A_224 = arith.constant 96 : i32
    %add3A_225 = vector.broadcast %add3A_224 : i32 to vector<16xi32>
    %add3A_226 = arith.addi %add3A_225, %iota3A : vector<16xi32>
    %gather3A_227 = tpu.vector_load_idx %arg10[%add3A_226] : memref<256xf32, #tpu.memory_space<vmem>>[vector<16xi32>], vector<16xf32>,
    %add3A_228 = arith.addf %add3A_223, %gather3A_227 : vector<16xf32>
    %add3A_229 = arith.constant 112 : i32
    %add3A_230 = vector.broadcast %add3A_229 : i32 to vector<16xi32>
    %add3A_231 = arith.addi %add3A_230, %iota3A : vector<16xi32>
    %gather3A_232 = tpu.vector_load_idx %arg10[%add3A_231] : memref<256xf32, #tpu.memory_space<vmem>>[vector<16xi32>], vector<16xf32>,
    %add3A_233 = arith.addf %add3A_228, %gather3A_232 : vector<16xf32>
    %add3A_234 = arith.constant 128 : i32
    %add3A_235 = vector.broadcast %add3A_234 : i32 to vector<16xi32>
    %add3A_236 = arith.addi %add3A_235, %iota3A : vector<16xi32>
    %gather3A_237 = tpu.vector_load_idx %arg10[%add3A_236] : memref<256xf32, #tpu.memory_space<vmem>>[vector<16xi32>], vector<16xf32>,
    %add3A_238 = arith.addf %add3A_233, %gather3A_237 : vector<16xf32>
    %add3A_239 = arith.constant 144 : i32
    %add3A_240 = vector.broadcast %add3A_239 : i32 to vector<16xi32>
    %add3A_241 = arith.addi %add3A_240, %iota3A : vector<16xi32>
    %gather3A_242 = tpu.vector_load_idx %arg10[%add3A_241] : memref<256xf32, #tpu.memory_space<vmem>>[vector<16xi32>], vector<16xf32>,
    %add3A_243 = arith.addf %add3A_238, %gather3A_242 : vector<16xf32>
    %add3A_244 = arith.constant 160 : i32
    %add3A_245 = vector.broadcast %add3A_244 : i32 to vector<16xi32>
    %add3A_246 = arith.addi %add3A_245, %iota3A : vector<16xi32>
    %gather3A_247 = tpu.vector_load_idx %arg10[%add3A_246] : memref<256xf32, #tpu.memory_space<vmem>>[vector<16xi32>], vector<16xf32>,
    %add3A_248 = arith.addf %add3A_243, %gather3A_247 : vector<16xf32>
    %add3A_249 = arith.constant 176 : i32
    %add3A_250 = vector.broadcast %add3A_249 : i32 to vector<16xi32>
    %add3A_251 = arith.addi %add3A_250, %iota3A : vector<16xi32>
    %gather3A_252 = tpu.vector_load_idx %arg10[%add3A_251] : memref<256xf32, #tpu.memory_space<vmem>>[vector<16xi32>], vector<16xf32>,
    %add3A_253 = arith.addf %add3A_248, %gather3A_252 : vector<16xf32>
    %add3A_254 = arith.constant 192 : i32
    %add3A_255 = vector.broadcast %add3A_254 : i32 to vector<16xi32>
    %add3A_256 = arith.addi %add3A_255, %iota3A : vector<16xi32>
    %gather3A_257 = tpu.vector_load_idx %arg10[%add3A_256] : memref<256xf32, #tpu.memory_space<vmem>>[vector<16xi32>], vector<16xf32>,
    %add3A_258 = arith.addf %add3A_253, %gather3A_257 : vector<16xf32>
    %add3A_259 = arith.constant 208 : i32
    %add3A_260 = vector.broadcast %add3A_259 : i32 to vector<16xi32>
    %add3A_261 = arith.addi %add3A_260, %iota3A : vector<16xi32>
    %gather3A_262 = tpu.vector_load_idx %arg10[%add3A_261] : memref<256xf32, #tpu.memory_space<vmem>>[vector<16xi32>], vector<16xf32>,
    %add3A_263 = arith.addf %add3A_258, %gather3A_262 : vector<16xf32>
    %add3A_264 = arith.constant 224 : i32
    %add3A_265 = vector.broadcast %add3A_264 : i32 to vector<16xi32>
    %add3A_266 = arith.addi %add3A_265, %iota3A : vector<16xi32>
    %gather3A_267 = tpu.vector_load_idx %arg10[%add3A_266] : memref<256xf32, #tpu.memory_space<vmem>>[vector<16xi32>], vector<16xf32>,
    %add3A_268 = arith.addf %add3A_263, %gather3A_267 : vector<16xf32>
    %add3A_269 = arith.constant 240 : i32
    %add3A_270 = vector.broadcast %add3A_269 : i32 to vector<16xi32>
    %add3A_271 = arith.addi %add3A_270, %iota3A : vector<16xi32>
    %gather3A_272 = tpu.vector_load_idx %arg10[%add3A_271] : memref<256xf32, #tpu.memory_space<vmem>>[vector<16xi32>], vector<16xf32>,
    %add3A_273 = arith.addf %add3A_268, %gather3A_272 : vector<16xf32>
    %swap3A_274 = arith.constant 16 : index
    %swap3A_275 = tpu.vector_load %arg12[%swap3A_274] {strides = array<i32>} : memref<48xf32, #tpu.memory_space<vmem>>, vector<16xf32>,
    tpu.vector_store %arg12[%swap3A_274], %add3A_273 {strides = array<i32>} : memref<48xf32, #tpu.memory_space<vmem>>, vector<16xf32>,
    %add3A_276 = arith.constant 0 : i32
    %add3A_277 = vector.broadcast %add3A_276 : i32 to vector<16xi32>
    %add3A_278 = arith.addi %add3A_277, %iota3A : vector<16xi32>
    %gather3A_279 = tpu.vector_load_idx %arg11[%add3A_278] : memref<256xf32, #tpu.memory_space<vmem>>[vector<16xi32>], vector<16xf32>,
    %add3A_280 = arith.addf %broadcast_in_dim3A_3, %gather3A_279 : vector<16xf32>
    %add3A_281 = arith.constant 16 : i32
    %add3A_282 = vector.broadcast %add3A_281 : i32 to vector<16xi32>
    %add3A_283 = arith.addi %add3A_282, %iota3A : vector<16xi32>
    %gather3A_284 = tpu.vector_load_idx %arg11[%add3A_283] : memref<256xf32, #tpu.memory_space<vmem>>[vector<16xi32>], vector<16xf32>,
    %add3A_285 = arith.addf %add3A_280, %gather3A_284 : vector<16xf32>
    %add3A_286 = arith.constant 32 : i32
    %add3A_287 = vector.broadcast %add3A_286 : i32 to vector<16xi32>
    %add3A_288 = arith.addi %add3A_287, %iota3A : vector<16xi32>
    %gather3A_289 = tpu.vector_load_idx %arg11[%add3A_288] : memref<256xf32, #tpu.memory_space<vmem>>[vector<16xi32>], vector<16xf32>,
    %add3A_290 = arith.addf %add3A_285, %gather3A_289 : vector<16xf32>
    %add3A_291 = arith.constant 48 : i32
    %add3A_292 = vector.broadcast %add3A_291 : i32 to vector<16xi32>
    %add3A_293 = arith.addi %add3A_292, %iota3A : vector<16xi32>
    %gather3A_294 = tpu.vector_load_idx %arg11[%add3A_293] : memref<256xf32, #tpu.memory_space<vmem>>[vector<16xi32>], vector<16xf32>,
    %add3A_295 = arith.addf %add3A_290, %gather3A_294 : vector<16xf32>
    %add3A_296 = arith.constant 64 : i32
    %add3A_297 = vector.broadcast %add3A_296 : i32 to vector<16xi32>
    %add3A_298 = arith.addi %add3A_297, %iota3A : vector<16xi32>
    %gather3A_299 = tpu.vector_load_idx %arg11[%add3A_298] : memref<256xf32, #tpu.memory_space<vmem>>[vector<16xi32>], vector<16xf32>,
    %add3A_300 = arith.addf %add3A_295, %gather3A_299 : vector<16xf32>
    %add3A_301 = arith.constant 80 : i32
    %add3A_302 = vector.broadcast %add3A_301 : i32 to vector<16xi32>
    %add3A_303 = arith.addi %add3A_302, %iota3A : vector<16xi32>
    %gather3A_304 = tpu.vector_load_idx %arg11[%add3A_303] : memref<256xf32, #tpu.memory_space<vmem>>[vector<16xi32>], vector<16xf32>,
    %add3A_305 = arith.addf %add3A_300, %gather3A_304 : vector<16xf32>
    %add3A_306 = arith.constant 96 : i32
    %add3A_307 = vector.broadcast %add3A_306 : i32 to vector<16xi32>
    %add3A_308 = arith.addi %add3A_307, %iota3A : vector<16xi32>
    %gather3A_309 = tpu.vector_load_idx %arg11[%add3A_308] : memref<256xf32, #tpu.memory_space<vmem>>[vector<16xi32>], vector<16xf32>,
    %add3A_310 = arith.addf %add3A_305, %gather3A_309 : vector<16xf32>
    %add3A_311 = arith.constant 112 : i32
    %add3A_312 = vector.broadcast %add3A_311 : i32 to vector<16xi32>
    %add3A_313 = arith.addi %add3A_312, %iota3A : vector<16xi32>
    %gather3A_314 = tpu.vector_load_idx %arg11[%add3A_313] : memref<256xf32, #tpu.memory_space<vmem>>[vector<16xi32>], vector<16xf32>,
    %add3A_315 = arith.addf %add3A_310, %gather3A_314 : vector<16xf32>
    %add3A_316 = arith.constant 128 : i32
    %add3A_317 = vector.broadcast %add3A_316 : i32 to vector<16xi32>
    %add3A_318 = arith.addi %add3A_317, %iota3A : vector<16xi32>
    %gather3A_319 = tpu.vector_load_idx %arg11[%add3A_318] : memref<256xf32, #tpu.memory_space<vmem>>[vector<16xi32>], vector<16xf32>,
    %add3A_320 = arith.addf %add3A_315, %gather3A_319 : vector<16xf32>
    %add3A_321 = arith.constant 144 : i32
    %add3A_322 = vector.broadcast %add3A_321 : i32 to vector<16xi32>
    %add3A_323 = arith.addi %add3A_322, %iota3A : vector<16xi32>
    %gather3A_324 = tpu.vector_load_idx %arg11[%add3A_323] : memref<256xf32, #tpu.memory_space<vmem>>[vector<16xi32>], vector<16xf32>,
    %add3A_325 = arith.addf %add3A_320, %gather3A_324 : vector<16xf32>
    %add3A_326 = arith.constant 160 : i32
    %add3A_327 = vector.broadcast %add3A_326 : i32 to vector<16xi32>
    %add3A_328 = arith.addi %add3A_327, %iota3A : vector<16xi32>
    %gather3A_329 = tpu.vector_load_idx %arg11[%add3A_328] : memref<256xf32, #tpu.memory_space<vmem>>[vector<16xi32>], vector<16xf32>,
    %add3A_330 = arith.addf %add3A_325, %gather3A_329 : vector<16xf32>
    %add3A_331 = arith.constant 176 : i32
    %add3A_332 = vector.broadcast %add3A_331 : i32 to vector<16xi32>
    %add3A_333 = arith.addi %add3A_332, %iota3A : vector<16xi32>
    %gather3A_334 = tpu.vector_load_idx %arg11[%add3A_333] : memref<256xf32, #tpu.memory_space<vmem>>[vector<16xi32>], vector<16xf32>,
    %add3A_335 = arith.addf %add3A_330, %gather3A_334 : vector<16xf32>
    %add3A_336 = arith.constant 192 : i32
    %add3A_337 = vector.broadcast %add3A_336 : i32 to vector<16xi32>
    %add3A_338 = arith.addi %add3A_337, %iota3A : vector<16xi32>
    %gather3A_339 = tpu.vector_load_idx %arg11[%add3A_338] : memref<256xf32, #tpu.memory_space<vmem>>[vector<16xi32>], vector<16xf32>,
    %add3A_340 = arith.addf %add3A_335, %gather3A_339 : vector<16xf32>
    %add3A_341 = arith.constant 208 : i32
    %add3A_342 = vector.broadcast %add3A_341 : i32 to vector<16xi32>
    %add3A_343 = arith.addi %add3A_342, %iota3A : vector<16xi32>
    %gather3A_344 = tpu.vector_load_idx %arg11[%add3A_343] : memref<256xf32, #tpu.memory_space<vmem>>[vector<16xi32>], vector<16xf32>,
    %add3A_345 = arith.addf %add3A_340, %gather3A_344 : vector<16xf32>
    %add3A_346 = arith.constant 224 : i32
    %add3A_347 = vector.broadcast %add3A_346 : i32 to vector<16xi32>
    %add3A_348 = arith.addi %add3A_347, %iota3A : vector<16xi32>
    %gather3A_349 = tpu.vector_load_idx %arg11[%add3A_348] : memref<256xf32, #tpu.memory_space<vmem>>[vector<16xi32>], vector<16xf32>,
    %add3A_350 = arith.addf %add3A_345, %gather3A_349 : vector<16xf32>
    %add3A_351 = arith.constant 240 : i32
    %add3A_352 = vector.broadcast %add3A_351 : i32 to vector<16xi32>
    %add3A_353 = arith.addi %add3A_352, %iota3A : vector<16xi32>
    %gather3A_354 = tpu.vector_load_idx %arg11[%add3A_353] : memref<256xf32, #tpu.memory_space<vmem>>[vector<16xi32>], vector<16xf32>,
    %add3A_355 = arith.addf %add3A_350, %gather3A_354 : vector<16xf32>
    %swap3A_356 = arith.constant 32 : index
    %swap3A_357 = tpu.vector_load %arg12[%swap3A_356] {strides = array<i32>} : memref<48xf32, #tpu.memory_space<vmem>>, vector<16xf32>,
    tpu.vector_store %arg12[%swap3A_356], %add3A_355 {strides = array<i32>} : memref<48xf32, #tpu.memory_space<vmem>>, vector<16xf32>,
    "tpu.region"() ({
      %run_scoped3A = tpu.sem_alloc : memref<!tpu.dma_semaphore, #tpu.memory_space<semaphore_mem>>
      %dma_start3A_358 = arith.constant 0 : i32
      %dma_start3A_359 = tpu.memref_slice %arg4[%add3A, %dma_start3A_358] : memref<32x48xf32, #tpu.memory_space<hbm>> -> memref<1x48xf32, #tpu.memory_space<hbm>>
      %dma_start3A_360 = tpu.memref_squeeze %dma_start3A_359 : memref<1x48xf32, #tpu.memory_space<hbm>> -> memref<48xf32, #tpu.memory_space<hbm>>
      %dma_start3A_361 = arith.constant 0 : i32
      %dma_start3A_362 = tpu.memref_slice %arg4[%add3A, %dma_start3A_361] : memref<32x48xf32, #tpu.memory_space<hbm>> -> memref<1x48xf32, #tpu.memory_space<hbm>>
      %dma_start3A_363 = tpu.memref_squeeze %dma_start3A_362 : memref<1x48xf32, #tpu.memory_space<hbm>> -> memref<48xf32, #tpu.memory_space<hbm>>
      tpu.enqueue_dma source(%arg12 : memref<48xf32, #tpu.memory_space<vmem>>) target(%dma_start3A_363 : memref<48xf32, #tpu.memory_space<hbm>>) target_semaphore(%run_scoped3A : memref<!tpu.dma_semaphore, #tpu.memory_space<semaphore_mem>>)
      %dma_wait3A = arith.constant 0 : i32
      %dma_wait3A_364 = tpu.memref_slice %arg4[%add3A, %dma_wait3A] : memref<32x48xf32, #tpu.memory_space<hbm>> -> memref<1x48xf32, #tpu.memory_space<hbm>>
      %dma_wait3A_365 = tpu.memref_squeeze %dma_wait3A_364 : memref<1x48xf32, #tpu.memory_space<hbm>> -> memref<48xf32, #tpu.memory_space<hbm>>
      %dma_wait3A_366 = arith.constant 0 : i32
      %dma_wait3A_367 = tpu.memref_slice %arg4[%add3A, %dma_wait3A_366] : memref<32x48xf32, #tpu.memory_space<hbm>> -> memref<1x48xf32, #tpu.memory_space<hbm>>
      %dma_wait3A_368 = tpu.memref_squeeze %dma_wait3A_367 : memref<1x48xf32, #tpu.memory_space<hbm>> -> memref<48xf32, #tpu.memory_space<hbm>>
      tpu.wait_dma2 semaphore(%run_scoped3A : memref<!tpu.dma_semaphore, #tpu.memory_space<semaphore_mem>>) src(%arg12 : memref<48xf32, #tpu.memory_space<vmem>>) dst(%dma_wait3A_368 : memref<48xf32, #tpu.memory_space<hbm>>)
      tpu.yield
    }) : () -> ()
    return
  }
}

module attributes {stable_mosaic.version = 14 : i64} {
  func.func @_tc_partials_body(%arg0: i32, %arg1: memref<16960x64xf32, #tpu.memory_space<vmem>>, %arg2: memref<1x16960x1xi32, #tpu.memory_space<vmem>>, %arg3: memref<1x48xf32, #tpu.memory_space<vmem>>, %arg4: memref<8x128xf32, #tpu.memory_space<vmem>>) attributes {dimension_semantics = [#tpu.dimension_semantics<arbitrary>], iteration_bounds = array<i64: 1>, scalar_prefetch = 0 : i64, scratch_operands = 1 : i64, tpu.core_type = #tpu.core_type<tc>, window_params = [{transform_indices = @transform_0, window_bounds = array<i64: 16960, 64>}, {transform_indices = @transform_1, window_bounds = array<i64: 1, 16960, 1>}, {pipeline_mode = #tpu.pipeline_mode<synchronous>, transform_indices = @transform_2, window_bounds = array<i64: 1, 48>}]} {
    %eq3A = arith.constant 0 : i32
    %eq3A_0 = arith.cmpi eq, %arg0, %eq3A : i32
    %convert_element_type3A = arith.extui %eq3A_0 : i1 to i32
    %cond3A = arith.constant 0 : i32
    %cond3A_1 = arith.cmpi ne, %convert_element_type3A, %cond3A : i32
    scf.if %cond3A_1 {
      %broadcast_in_dim3A_76 = arith.constant 0.000000e+00 : f32
      %broadcast_in_dim3A_77 = vector.broadcast %broadcast_in_dim3A_76 : f32 to vector<8x128xf32>
      %swap3A_78 = arith.constant 0 : index
      %swap3A_79 = arith.constant 0 : index
      %swap3A_80 = vector.load %arg4[%swap3A_78, %swap3A_79] : memref<8x128xf32, #tpu.memory_space<vmem>>, vector<8x128xf32>
      tpu.vector_store %arg4[%swap3A_78, %swap3A_79], %broadcast_in_dim3A_77 {strides = array<i32>} : memref<8x128xf32, #tpu.memory_space<vmem>>, vector<8x128xf32>,
    } else {
    }
    %get3A = arith.constant 0 : index
    %get3A_2 = arith.constant 0 : index
    %get3A_3 = vector.load %arg1[%get3A, %get3A_2] : memref<16960x64xf32, #tpu.memory_space<vmem>>, vector<16960x64xf32>
    %get3A_4 = arith.constant 0 : index
    %get3A_5 = arith.constant 0 : index
    %get3A_6 = arith.constant 0 : index
    %get3A_7 = vector.load %arg2[%get3A_4, %get3A_5, %get3A_6] : memref<1x16960x1xi32, #tpu.memory_space<vmem>>, vector<1x16960x1xi32>
    %get3A_8 = vector.shape_cast %get3A_7 : vector<1x16960x1xi32> to vector<16960x1xi32>
    %reduce_max3A = arith.constant dense<0xFF800000> : vector<16960xf32>
    %reduce_max3A_9 = vector.multi_reduction <maximumf>, %get3A_3, %reduce_max3A [1] : vector<16960x64xf32> to vector<16960xf32>
    %broadcast_in_dim3A = vector.shape_cast %reduce_max3A_9 : vector<16960xf32> to vector<16960x1xf32>
    %sub3A = vector.broadcast %broadcast_in_dim3A : vector<16960x1xf32> to vector<16960x64xf32>
    %sub3A_10 = arith.subf %get3A_3, %sub3A : vector<16960x64xf32>
    %exp3A = math.exp %sub3A_10 : vector<16960x64xf32>
    %reduce_sum3A = arith.constant dense<0.000000e+00> : vector<16960xf32>
    %reduce_sum3A_11 = vector.multi_reduction <add>, %exp3A, %reduce_sum3A [1] : vector<16960x64xf32> to vector<16960xf32>
    %broadcast_in_dim3A_12 = vector.shape_cast %reduce_sum3A_11 : vector<16960xf32> to vector<16960x1xf32>
    %div3A = arith.constant 1.000000e+00 : f32
    %div3A_13 = vector.broadcast %div3A : f32 to vector<16960x1xf32>
    %div3A_14 = arith.divf %div3A_13, %broadcast_in_dim3A_12 : vector<16960x1xf32>
    %iota3A = tpu.iota {dimensions = array<i32: 1>} : vector<16960x64xi32>
    %eq3A_15 = vector.broadcast %broadcast_in_dim3A : vector<16960x1xf32> to vector<16960x64xf32>
    %eq3A_16 = arith.cmpf oeq, %get3A_3, %eq3A_15 : vector<16960x64xf32>
    %jit3A = arith.constant 64 : i32
    %broadcast_in_dim3A_17 = vector.broadcast %jit3A : i32 to vector<16960x64xi32>
    %select_n3A = arith.select %eq3A_16, %iota3A, %broadcast_in_dim3A_17 : vector<16960x64xi1>, vector<16960x64xi32>
    %reduce_min3A = arith.constant dense<2147483647> : vector<16960xi32>
    %reduce_min3A_18 = vector.multi_reduction <minsi>, %select_n3A, %reduce_min3A [1] : vector<16960x64xi32> to vector<16960xi32>
    %broadcast_in_dim3A_19 = vector.shape_cast %reduce_min3A_18 : vector<16960xi32> to vector<16960x1xi32>
    %eq3A_20 = arith.cmpi eq, %broadcast_in_dim3A_19, %get3A_8 : vector<16960x1xi32>
    %convert_element_type3A_21 = arith.extui %eq3A_20 : vector<16960x1xi1> to vector<16960x1xi32>
    %convert_element_type3A_22 = arith.sitofp %convert_element_type3A_21 : vector<16960x1xi32> to vector<16960x1xf32>
    %iota3A_23 = tpu.iota {dimensions = array<i32: 1>} : vector<1x15xi32>
    %convert_element_type3A_24 = arith.sitofp %iota3A_23 : vector<1x15xi32> to vector<1x15xf32>
    %div3A_25 = arith.constant 1.500000e+01 : f32
    %div3A_26 = vector.broadcast %div3A_25 : f32 to vector<1x15xf32>
    %div3A_27 = arith.divf %convert_element_type3A_24, %div3A_26 : vector<1x15xf32>
    %add3A = arith.constant 1.000000e+00 : f32
    %add3A_28 = vector.broadcast %add3A : f32 to vector<1x15xf32>
    %add3A_29 = arith.addf %convert_element_type3A_24, %add3A_28 : vector<1x15xf32>
    %div3A_30 = arith.constant 1.500000e+01 : f32
    %div3A_31 = vector.broadcast %div3A_30 : f32 to vector<1x15xf32>
    %div3A_32 = arith.divf %add3A_29, %div3A_31 : vector<1x15xf32>
    %gt3A = vector.broadcast %div3A_14 : vector<16960x1xf32> to vector<16960x15xf32>
    %gt3A_33 = vector.broadcast %div3A_27 : vector<1x15xf32> to vector<16960x15xf32>
    %gt3A_34 = arith.cmpf ogt, %gt3A, %gt3A_33 : vector<16960x15xf32>
    %le3A = vector.broadcast %div3A_14 : vector<16960x1xf32> to vector<16960x15xf32>
    %le3A_35 = vector.broadcast %div3A_32 : vector<1x15xf32> to vector<16960x15xf32>
    %le3A_36 = arith.cmpf ole, %le3A, %le3A_35 : vector<16960x15xf32>
    %and3A = arith.andi %gt3A_34, %le3A_36 : vector<16960x15xi1>
    %convert_element_type3A_37 = arith.extui %and3A : vector<16960x15xi1> to vector<16960x15xi32>
    %convert_element_type3A_38 = arith.sitofp %convert_element_type3A_37 : vector<16960x15xi32> to vector<16960x15xf32>
    %get3A_39 = arith.constant 0 : index
    %get3A_40 = arith.constant 0 : index
    %get3A_41 = vector.load %arg4[%get3A_39, %get3A_40] : memref<8x128xf32, #tpu.memory_space<vmem>>, vector<1x15xf32>
    %reduce_sum3A_42 = arith.constant dense<0.000000e+00> : vector<15xf32>
    %reduce_sum3A_43 = vector.multi_reduction <add>, %convert_element_type3A_38, %reduce_sum3A_42 [0] : vector<16960x15xf32> to vector<15xf32>
    %broadcast_in_dim3A_44 = vector.shape_cast %reduce_sum3A_43 : vector<15xf32> to vector<1x15xf32>
    %add3A_45 = arith.addf %get3A_41, %broadcast_in_dim3A_44 : vector<1x15xf32>
    %swap3A = arith.constant 0 : index
    %swap3A_46 = arith.constant 0 : index
    %swap3A_47 = vector.load %arg4[%swap3A, %swap3A_46] : memref<8x128xf32, #tpu.memory_space<vmem>>, vector<1x15xf32>
    tpu.vector_store %arg4[%swap3A, %swap3A_46], %add3A_45 {strides = array<i32>} : memref<8x128xf32, #tpu.memory_space<vmem>>, vector<1x15xf32>,
    %get3A_48 = arith.constant 1 : index
    %get3A_49 = arith.constant 0 : index
    %get3A_50 = vector.load %arg4[%get3A_48, %get3A_49] : memref<8x128xf32, #tpu.memory_space<vmem>>, vector<1x15xf32>
    %mul3A = vector.broadcast %convert_element_type3A_22 : vector<16960x1xf32> to vector<16960x15xf32>
    %mul3A_51 = arith.mulf %convert_element_type3A_38, %mul3A : vector<16960x15xf32>
    %reduce_sum3A_52 = arith.constant dense<0.000000e+00> : vector<15xf32>
    %reduce_sum3A_53 = vector.multi_reduction <add>, %mul3A_51, %reduce_sum3A_52 [0] : vector<16960x15xf32> to vector<15xf32>
    %broadcast_in_dim3A_54 = vector.shape_cast %reduce_sum3A_53 : vector<15xf32> to vector<1x15xf32>
    %add3A_55 = arith.addf %get3A_50, %broadcast_in_dim3A_54 : vector<1x15xf32>
    %swap3A_56 = arith.constant 1 : index
    %swap3A_57 = arith.constant 0 : index
    %swap3A_58 = vector.load %arg4[%swap3A_56, %swap3A_57] : memref<8x128xf32, #tpu.memory_space<vmem>>, vector<1x15xf32>
    tpu.vector_store %arg4[%swap3A_56, %swap3A_57], %add3A_55 {strides = array<i32>} : memref<8x128xf32, #tpu.memory_space<vmem>>, vector<1x15xf32>,
    %get3A_59 = arith.constant 2 : index
    %get3A_60 = arith.constant 0 : index
    %get3A_61 = vector.load %arg4[%get3A_59, %get3A_60] : memref<8x128xf32, #tpu.memory_space<vmem>>, vector<1x15xf32>
    %mul3A_62 = vector.broadcast %div3A_14 : vector<16960x1xf32> to vector<16960x15xf32>
    %mul3A_63 = arith.mulf %convert_element_type3A_38, %mul3A_62 : vector<16960x15xf32>
    %reduce_sum3A_64 = arith.constant dense<0.000000e+00> : vector<15xf32>
    %reduce_sum3A_65 = vector.multi_reduction <add>, %mul3A_63, %reduce_sum3A_64 [0] : vector<16960x15xf32> to vector<15xf32>
    %broadcast_in_dim3A_66 = vector.shape_cast %reduce_sum3A_65 : vector<15xf32> to vector<1x15xf32>
    %add3A_67 = arith.addf %get3A_61, %broadcast_in_dim3A_66 : vector<1x15xf32>
    %swap3A_68 = arith.constant 2 : index
    %swap3A_69 = arith.constant 0 : index
    %swap3A_70 = vector.load %arg4[%swap3A_68, %swap3A_69] : memref<8x128xf32, #tpu.memory_space<vmem>>, vector<1x15xf32>
    tpu.vector_store %arg4[%swap3A_68, %swap3A_69], %add3A_67 {strides = array<i32>} : memref<8x128xf32, #tpu.memory_space<vmem>>, vector<1x15xf32>,
    %eq3A_71 = arith.constant 0 : i32
    %eq3A_72 = arith.cmpi eq, %arg0, %eq3A_71 : i32
    %convert_element_type3A_73 = arith.extui %eq3A_72 : i1 to i32
    %cond3A_74 = arith.constant 0 : i32
    %cond3A_75 = arith.cmpi ne, %convert_element_type3A_73, %cond3A_74 : i32
    scf.if %cond3A_75 {
      %get3A_76 = arith.constant 0 : index
      %get3A_77 = arith.constant 0 : index
      %get3A_78 = vector.load %arg4[%get3A_76, %get3A_77] : memref<8x128xf32, #tpu.memory_space<vmem>>, vector<1x16xf32>
      %swap3A_79 = arith.constant 0 : index
      %swap3A_80 = arith.constant 0 : index
      %swap3A_81 = vector.load %arg3[%swap3A_79, %swap3A_80] : memref<1x48xf32, #tpu.memory_space<vmem>>, vector<1x16xf32>
      tpu.vector_store %arg3[%swap3A_79, %swap3A_80], %get3A_78 {strides = array<i32>} : memref<1x48xf32, #tpu.memory_space<vmem>>, vector<1x16xf32>,
      %get3A_82 = arith.constant 1 : index
      %get3A_83 = arith.constant 0 : index
      %get3A_84 = vector.load %arg4[%get3A_82, %get3A_83] : memref<8x128xf32, #tpu.memory_space<vmem>>, vector<1x16xf32>
      %swap3A_85 = arith.constant 0 : index
      %swap3A_86 = arith.constant 16 : index
      %swap3A_87 = vector.load %arg3[%swap3A_85, %swap3A_86] : memref<1x48xf32, #tpu.memory_space<vmem>>, vector<1x16xf32>
      tpu.vector_store %arg3[%swap3A_85, %swap3A_86], %get3A_84 {strides = array<i32>} : memref<1x48xf32, #tpu.memory_space<vmem>>, vector<1x16xf32>,
      %get3A_88 = arith.constant 2 : index
      %get3A_89 = arith.constant 0 : index
      %get3A_90 = vector.load %arg4[%get3A_88, %get3A_89] : memref<8x128xf32, #tpu.memory_space<vmem>>, vector<1x16xf32>
      %swap3A_91 = arith.constant 0 : index
      %swap3A_92 = arith.constant 32 : index
      %swap3A_93 = vector.load %arg3[%swap3A_91, %swap3A_92] : memref<1x48xf32, #tpu.memory_space<vmem>>, vector<1x16xf32>
      tpu.vector_store %arg3[%swap3A_91, %swap3A_92], %get3A_90 {strides = array<i32>} : memref<1x48xf32, #tpu.memory_space<vmem>>, vector<1x16xf32>,
    } else {
    }
    return
  }
  func.func @transform_0(%arg0: i32) -> (i32, i32) {
    %c0_i32 = arith.constant 0 : i32
    %c0_i32_0 = arith.constant 0 : i32
    return %arg0, %c0_i32 : i32, i32
  }
  func.func @transform_1(%arg0: i32) -> (i32, i32, i32) {
    %c0_i32 = arith.constant 0 : i32
    %c0_i32_0 = arith.constant 0 : i32
    %c0_i32_1 = arith.constant 0 : i32
    return %arg0, %c0_i32, %c0_i32_0 : i32, i32, i32
  }
  func.func @transform_2(%arg0: i32) -> (i32, i32) {
    %c0_i32 = arith.constant 0 : i32
    %c0_i32_0 = arith.constant 0 : i32
    %c0_i32_1 = arith.constant 0 : i32
    return %c0_i32, %c0_i32_0 : i32, i32
  }
}

module attributes {stable_mosaic.version = 14 : i64} {
  func.func @_combine_body(%arg0: memref<32x48xf32, #tpu.memory_space<vmem>>, %arg1: memref<1x48xf32, #tpu.memory_space<vmem>>, %arg2: memref<1x1xf32, #tpu.memory_space<vmem>>) attributes {dimension_semantics = [], scalar_prefetch = 0 : i64, scratch_operands = 0 : i64, tpu.core_type = #tpu.core_type<tc>} {
    %get3A = arith.constant 0 : index
    %get3A_0 = arith.constant 0 : index
    %get3A_1 = vector.load %arg0[%get3A, %get3A_0] : memref<32x48xf32, #tpu.memory_space<vmem>>, vector<32x48xf32>
    %get3A_2 = arith.constant 0 : index
    %get3A_3 = arith.constant 0 : index
    %get3A_4 = vector.load %arg1[%get3A_2, %get3A_3] : memref<1x48xf32, #tpu.memory_space<vmem>>, vector<1x48xf32>
    %slice3A = vector.extract_strided_slice %get3A_1 {offsets = [0, 0], sizes = [32, 15], strides = [1, 1]} : vector<32x48xf32> to vector<32x15xf32>
    %reduce_sum3A = arith.constant dense<0.000000e+00> : vector<15xf32>
    %reduce_sum3A_5 = vector.multi_reduction <add>, %slice3A, %reduce_sum3A [0] : vector<32x15xf32> to vector<15xf32>
    %broadcast_in_dim3A = vector.shape_cast %reduce_sum3A_5 : vector<15xf32> to vector<1x15xf32>
    %slice3A_6 = vector.extract_strided_slice %get3A_4 {offsets = [0, 0], sizes = [1, 15], strides = [1, 1]} : vector<1x48xf32> to vector<1x15xf32>
    %add3A = arith.addf %broadcast_in_dim3A, %slice3A_6 : vector<1x15xf32>
    %slice3A_7 = vector.extract_strided_slice %get3A_1 {offsets = [0, 16], sizes = [32, 15], strides = [1, 1]} : vector<32x48xf32> to vector<32x15xf32>
    %reduce_sum3A_8 = arith.constant dense<0.000000e+00> : vector<15xf32>
    %reduce_sum3A_9 = vector.multi_reduction <add>, %slice3A_7, %reduce_sum3A_8 [0] : vector<32x15xf32> to vector<15xf32>
    %broadcast_in_dim3A_10 = vector.shape_cast %reduce_sum3A_9 : vector<15xf32> to vector<1x15xf32>
    %slice3A_11 = vector.extract_strided_slice %get3A_4 {offsets = [0, 16], sizes = [1, 15], strides = [1, 1]} : vector<1x48xf32> to vector<1x15xf32>
    %add3A_12 = arith.addf %broadcast_in_dim3A_10, %slice3A_11 : vector<1x15xf32>
    %slice3A_13 = vector.extract_strided_slice %get3A_1 {offsets = [0, 32], sizes = [32, 15], strides = [1, 1]} : vector<32x48xf32> to vector<32x15xf32>
    %reduce_sum3A_14 = arith.constant dense<0.000000e+00> : vector<15xf32>
    %reduce_sum3A_15 = vector.multi_reduction <add>, %slice3A_13, %reduce_sum3A_14 [0] : vector<32x15xf32> to vector<15xf32>
    %broadcast_in_dim3A_16 = vector.shape_cast %reduce_sum3A_15 : vector<15xf32> to vector<1x15xf32>
    %slice3A_17 = vector.extract_strided_slice %get3A_4 {offsets = [0, 32], sizes = [1, 15], strides = [1, 1]} : vector<1x48xf32> to vector<1x15xf32>
    %add3A_18 = arith.addf %broadcast_in_dim3A_16, %slice3A_17 : vector<1x15xf32>
    %div3A = arith.constant 1.000000e+06 : f32
    %div3A_19 = vector.broadcast %div3A : f32 to vector<1x15xf32>
    %div3A_20 = arith.divf %add3A, %div3A_19 : vector<1x15xf32>
    %max3A = arith.constant 1.000000e+00 : f32
    %max3A_21 = vector.broadcast %max3A : f32 to vector<1x15xf32>
    %max3A_22 = arith.maximumf %add3A, %max3A_21 : vector<1x15xf32>
    %gt3A = arith.constant 0.000000e+00 : f32
    %gt3A_23 = vector.broadcast %gt3A : f32 to vector<1x15xf32>
    %gt3A_24 = arith.cmpf ogt, %add3A, %gt3A_23 : vector<1x15xf32>
    %convert_element_type3A = arith.extui %gt3A_24 : vector<1x15xi1> to vector<1x15xi32>
    %convert_element_type3A_25 = arith.sitofp %convert_element_type3A : vector<1x15xi32> to vector<1x15xf32>
    %div3A_26 = arith.divf %add3A_18, %max3A_22 : vector<1x15xf32>
    %div3A_27 = arith.divf %add3A_12, %max3A_22 : vector<1x15xf32>
    %sub3A = arith.subf %div3A_26, %div3A_27 : vector<1x15xf32>
    %abs3A = math.absf %sub3A : vector<1x15xf32>
    %mul3A = arith.mulf %abs3A, %div3A_20 : vector<1x15xf32>
    %mul3A_28 = arith.mulf %mul3A, %convert_element_type3A_25 : vector<1x15xf32>
    %reduce_sum3A_29 = arith.constant dense<0.000000e+00> : vector<1xf32>
    %reduce_sum3A_30 = vector.multi_reduction <add>, %mul3A_28, %reduce_sum3A_29 [1] : vector<1x15xf32> to vector<1xf32>
    %broadcast_in_dim3A_31 = vector.shape_cast %reduce_sum3A_30 : vector<1xf32> to vector<1x1xf32>
    %swap3A = arith.constant 0 : index
    %swap3A_32 = arith.constant 0 : index
    %swap3A_33 = vector.load %arg2[%swap3A, %swap3A_32] : memref<1x1xf32, #tpu.memory_space<vmem>>, vector<1x1xf32>
    tpu.vector_store %arg2[%swap3A, %swap3A_32], %broadcast_in_dim3A_31 {strides = array<i32>} : memref<1x1xf32, #tpu.memory_space<vmem>>, vector<1x1xf32>,
    return
  }
}

</mosaic_0001>

<sc_bundles>
// kernel: kernel.5.cloned.1.call-start
scs
__scs_entry_jumppad:
0x0: {  	(pc) =	sbr.rel $0x88, $3  }
0x1: {  	(tag) =	ssettag $0x0;
	lr =	simm.s32 $0x1  }
0x2: {  	[smem:$0x3F9F] =	sst lr;
	_ =	strace $0xD0000000  }
0x3: {  	_ = 	snop  }
0x4: {  	_ = 	snop  }
0x5: {  	_ = 	snop  }
0x6: {  	_ = 	snop  }
0x7: {  	_ = 	snop  }
__scs_overlays_trampoline_lowered:
0x8: {  	[smem:$0x3FAE] =	sst s0  }
0x9: {  	[smem:$0x3FAF] =	sst s1  }
0xa: {  	[smem:$0x3FB0] =	sst s2  }
0xb: {  	[smem:$0x3FB1] =	sst s3  }
0xc: {  	[smem:$0x3FB2] =	sst s4  }
0xd: {  	[smem:$0x3FB3] =	sst s5  }
0xe: {  	[smem:$0x3FB4] =	sst s6  }
0xf: {  	[smem:$0x3FB5] =	sst s7  }
0x10: {  	[smem:$0x3FB6] =	sst s8  }
0x11: {  	[smem:$0x3FB7] =	sst s9;
	s0 =	simm.s32 @!p0 $0x0  }
0x12: {  	s1 =	sld [smem:$0x3F9D];
	s0 =	simm.s32 @p0 $0x1  }
0x13: {  	[smem:$0x3FB8] =	sst s0;
	s0 =	simm.s32 @!p1 $0x0  }
0x14: {  	s2 =	sld [smem:$0x3F9C];
	s0 =	simm.s32 @p1 $0x1  }
0x15: {  	[smem:$0x3FB9] =	sst s0;
	s0 =	simm.s32 @!p2 $0x0  }
0x16: {  	s3 =	sld [smem:$0x3FDB];
	s0 =	simm.s32 @p2 $0x1  }
0x17: {  	s4 =	simm.s32 $0x1BF5;
	[smem:$0x3FBB] =	sst s0  }
0x18: {  	s0 =	sld [smem:$0x3F9E];
	_ =	swait.ge [sflag:s4], $0x0  }
0x19: {  	s7 =	sld [smem:$0x3F9F]  }
0x1a: {  	s8 =	sadd.s32 $0xFFFFE003, lr  }
0x1b: {  	s9 =	sadd.s32 $0xFFFFFEF7, lr;
	s5 =	simm.s32 $0xFFFFFFFF;
	p2 =	slt.u32 s8, $0xFFFFF086  }
0x1c: {  	p1 =	slt.u32 s9, $0xF7A;
	s5 =	simm.s32 @!p2 $0x0  }
0x1d: {  	s5 =	simm.s32 @p1 $0x1;
	p0 =	seq.s32 s7, s2  }
0x1e: {  	s7 =	smul.u32 @!p0 $0xF7A, s2;
	p2 =	seq.s32 @!p0 s5, $0x0  }
0x1f: {  	s9 =	smul.u32 $0xF7A, s1;
	s8 =	simm.s32 @!p0 $0x1BF5;
	p2 =	por !p2, p0  }
0x20: {  	[sflag:s8] =	ssyncset.s32 @!p0 $0xFFFFF086;
	s6 =	sadd.s32 @!p0 s3, s7;
	s7 =	simm.s32 @!p0 $0x108  }
0x21: {  	s3 =	sadd.s32 s3, s9;
	s6 =	sadd.s32 @!p0 $0x88, s6;
	s7 =	simm.s32 @p2 $0x1082  }
0x22: {  	[simem:s7], [sflag:s8] =	dma.local @!p0 [hbm:s6], $0xF7A  }
0x23: {  	s9 =	sor.u32 $0xD0000000, s2;
	s6 =	simm.s32 $0x108;
	_ =	swait.ge @!p0 [sflag:s8], $0x0  }
0x24: {  	s3 =	sadd.s32 $0x88, s3;
	s6 =	simm.s32 @!p1 $0x1082;
	[sflag:s4] =	ssyncset.s32 $0xFFFFF086  }
0x25: {  	[simem:s6], [sflag:s4] =	dma.local [hbm:s3], $0xF7A  }
0x26: {  	[smem:$0x3F9F] =	sst s1;
	(tag) =	ssettag s2;
	_ =	strace s9  }
0x27: {  	s1 =	sld [smem:$0x3FAF]  }
0x28: {  	s2 =	sld [smem:$0x3FB0]  }
0x29: {  	s4 =	sld [smem:$0x3FB2]  }
0x2a: {  	p0 =	seq.s32 s5, $0x0;
	s5 =	sld [smem:$0x3FB3]  }
0x2b: {  	s6 =	sld [smem:$0x3FB4]  }
0x2c: {  	s7 =	sld [smem:$0x3FB5]  }
0x2d: {  	s3 =	simm.s32 $0x108;
	s8 =	sld [smem:$0x3FB6]  }
0x2e: {  	s3 =	simm.s32 @!p0 $0x1082;
	s9 =	sld [smem:$0x3FB7]  }
0x2f: {  	lr =	sadd.s32 s0, s3;
	s0 =	sld [smem:$0x3FAE]  }
0x30: {  	s3 =	sld [smem:$0x3FB1]  }
0x31: {  	[smem:$0x3FBA] =	sst s10  }
0x32: {  	s10 =	sld [smem:$0x3FB8];
	_ =	sdelay $0x3  }
0x33: {  	p0 =	seq.s32 s10, $0x1;
	s10 =	sld [smem:$0x3FBA];
	_ =	sdelay $0x3  }
0x34: {  	[smem:$0x3FBA] =	sst s10  }
0x35: {  	s10 =	sld [smem:$0x3FB9];
	_ =	sdelay $0x3  }
0x36: {  	p1 =	seq.s32 s10, $0x1;
	s10 =	sld [smem:$0x3FBA];
	_ =	sdelay $0x3  }
0x37: {  	[smem:$0x3FBA] =	sst s10  }
0x38: {  	s10 =	sld [smem:$0x3FBB]  }
0x39: {  	_ = 	snop;
	(pc) =	sbr.ind lr, $3  }
0x3a: {  	_ = 	snop  }
0x3b: {  	_ = 	snop  }
0x3c: {  	p2 =	seq.s32 s10, $0x1;
	s10 =	sld [smem:$0x3FBA]  }
0x3d: {  	_ =	shalt  }
0x3e: {  	_ =	shalt  }
0x3f: {  	_ =	shalt  }
0x40: {  	_ =	shalt  }
0x41: {  	_ =	shalt  }
0x42: {  	_ =	shalt  }
0x43: {  	_ =	shalt  }
0x44: {  	_ =	shalt  }
0x45: {  	_ =	shalt  }
0x46: {  	_ =	shalt  }
0x47: {  	_ =	shalt  }
0x48: {  	_ =	shalt  }
0x49: {  	_ =	shalt  }
0x4a: {  	_ =	shalt  }
0x4b: {  	_ =	shalt  }
0x4c: {  	_ =	shalt  }
0x4d: {  	_ =	shalt  }
0x4e: {  	_ =	shalt  }
0x4f: {  	_ =	shalt  }
0x50: {  	_ =	shalt  }
0x51: {  	_ =	shalt  }
0x52: {  	_ =	shalt  }
0x53: {  	_ =	shalt  }
0x54: {  	_ =	shalt  }
0x55: {  	_ =	shalt  }
0x56: {  	_ =	shalt  }
0x57: {  	_ =	shalt  }
0x58: {  	_ =	shalt  }
0x59: {  	_ =	shalt  }
0x5a: {  	_ =	shalt  }
0x5b: {  	_ =	shalt  }
0x5c: {  	_ =	shalt  }
0x5d: {  	_ =	shalt  }
0x5e: {  	_ =	shalt  }
0x5f: {  	_ =	shalt  }
0x60: {  	_ =	shalt  }
0x61: {  	_ =	shalt  }
0x62: {  	_ =	shalt  }
0x63: {  	_ =	shalt  }
0x64: {  	_ =	shalt  }
0x65: {  	_ =	shalt  }
0x66: {  	_ =	shalt  }
0x67: {  	_ =	shalt  }
0x68: {  	_ =	shalt  }
0x69: {  	_ =	shalt  }
0x6a: {  	_ =	shalt  }
0x6b: {  	_ =	shalt  }
0x6c: {  	_ =	shalt  }
0x6d: {  	_ =	shalt  }
0x6e: {  	_ =	shalt  }
0x6f: {  	_ =	shalt  }
0x70: {  	_ =	shalt  }
0x71: {  	_ =	shalt  }
0x72: {  	_ =	shalt  }
0x73: {  	_ =	shalt  }
0x74: {  	_ =	shalt  }
0x75: {  	_ =	shalt  }
0x76: {  	_ =	shalt  }
0x77: {  	_ =	shalt  }
0x78: {  	_ =	shalt  }
0x79: {  	_ =	shalt  }
0x7a: {  	_ =	shalt  }
0x7b: {  	_ =	shalt  }
0x7c: {  	_ =	shalt  }
0x7d: {  	_ =	shalt  }
0x7e: {  	_ =	shalt  }
0x7f: {  	_ =	shalt  }
0x80: {  	_ =	shalt  }
0x81: {  	_ =	shalt  }
0x82: {  	_ =	shalt  }
0x83: {  	_ =	shalt  }
0x84: {  	_ =	shalt  }
0x85: {  	_ =	shalt  }
0x86: {  	_ =	shalt  }
0x87: {  	_ =	shalt  }
.Lfunc_end0:
.L_simem_size_0:
called_computation_lowered:
.L_overlay_start_0:
0x88: {  	s2 =	sld [smem:$0x3FD9]  }
0x89: {  	s3 =	sld [smem:$0x3FFE];
	_ =	sdelay $0x1  }
0x8a: {  	s1 =	srdreg.scid  }
0x8b: {  	s0 =	sand.u32 $0x1, s1  }
0x8c: {  	s17 =	sshll.u32 s0, $0xA;
	s2 =	sadd.s32 s3, s2  }
0x8d: {  	s2 =	sadd.s32 s2, s17  }
0x8e: {  	[smem:$0x3FC6] =	sst s2  }
0x8f: {  	_ = 	snop  }
0x90: {  	s2 =	sld [smem:$0x3FC8];
	(tm) =	ssettm $0x1  }
0x91: {  	s18 =	sld [smem:$0x3FFB];
	_ =	sdelay $0x3  }
0x92: {  	_ =	strace s18  }
0x93: {  	s3 =	sld [smem:$0x3FFC];
	_ =	sdelay $0x3  }
0x94: {  	_ =	strace s3  }
0x95: {  	s3 =	sld [smem:$0x3FFD];
	_ =	sdelay $0x3  }
0x96: {  	_ =	strace s3  }
0x97: {  	_ =	strace $0x8FFFFFFF  }
0x98: {  	s19 =	sld [smem:$0x3FDB];
	_ =	sdelay $0x1  }
0x99: {  	s4 =	simm.s32 $_scs_section_size  }
0x9a: {  	s5 =	simm.s32 $_size__tile_overlayer_lowered;
	s6 =	simm.s32 $_tile_overlayer_lowered  }
0x9b: {  	s22 =	simm.s32 $0x1BFF;
	s21 =	sshll.u32 s6, $0x1;
	s3 =	sadd.s32 s4, s19  }
0x9c: {  	s7 =	simm.s32 $0x0;
	s20 =	sshll.u32 s5, $0x1;
	s5 =	sadd.s32 s21, s3  }
0x9d: {  	[timem:s7], [sflag:s22] =	dma.local [hbm:s5], s20  }
0x9e: {  	_ =	swait.ge [sflag:s22], s20  }
0x9f: {  	s4 =	ssub.s32 $0x0, s20;
	[sflag:s22] =	ssyncset.done $0x0  }
0xa0: {  	[sflag:s22] =	ssyncadd.s32 s4;
	_ =	sdelay $0x1  }
0xa1: {  	s23 =	simm.s32 $0x1B8B  }
0xa2: {  	_ =	swait.ge [sflag:s23], $0x1  }
0xa3: {  	[sflag:s23] =	ssyncset.done $0x0  }
0xa4: {  	s25 =	simm.s32 $0x1B8E;
	s24 =	sld [smem:$0x3FFE];
	[sflag:s23] =	ssyncadd.s32 $0xFFFFFFFF  }
0xa5: {  	s26 =	simm.s32 $execute0_lowered;
	[smem:$0x3FD2] =	sst s25  }
0xa6: {  	s5 =	sshll.u32 s26, $0x1;
	_ =	strace $0x80000046;
	[dreg:$0x1] =	wrdreg $0xFFFFFFFF  }
0xa7: {  	s28 =	simm.s32 $_size_execute0_lowered;
	s3 =	sadd.s32 s3, s5;
	[dreg:$0x0] =	wrdreg $0x0  }
0xa8: {  	s5 =	sshll.u32 s28, $0x1;
	[dreg:$0x2] =	wrdreg s3  }
0xa9: {  	[dreg:$0x3] =	wrdreg s5  }
0xaa: {  	[dreg:$0x4] =	wrdreg $0xC0  }
0xab: {  	_ =	task [dreg:s7], $0x5FFFF  }
0xac: {  	[dreg:$0x1] =	wrdreg $0xFFFFFFFF  }
0xad: {  	[dreg:$0x0] =	wrdreg $0x60  }
0xae: {  	[dreg:$0x2] =	wrdreg s24  }
0xaf: {  	[dreg:$0x3] =	wrdreg s2  }
0xb0: {  	[dreg:$0x4] =	wrdreg $0x9  }
0xb1: {  	_ =	task.clear_ibuf [dreg:s7], $0x5FFFF;
	_ =	strace $0x90000046  }
0xb2: {  	s29 =	simm.s32 $0x9;
	_ =	strace $0x80000048  }
0xb3: {  	_ =	swait.ge [sflag:s29], $0x1  }
0xb4: {  	[sflag:s29] =	ssyncadd.s32 $0xFFFFFFFF  }
0xb5: {  	_ =	strace $0x90000048  }
0xb6: {  	_ =	sfence  }
0xb7: {  	s30 =	sld [smem:$0x0];
	_ =	sdelay $0x2  }
0xb8: {  	s31 =	sshll.u32 s1, $0xD;
	s1 =	sshrl.u32 s1, $0x2  }
0xb9: {  	s3 =	sand.u32 $0x4000, s31;
	s1 =	sadd.s32 s1, s30  }
0xba: {  	s0 =	sor.u32 s3, s0;
	s1 =	sshll.u32 s1, $0x11  }
0xbb: {  	s0 =	sor.u32 s1, s0  }
0xbc: {  	s0 =	sadd.s32 $0x8F2B, s0  }
0xbd: {  	[sflag:s0] =	ssyncadd.remote.s32 $0x1  }
0xbe: {  	_ =	sfence.sel $0xFFFF  }
0xbf: {  	[dreg:$0x0] =	wrdreg $0xFFFFFFFF;
	(pc) =	sbr.abs _section_cstart, $3  }
0xc0: {  	[dreg:$0x1] =	wrdreg $0xFFFFFFFF  }
0xc1: {  	_ =	task.clear_ibuf [dreg:s7], $0x2FFFF;
	_ =	strace $0x9FFFFFFF  }
0xc2: {  	(tm) =	ssettm $0x7FFFFFFF  }
0xc3: {  	_ =	shalt  }
tec
execute0_lowered:
.L_overlay_start_1:
0x0: {  	(tag) =	ssettag $0x1  }
0x1: {  	v1 =	vlaneseq.u32  }
0x2: {  	v0 =	vadd.s32 $0x15, v1  }
0x3: {  	v45 =	vadd.s32 $0x16, v1;
	[tilespmem:$0x1FCC0] =	vst v0  }
0x4: {  	v46 =	vadd.s32 $0x17, v1;
	[tilespmem:$0x1FCD0] =	vst v45  }
0x5: {  	v55 =	vimm.s32 $0x34333231;
	v57 =	vimm.s32 $0x38373635;
	v47 =	vadd.s32 $0x18, v1;
	[tilespmem:$0x1FCE0] =	vst v46  }
0x6: {  	v3 =	vimm.s32 $0x3C3B3A39;
	v4 =	vimm.s32 $0x3F3E3D;
	v48 =	vadd.s32 $0x19, v1;
	[tilespmem:$0x1FCF0] =	vst v47  }
0x7: {  	vm0 =	vcmask $0x1F10;
	v58 =	vimm.s32 $0x35343332;
	v49 =	vadd.s32 $0x1A, v1;
	[tilespmem:$0x1FD00] =	vst v48  }
0x8: {  	v59 =	vimm.s32 $0x39383736;
	v36 =	vimm.s32 $0x3D3C3B3A;
	v50 =	vadd.s32 $0x1B, v1;
	[tilespmem:$0x1FD10] =	vst v49  }
0x9: {  	v37 =	vimm.s32 $0x1003F3E;
	v12 =	vimm.s32 $0x36353433;
	v51 =	vadd.s32 $0x1C, v1;
	[tilespmem:$0x1FD20] =	vst v50  }
0xa: {  	v13 =	vimm.s32 $0x3020100;
	v39 =	vimm.s32 $0x201003F;
	v52 =	vadd.s32 $0x1D, v1;
	[tilespmem:$0x1FD30] =	vst v51  }
0xb: {  	v40 =	vimm.s32 $0x3F3E3D3C;
	vm1 =	vcmask $0x2F10;
	v53 =	vadd.s32 $0x1E, v1;
	[tilespmem:$0x1FD40] =	vst v52  }
0xc: {  	vm2 =	vcmask $0x3F30;
	v54 =	vadd.s32 $0x1F, v1;
	v2 =	vadd.s32 $0x21, v1;
	[tilespmem:$0x1FD50] =	vst v53  }
0xd: {  	v56 =	vadd.s32 $0x22, v1;
	v5 =	vunpack.c.0.s8.s32 v57;
	v6 =	vunpack.c.0.s8.s32 v3;
	[tilespmem:$0x1FD60] =	vst v54  }
0xe: {  	v3 =	vunpack.c.0.s8.s32 v58;
	v60 =	vunpack.c.0.s8.s32 v59;
	v8 =	vunpack.c.0.s8.s32 v36;
	[tilespmem:$0x1FD70] =	vst v2  }
0xf: {  	v9 =	vadd.s32 $0x24, v1;
	v61 =	vadd.s32 $0x25, v1;
	v36 =	vunpack.c.0.s8.s32 v13;
	[tilespmem:$0x1FD80] =	vst v56  }
0x10: {  	v15 =	vunpack.c.0.s8.s32 v40;
	v10 =	vunpack.c.0.s8.s32 v39;
	v0 =	vunpack.c.0.s8.s32 v55;
	[tilespmem:$0x1FDB0] =	vst v9  }
0x11: {  	v2 =	vunpack.c.0.s8.s32 v4;
	[tilespmem:$0x1FDC0] =	vst v61;
	v45 =	vimm.s32 $0x37363534;
	v46 =	vimm.s32 $0x3B3A3938  }
0x12: {  	v51 =	vimm.s32 $0x4030201;
	v53 =	vimm.s32 $0x5040302;
	v54 =	vimm.s32 $0x87654321  }
0x13: {  	v55 =	vimm.s32 $0x98765432;
	v56 =	vimm.s32 $0x32107654;
	v61 =	vimm.s32 $0x43218765  }
0x14: {  	[tilespmem:$0x1FD90] =	vst v5;
	v62 =	vsel vm0, v60, v3;
	v48 =	vunpack.c.0.s8.s32 v45;
	v49 =	vunpack.c.0.s8.s32 v46  }
0x15: {  	[tilespmem:$0x1FDA0] =	vst v6;
	v36 =	vsel vm0, v36, v15;
	v52 =	vunpack.c.0.s8.s32 v51;
	v39 =	vunpack.c.0.s8.s32 v53  }
0x16: {  	[tilespmem:$0x1FDE0] =	vst v60;
	v40 =	vunpack.c.l.s4.s8 v54;
	v45 =	vunpack.c.l.s4.s8 v55;
	v59 =	vunpack.c.l.s4.s8 v56  }
0x17: {  	[tilespmem:$0x1FDF0] =	vst v8;
	v46 =	vunpack.c.l.s4.s8 v61;
	v0 =	vsel vm0, v5, v0;
	v4 =	vsel vm0, v2, v6  }
0x18: {  	[tilespmem:$0x1FE70] =	vst v15;
	v5 =	vunpack.c.0.s8.s32 v37;
	v0 =	vcombine.low v0, v4;
	v50 =	vsel vm0, v49, v48  }
0x19: {  	[tilespmem:$0x1FE10] =	vst v49;
	v57 =	vsel vm0, v52, v2;
	v40 =	vunpack.c.0.s8.s32 v40;
	v45 =	vunpack.c.0.s8.s32 v45  }
0x1a: {  	v63 =	vsel vm0, v5, v8;
	v8 =	vcombine.low v50, v36;
	[tilespmem:$0x1FE30] =	vst v57;
	v36 =	vunpack.c.0.s8.s32 v59  }
0x1b: {  	[tilespmem:$0x1FDD0] =	vst v0;
	v0 =	vcombine.low v62, v63;
	v40 =	vand.u32 $0xF, v40;
	v45 =	vand.u32 $0xF, v45  }
0x1c: {  	v58 =	vsel vm0, v39, v5;
	[tilespmem:$0x1FE20] =	vst v8;
	v4 =	vcombine.low v4, v40;
	v3 =	vcombine.low v63, v45  }
0x1d: {  	v62 =	vand.u32 $0xF, v36;
	v63 =	vimm.s32 $0xB0A0908;
	v8 =	vunpack.c.0.s8.s32 v46;
	[tilespmem:$0x1FE00] =	vst v0  }
0x1e: {  	v0 =	vunpack.c.0.s8.s32 v12;
	v12 =	vimm.s32 $0xC0B0A09;
	[tilespmem:$0x1FE50] =	vst v4;
	v4 =	vunpack.c.0.s8.s32 v63  }
0x1f: {  	[tilespmem:$0x1FE60] =	vst v3;
	v3 =	vsel vm1, v62, v15;
	v36 =	vand.u32 $0xF, v8;
	v13 =	vunpack.c.0.s8.s32 v12  }
0x20: {  	s5 =	rddreg [dreg:$0x0];
	[tilespmem:$0x1FE40] =	vst v58;
	v2 =	vsel vm1, v36, v2;
	v3 =	vsel vm2, v4, v3  }
0x21: {  	v14 =	vimm.s32 $0x3A393837;
	s1 =	rddreg [dreg:$0x1];
	s3 =	simm.s32 $0x0;
	v2 =	vsel vm2, v13, v2;
	[tilespmem:$0x1FE80] =	vst v3  }
0x22: {  	[smem:$0x7FF] =	sst s3;
	v9 =	vunpack.c.0.s8.s32 v14;
	v49 =	vadd.s32 $0x26, v1;
	[tilespmem:$0x1FE90] =	vst v2  }
0x23: {  	s0 =	rddreg [dreg:$0x2];
	v37 =	vimm.s32 $0x3E3D3C3B;
	_ =	strace $0x80000047;
	[tilespmem:$0x1FEC0] =	vst v49  }
0x24: {  	v60 =	vimm.s32 $0x6050403;
	v50 =	vunpack.c.0.s8.s32 v37;
	v0 =	vsel vm0, v9, v0;
	[tilespmem:$0x1FED0] =	vst v9  }
0x25: {  	v42 =	vimm.f32 $0.0e+00;
	v39 =	vunpack.c.0.s8.s32 v60;
	[tilespmem:$0x1FEE0] =	vst v0  }
0x26: {  	v11 =	vimm.s32 $0x54329876;
	v44 =	vimm.s32 $0xD0C0B0A;
	v18 =	vadd.s32 $0x1, v1;
	[tilespmem:$0x1FEF0] =	vst v50  }
0x27: {  	v19 =	vadd.s32 $0x2, v1;
	v20 =	vadd.s32 $0x3, v1;
	v51 =	vsel vm0, v39, v10;
	[tilespmem:$0x1FF00] =	vst v10  }
0x28: {  	v21 =	vadd.s32 $0x4, v1;
	v22 =	vadd.s32 $0x5, v1;
	v54 =	vadd.s32 $0x27, v1;
	[tilespmem:$0x1FF10] =	vst v51  }
0x29: {  	v23 =	vadd.s32 $0x6, v1;
	v26 =	vadd.s32 $0x9, v1;
	v55 =	vadd.s32 $0x28, v1;
	[tilespmem:$0x1FF40] =	vst v54  }
0x2a: {  	v27 =	vadd.s32 $0xA, v1;
	v28 =	vadd.s32 $0xB, v1;
	v56 =	vadd.s32 $0x29, v1;
	[tilespmem:$0x1FF50] =	vst v55  }
0x2b: {  	v29 =	vadd.s32 $0xC, v1;
	v30 =	vadd.s32 $0xD, v1;
	v57 =	vadd.s32 $0x2A, v1;
	[tilespmem:$0x1FF60] =	vst v56  }
0x2c: {  	v31 =	vadd.s32 $0xE, v1;
	v43 =	vor.u32 $0x20, v1;
	v58 =	vadd.s32 $0x2B, v1;
	[tilespmem:$0x1FF70] =	vst v57  }
0x2d: {  	s12 =	simm.s32 $0xF000;
	s13 =	simm.s32 $0x1E200;
	v7 =	vadd.s32 $0x23, v1;
	v59 =	vadd.s32 $0x2C, v1;
	v40 =	vunpack.c.l.s4.s8 v11;
	[tilespmem:$0x1FF80] =	vst v58  }
0x2e: {  	s4 =	srdreg.scid;
	v14 =	vimm.s32 $0x6543A987;
	v47 =	vimm.s32 $0x76543210;
	v60 =	vadd.s32 $0x2D, v1;
	[tilespmem:$0x1FF90] =	vst v59  }
0x2f: {  	s16 =	simm.s32 $0x1E400;
	s17 =	simm.s32 $0x1E500;
	s18 =	simm.s32 $0x1E600;
	v61 =	vadd.s32 $0x2E, v1;
	v45 =	vunpack.c.l.s4.s8 v14;
	v40 =	vunpack.c.0.s8.s32 v40;
	[tilespmem:$0x1FFA0] =	vst v60  }
0x30: {  	s2 =	stileid.u32;
	s14 =	simm.s32 $0x1;
	s15 =	simm.s32 $0x3;
	v46 =	vimm.s32 $0xE0D0C0B;
	v15 =	vimm.s32 $0xA9876543;
	v62 =	vadd.s32 $0x2F, v1;
	[tilespmem:$0x1FFB0] =	vst v61  }
0x31: {  	s19 =	simm.s32 $0x2;
	s4 =	sand.u32 $0x1, s4;
	s6 =	sshll.u32 s2, $0x1;
	v45 =	vunpack.c.0.s8.s32 v45;
	v40 =	vand.u32 $0xF, v40;
	v4 =	vunpack.c.0.s8.s32 v44;
	[tilespmem:$0x1FFC0] =	vst v62  }
0x32: {  	s20 =	simm.s32 $0x4;
	s21 =	simm.s32 $0x1E700;
	s6 =	sor.u32 s4, s6;
	v63 =	vor.u32 $0x30, v1;
	v2 =	vsel vm1, v40, v5;
	v3 =	vunpack.c.l.s4.s8 v15;
	[tilespmem:$0x1FFD0] =	vst v43  }
0x33: {  	s22 =	simm.s32 $0x5;
	s23 =	simm.s32 $0x0;
	s8 =	smul.u32 $0x7800, s6;
	v36 =	vand.u32 $0xF, v45;
	v5 =	vunpack.c.0.s8.s32 v46;
	v2 =	vsel vm2, v4, v2;
	[tilespmem:$0x1FFE0] =	vst v63  }
0x34: {  	s9 =	ssub.s32 $0x2, s4;
	s7 =	sshll.u32 s6, $0x4;
	s6 =	smul.u32 $0x78000, s6;
	v48 =	vsel vm1, v36, v10;
	[tilespmem:$0x1FEA0] =	vst v2;
	v2 =	vunpack.c.l.s4.s8 v47;
	v3 =	vunpack.c.0.s8.s32 v3  }
0x35: {  	v32 =	vadd.s32 $0xF, v1;
	v33 =	vor.u32 $0x10, v1;
	s4 =	sadd.s32 $0x600, s5;
	s30 =	sshrl.u32 s9, $0x1;
	s10 =	sadd.s32 s7, s5;
	[tilespmem:$0x1FFF0] =	vst v7;
	v4 =	vsel vm2, v5, v48  }
0x36: {  	v34 =	vadd.s32 $0x11, v1;
	s11 =	ssub.s32 s9, s30;
	s5 =	sadd.s32 s4, s6;
	s31 =	sshrl.u32 s8, $0x3;
	[tilespmem:$0x1FEB0] =	vst v4;
	v52 =	vunpack.c.0.s8.s32 v2;
	v53 =	vand.u32 $0xF, v3  }
0x37: {  	v24 =	vadd.s32 $0x7, v1;
	v25 =	vadd.s32 $0x8, v1;
	v35 =	vadd.s32 $0x12, v1;
	s7 =	sor.u32 $0x1E0, s8;
	s8 =	sor.u32 $0x3C0, s8;
	s9 =	sadd.s32 $0xF42A00, s10;
	[tilespmem:$0x1FF30] =	vst v53  }
0x38: {  	v38 =	vadd.s32 $0x13, v1;
	v41 =	vadd.s32 $0x14, v1;
	s10 =	smax.u32 s11, $0x1;
	s11 =	simm.s32 $0x1E000;
	s6 =	sadd.s32 s1, s31;
	v50 =	vlaneseq.u32;
	[tilespmem:$0x1FF20] =	vst v52  }
.LBB2_1:
0x39: {  	[tilespmem:$0x1E400] =	vst v42  }
0x3a: {  	[tilespmem:$0x1E500] =	vst v42  }
0x3b: {  	[tilespmem:$0x1E600] =	vst v42  }
0x3c: {  	[tilespmem:$0x1E410] =	vst v42  }
0x3d: {  	[tilespmem:$0x1E510] =	vst v42  }
0x3e: {  	[tilespmem:$0x1E610] =	vst v42  }
0x3f: {  	[tilespmem:$0x1E420] =	vst v42  }
0x40: {  	[tilespmem:$0x1E520] =	vst v42  }
0x41: {  	[tilespmem:$0x1E620] =	vst v42  }
0x42: {  	[tilespmem:$0x1E430] =	vst v42  }
0x43: {  	[tilespmem:$0x1E530] =	vst v42  }
0x44: {  	[tilespmem:$0x1E630] =	vst v42  }
0x45: {  	[tilespmem:$0x1E440] =	vst v42  }
0x46: {  	[tilespmem:$0x1E540] =	vst v42  }
0x47: {  	[tilespmem:$0x1E640] =	vst v42  }
0x48: {  	[tilespmem:$0x1E450] =	vst v42  }
0x49: {  	[tilespmem:$0x1E550] =	vst v42  }
0x4a: {  	[tilespmem:$0x1E650] =	vst v42  }
0x4b: {  	[tilespmem:$0x1E460] =	vst v42  }
0x4c: {  	[tilespmem:$0x1E560] =	vst v42  }
0x4d: {  	[tilespmem:$0x1E660] =	vst v42  }
0x4e: {  	[tilespmem:$0x1E470] =	vst v42  }
0x4f: {  	[tilespmem:$0x1E570] =	vst v42  }
0x50: {  	[tilespmem:$0x1E670] =	vst v42  }
0x51: {  	[tilespmem:$0x1E480] =	vst v42  }
0x52: {  	[tilespmem:$0x1E580] =	vst v42  }
0x53: {  	[tilespmem:$0x1E680] =	vst v42  }
0x54: {  	[tilespmem:$0x1E490] =	vst v42  }
0x55: {  	[tilespmem:$0x1E590] =	vst v42  }
0x56: {  	[tilespmem:$0x1E690] =	vst v42  }
0x57: {  	[tilespmem:$0x1E4A0] =	vst v42  }
0x58: {  	[tilespmem:$0x1E5A0] =	vst v42  }
0x59: {  	[tilespmem:$0x1E6A0] =	vst v42  }
0x5a: {  	[tilespmem:$0x1E4B0] =	vst v42  }
0x5b: {  	[tilespmem:$0x1E5B0] =	vst v42  }
0x5c: {  	[tilespmem:$0x1E6B0] =	vst v42  }
0x5d: {  	[tilespmem:$0x1E4C0] =	vst v42  }
0x5e: {  	[tilespmem:$0x1E5C0] =	vst v42  }
0x5f: {  	[tilespmem:$0x1E6C0] =	vst v42  }
0x60: {  	[tilespmem:$0x1E4D0] =	vst v42  }
0x61: {  	[tilespmem:$0x1E5D0] =	vst v42  }
0x62: {  	[tilespmem:$0x1E6D0] =	vst v42  }
0x63: {  	[tilespmem:$0x1E4E0] =	vst v42  }
0x64: {  	[tilespmem:$0x1E5E0] =	vst v42  }
0x65: {  	[tilespmem:$0x1E6E0] =	vst v42  }
0x66: {  	[tilespmem:$0x1E4F0] =	vst v42  }
0x67: {  	[tilespmem:$0x1E5F0] =	vst v42  }
0x68: {  	[tilespmem:$0x1E6F0] =	vst v42  }
0x69: {  	[tilespmem:s3], [sflag:$0x1] =	stream.linear.gather [hbm4b:s5+s3], $0xF000, $0x38;
	[tilespmem:$0x1E780] =	vst v63  }
0x6a: {  	s24 =	simm.s32 $0x0  }
0x6b: {  	[tilespmem:s11], [sflag:$0x3] =	stream.linear.gather [hbm4b:s6+s3], $0x1E0, $0x38;
	[tilespmem:$0x1E780] =	vst v63  }
.LBB2_2:
0x6c: {  	s25 =	smul.u32 $0x3C0, s24;
	_ =	sdelay $0x1  }
0x6d: {  	s28 =	sadd.s32 s25, s7  }
0x6e: {  	s26 =	sshll.u32 s28, $0x4  }
0x6f: {  	s28 =	sshrl.u32 s28, $0x3;
	s29 =	sadd.s32 s4, s26;
	s26 =	simm.s32 $0x0  }
0x70: {  	[tilespmem:s12], [sflag:$0x2] =	stream.linear.gather [hbm4b:s29+s26], $0xF000, $0x38;
	[tilespmem:$0x1E780] =	vst v63  }
0x71: {  	s28 =	sadd.s32 s1, s28  }
0x72: {  	[tilespmem:s13], [sflag:$0x4] =	stream.linear.gather [hbm4b:s28+s26], $0x1E0, $0x38;
	[tilespmem:$0x1E780] =	vst v63  }
0x73: {  	_ =	swait.ge [sflag:s14], $0xF000  }
0x74: {  	[sflag:s14] =	ssyncset.done $0x0  }
0x75: {  	[sflag:s14] =	ssyncadd.s32 $0xFFFF1000  }
0x76: {  	_ =	swait.ge [sflag:s15], $0x1E0  }
0x77: {  	[sflag:s15] =	ssyncset.done $0x0  }
0x78: {  	v1 =	vld [tilespmem:$0x1FEF0];
	[sflag:s15] =	ssyncadd.s32 $0xFFFFFE20  }
.LBB2_3:
0x79: {  	v4 =	vor.u32 s26, v50  }
0x7a: {  	v3 =	vshll.u32 v4, $0x7  }
0x7b: {  	v2 =	vor.u32 v50, v3  }
0x7c: {  	v5 =	vor.u32 v18, v3  }
0x7d: {  	v51 =	vor.u32 v19, v3  }
0x7e: {  	v59 =	vor.u32 v20, v3  }
0x7f: {  	v61 =	vor.u32 v21, v3  }
0x80: {  	v62 =	vor.u32 v22, v3;
	v2 =	vld.idx.msk [tilespmem:v2+s3+$0x0], $0xffff  }
0x81: {  	v63 =	vor.u32 v23, v3;
	v5 =	vld.idx.msk [tilespmem:v5+s3+$0x0], $0xffff  }
0x82: {  	v51 =	vld.idx.msk [tilespmem:v51+s3+$0x0], $0xffff  }
0x83: {  	v59 =	vld.idx.msk [tilespmem:v59+s3+$0x0], $0xffff  }
0x84: {  	v61 =	vld.idx.msk [tilespmem:v61+s3+$0x0], $0xffff  }
0x85: {  	v7 =	vor.u32 v24, v3;
	v62 =	vld.idx.msk [tilespmem:v62+s3+$0x0], $0xffff;
	v6 =	vmul.f32 $1.442695020e+00, v2  }
0x86: {  	v11 =	vor.u32 v27, v3;
	v63 =	vld.idx.msk [tilespmem:v63+s3+$0x0], $0xffff;
	v8 =	vmul.f32 $1.442695020e+00, v5  }
0x87: {  	v9 =	vor.u32 v25, v3;
	v55 =	vmul.f32 $1.442695020e+00, v51;
	(erf) = vpow2.f32 v6  }
0x88: {  	v57 =	vor.u32 v26, v3;
	v56 =	vmul.f32 $1.442695020e+00, v59;
	(erf) = vpow2.f32 v8  }
0x89: {  	v58 =	vmul.f32 $1.442695020e+00, v61;
	(erf) = vpow2.f32 v55  }
0x8a: {  	v60 =	vor.u32 v28, v3;
	v7 =	vld.idx.msk [tilespmem:v7+s3+$0x0], $0xffff;
	v10 =	vmul.f32 $1.442695020e+00, v62;
	(erf) = vpow2.f32 v56  }
0x8b: {  	v11 =	vld.idx.msk [tilespmem:v11+s3+$0x0], $0xffff;
	v36 =	vmul.f32 $1.442695020e+00, v63;
	(erf) = vpow2.f32 v58  }
0x8c: {  	v12 =	vor.u32 v29, v3;
	v8 =	vld.idx.msk [tilespmem:v9+s3+$0x0], $0xffff;
	(erf) = vpow2.f32 v10  }
0x8d: {  	v13 =	vor.u32 v30, v3;
	v6 =	vld.idx.msk [tilespmem:v57+s3+$0x0], $0xffff;
	(erf) = vpow2.f32 v36  }
0x8e: {  	v43 =	vmov v18;
	v44 =	vmov v19;
	v15 =	vor.u32 v31, v3  }
0x8f: {  	v49 =	vmovc v20;
	v52 =	vmovc v21;
	v53 =	vmov v22;
	v18 =	vor.u32 v32, v3;
	v37 =	vmul.f32 $1.442695020e+00, v7;
	v9 =	vld.idx.msk [tilespmem:v60+s3+$0x0], $0xffff  }
0x90: {  	v54 =	vmov v23;
	v0 =	vld [tilespmem:$0x1FCC0];
	v17 =	vor.u32 v33, v3;
	v21 =	vor.u32 v34, v3;
	v14 =	vpop (erf)  }
0x91: {  	v22 =	vor.u32 v35, v3;
	v12 =	vld.idx.msk [tilespmem:v12+s3+$0x0], $0xffff;
	v39 =	vmul.f32 $1.442695020e+00, v8;
	v16 =	vpop (erf);
	(erf) = vpow2.f32 v37  }
0x92: {  	v13 =	vld.idx.msk [tilespmem:v13+s3+$0x0], $0xffff;
	v57 =	vmul.f32 $1.442695020e+00, v11;
	v55 =	vmov v24;
	v48 =	vmul.f32 $1.442695020e+00, v6;
	v19 =	vpop (erf)  }
0x93: {  	v15 =	vld.idx.msk [tilespmem:v15+s3+$0x0], $0xffff;
	v24 =	vor.u32 v38, v3;
	v14 =	vadd.f32 $0.0e+00, v14;
	(erf) = vpow2.f32 v39;
	v20 =	vpop (erf)  }
0x94: {  	v18 =	vld.idx.msk [tilespmem:v18+s3+$0x0], $0xffff;
	v58 =	vmul.f32 $1.442695020e+00, v9;
	v16 =	vadd.f32 $0.0e+00, v16;
	(erf) = vpow2.f32 v48;
	v23 =	vpop (erf)  }
0x95: {  	v36 =	vld.idx.msk [tilespmem:v17+s3+$0x0], $0xffff;
	v17 =	vor.u32 v41, v3;
	v19 =	vadd.f32 $0.0e+00, v19;
	v14 =	vadd.f32 v23, v14;
	v23 =	vpop (erf)  }
0x96: {  	v21 =	vld.idx.msk [tilespmem:v21+s3+$0x0], $0xffff;
	v37 =	vmul.f32 $1.442695020e+00, v12;
	(erf) = vpow2.f32 v57;
	v16 =	vadd.f32 v23, v16;
	v23 =	vpop (erf)  }
0x97: {  	v22 =	vld.idx.msk [tilespmem:v22+s3+$0x0], $0xffff;
	(erf) = vpow2.f32 v58;
	v19 =	vadd.f32 v23, v19;
	v23 =	vmul.f32 $1.442695020e+00, v13  }
0x98: {  	v40 =	vmul.f32 $1.442695020e+00, v15;
	v56 =	vmovc v25;
	v25 =	vor.u32 v0, v3;
	v0 =	vld [tilespmem:$0x1FCD0];
	(erf) = vpow2.f32 v37  }
0x99: {  	v24 =	vld.idx.msk [tilespmem:v24+s3+$0x0], $0xffff;
	(erf) = vpow2.f32 v23;
	v23 =	vmul.f32 $1.442695020e+00, v18  }
0x9a: {  	v46 =	vmul.f32 $1.442695020e+00, v36;
	v39 =	vpop (erf);
	(erf) = vpow2.f32 v40  }
0x9b: {  	v17 =	vld.idx.msk [tilespmem:v17+s3+$0x0], $0xffff;
	(erf) = vpow2.f32 v23;
	v23 =	vmul.f32 $1.442695020e+00, v21  }
0x9c: {  	v2 =	vmax.f32 v2, v61;
	v45 =	vpop (erf);
	(erf) = vpow2.f32 v46  }
0x9d: {  	v48 =	vmul.f32 $1.442695020e+00, v22;
	v47 =	vpop (erf);
	(erf) = vpow2.f32 v23;
	v23 =	vor.u32 v0, v3;
	v0 =	vld [tilespmem:$0x1FCE0]  }
0x9e: {  	v2 =	vmax.f32 v2, v8;
	v8 =	vadd.f32 v47, v16;
	v16 =	vmul.f32 $1.442695020e+00, v24  }
0x9f: {  	(erf) = vpow2.f32 v48  }
0xa0: {  	v5 =	vmax.f32 v5, v62;
	v57 =	vpop (erf);
	(erf) = vpow2.f32 v16;
	v16 =	vmul.f32 $1.442695020e+00, v17  }
0xa1: {  	v5 =	vmax.f32 v5, v6;
	v6 =	vadd.f32 v57, v19;
	v19 =	vpop (erf)  }
0xa2: {  	v58 =	vpop (erf);
	(erf) = vpow2.f32 v16;
	v16 =	vor.u32 v0, v3;
	v0 =	vld [tilespmem:$0x1FCF0];
	_ =	sdelay $0x4  }
0xa3: {  	v61 =	vor.u32 v0, v3;
	v0 =	vld [tilespmem:$0x1FD00];
	_ =	sdelay $0x3  }
0xa4: {  	v20 =	vadd.f32 $0.0e+00, v20  }
0xa5: {  	v51 =	vmax.f32 v51, v63;
	v63 =	vor.u32 v0, v3;
	v0 =	vld [tilespmem:$0x1FD10]  }
0xa6: {  	v20 =	vadd.f32 v39, v20  }
0xa7: {  	v7 =	vmax.f32 v59, v7;
	v59 =	vpop (erf)  }
0xa8: {  	v19 =	vadd.f32 v19, v20;
	v60 =	vpop (erf)  }
0xa9: {  	v62 =	vpop (erf)  }
0xaa: {  	v2 =	vmax.f32 v2, v12;
	v12 =	vadd.f32 v62, v19;
	v19 =	vor.u32 v0, v3;
	v0 =	vld [tilespmem:$0x1FD20]  }
0xab: {  	v14 =	vadd.f32 v45, v14;
	_ =	sdelay $0x1  }
0xac: {  	v7 =	vmax.f32 v7, v9;
	v25 =	vld.idx.msk [tilespmem:v25+s3+$0x0], $0xffff;
	v9 =	vadd.f32 v58, v14  }
0xad: {  	v7 =	vmax.f32 v7, v18;
	v18 =	vpop (erf)  }
0xae: {  	v9 =	vadd.f32 v18, v9;
	v18 =	vor.u32 v0, v3;
	v0 =	vld [tilespmem:$0x1FD30];
	_ =	sdelay $0x2  }
0xaf: {  	v20 =	vmul.f32 $1.442695020e+00, v25;
	_ =	sdelay $0x1  }
0xb0: {  	(erf) = vpow2.f32 v20;
	v20 =	vor.u32 v0, v3;
	v0 =	vld [tilespmem:$0x1FD40];
	_ =	sdelay $0x3  }
0xb1: {  	v5 =	vmax.f32 v5, v13;
	v13 =	vld.idx.msk [tilespmem:v23+s3+$0x0], $0xffff  }
0xb2: {  	v23 =	vor.u32 v0, v3;
	v0 =	vld [tilespmem:$0x1FD50];
	_ =	sdelay $0x4  }
0xb3: {  	v40 =	vor.u32 v0, v3;
	v0 =	vld [tilespmem:$0x1FD60];
	_ =	sdelay $0x2  }
0xb4: {  	v5 =	vmax.f32 v5, v21;
	v21 =	vmul.f32 $1.442695020e+00, v13;
	_ =	sdelay $0x1  }
0xb5: {  	v2 =	vmax.f32 v2, v36;
	v36 =	vpop (erf);
	(erf) = vpow2.f32 v21;
	v21 =	vor.u32 v0, v3;
	v0 =	vld [tilespmem:$0x1FFD0];
	_ =	sdelay $0x4  }
0xb6: {  	v45 =	vor.u32 v0, v3;
	v0 =	vld [tilespmem:$0x1FD70];
	_ =	sdelay $0x2  }
0xb7: {  	v16 =	vld.idx.msk [tilespmem:v16+s3+$0x0], $0xffff  }
0xb8: {  	v2 =	vmax.f32 v2, v17;
	v17 =	vld.idx.msk [tilespmem:v20+s3+$0x0], $0xffff  }
0xb9: {  	v20 =	vor.u32 v0, v3;
	v0 =	vld [tilespmem:$0x1FD80];
	_ =	sdelay $0x2  }
0xba: {  	v11 =	vmax.f32 v51, v11;
	v7 =	vmax.f32 v7, v24;
	v37 =	vpop (erf);
	v24 =	vmul.f32 $1.442695020e+00, v16  }
0xbb: {  	v11 =	vmax.f32 v11, v15;
	v39 =	vpop (erf)  }
0xbc: {  	v11 =	vmax.f32 v11, v22;
	v22 =	vpop (erf);
	(erf) = vpow2.f32 v24;
	v24 =	vor.u32 v0, v3;
	v0 =	vld [tilespmem:$0x1FFF0];
	_ =	sdelay $0x4  }
0xbd: {  	v46 =	vor.u32 v0, v3;
	v0 =	vld [tilespmem:$0x1FDB0];
	_ =	sdelay $0x4  }
0xbe: {  	v47 =	vor.u32 v0, v3;
	v0 =	vld [tilespmem:$0x1FDC0];
	_ =	sdelay $0x2  }
0xbf: {  	v8 =	vadd.f32 v59, v8;
	_ =	sdelay $0x1  }
0xc0: {  	v8 =	vadd.f32 v36, v8;
	v36 =	vor.u32 v0, v3;
	v0 =	vld [tilespmem:$0x1FEC0];
	_ =	sdelay $0x2  }
0xc1: {  	v6 =	vadd.f32 v60, v6;
	_ =	sdelay $0x1  }
0xc2: {  	v6 =	vadd.f32 v37, v6;
	v37 =	vor.u32 v0, v3;
	v0 =	vld [tilespmem:$0x1FF40];
	_ =	sdelay $0x3  }
0xc3: {  	v14 =	vld.idx.msk [tilespmem:v61+s3+$0x0], $0xffff  }
0xc4: {  	v57 =	vmov v26;
	v26 =	vor.u32 v0, v3;
	v0 =	vld [tilespmem:$0x1FF50]  }
0xc5: {  	v10 =	vadd.f32 v39, v12;
	v12 =	vld.idx.msk [tilespmem:v63+s3+$0x0], $0xffff  }
0xc6: {  	v19 =	vld.idx.msk [tilespmem:v19+s3+$0x0], $0xffff  }
0xc7: {  	v18 =	vld.idx.msk [tilespmem:v18+s3+$0x0], $0xffff  }
0xc8: {  	v23 =	vld.idx.msk [tilespmem:v23+s3+$0x0], $0xffff  }
0xc9: {  	v60 =	vmov v28;
	v9 =	vadd.f32 v22, v9;
	v22 =	vpop (erf);
	v28 =	vor.u32 v0, v3;
	v0 =	vld [tilespmem:$0x1FF60]  }
0xca: {  	v8 =	vadd.f32 v22, v8;
	v22 =	vmul.f32 $1.442695020e+00, v14;
	v15 =	vld.idx.msk [tilespmem:v40+s3+$0x0], $0xffff  }
0xcb: {  	v5 =	vmax.f32 v5, v25;
	v25 =	vmul.f32 $1.442695020e+00, v12;
	v21 =	vld.idx.msk [tilespmem:v21+s3+$0x0], $0xffff  }
0xcc: {  	(erf) = vpow2.f32 v22;
	v22 =	vmul.f32 $1.442695020e+00, v19;
	v51 =	vld.idx.msk [tilespmem:v45+s3+$0x0], $0xffff  }
0xcd: {  	(erf) = vpow2.f32 v25;
	v25 =	vmul.f32 $1.442695020e+00, v18;
	v20 =	vld.idx.msk [tilespmem:v20+s3+$0x0], $0xffff  }
0xce: {  	(erf) = vpow2.f32 v22;
	v22 =	vmul.f32 $1.442695020e+00, v17;
	v39 =	vor.u32 v0, v3;
	v0 =	vld [tilespmem:$0x1FF70]  }
0xcf: {  	v58 =	vmov v27;
	(erf) = vpow2.f32 v25;
	v25 =	vmul.f32 $1.442695020e+00, v23;
	v24 =	vld.idx.msk [tilespmem:v24+s3+$0x0], $0xffff  }
0xd0: {  	v2 =	vmax.f32 v2, v14;
	v27 =	vpop (erf);
	(erf) = vpow2.f32 v22;
	v22 =	vmul.f32 $1.442695020e+00, v15;
	v59 =	vld.idx.msk [tilespmem:v46+s3+$0x0], $0xffff  }
0xd1: {  	v6 =	vadd.f32 v27, v6;
	(erf) = vpow2.f32 v25;
	v25 =	vmul.f32 $1.442695020e+00, v21;
	v27 =	vld.idx.msk [tilespmem:v47+s3+$0x0], $0xffff  }
0xd2: {  	v2 =	vmax.f32 v2, v17;
	(erf) = vpow2.f32 v22;
	v22 =	vmul.f32 $1.442695020e+00, v51  }
0xd3: {  	(erf) = vpow2.f32 v25;
	v25 =	vmul.f32 $1.442695020e+00, v20;
	v17 =	vor.u32 v0, v3;
	v0 =	vld [tilespmem:$0x1FF80]  }
0xd4: {  	v40 =	vpop (erf);
	(erf) = vpow2.f32 v22;
	v45 =	vmul.f32 $1.442695020e+00, v24  }
0xd5: {  	v7 =	vmax.f32 v7, v16;
	v16 =	vpop (erf);
	(erf) = vpow2.f32 v25;
	v25 =	vmul.f32 $1.442695020e+00, v59  }
0xd6: {  	v9 =	vadd.f32 v16, v9;
	v16 =	vpop (erf);
	(erf) = vpow2.f32 v45;
	v46 =	vmul.f32 $1.442695020e+00, v27  }
0xd7: {  	v47 =	vpop (erf);
	(erf) = vpow2.f32 v25  }
0xd8: {  	v8 =	vadd.f32 v16, v8;
	v16 =	vpop (erf);
	(erf) = vpow2.f32 v46;
	v46 =	vor.u32 v0, v3;
	v0 =	vld [tilespmem:$0x1FF90];
	_ =	sdelay $0x1  }
0xd9: {  	v10 =	vadd.f32 v40, v10;
	v62 =	vpop (erf)  }
0xda: {  	v6 =	vadd.f32 v47, v6;
	v61 =	vld.idx.msk [tilespmem:v36+s3+$0x0], $0xffff;
	v36 =	vpop (erf)  }
0xdb: {  	v10 =	vadd.f32 v16, v10;
	v16 =	vpop (erf)  }
0xdc: {  	v6 =	vadd.f32 v16, v6;
	v16 =	vor.u32 v0, v3;
	v0 =	vld [tilespmem:$0x1FFA0];
	_ =	sdelay $0x1  }
0xdd: {  	v7 =	vmax.f32 v7, v18;
	v18 =	vpop (erf)  }
0xde: {  	v8 =	vadd.f32 v36, v8;
	v40 =	vpop (erf)  }
0xdf: {  	v45 =	vpop (erf)  }
0xe0: {  	v8 =	vadd.f32 v45, v8;
	v45 =	vor.u32 v0, v3;
	v0 =	vld [tilespmem:$0x1FFB0];
	_ =	sdelay $0x1  }
0xe1: {  	v63 =	vld.idx.msk [tilespmem:v37+s3+$0x0], $0xffff  }
0xe2: {  	v22 =	vld.idx.msk [tilespmem:v26+s3+$0x0], $0xffff  }
0xe3: {  	v25 =	vmul.f32 $1.442695020e+00, v61;
	v26 =	vld.idx.msk [tilespmem:v28+s3+$0x0], $0xffff  }
0xe4: {  	v10 =	vadd.f32 v18, v10;
	v18 =	vor.u32 v0, v3;
	v0 =	vld [tilespmem:$0x1FFC0]  }
0xe5: {  	(erf) = vpow2.f32 v25;
	v28 =	vld.idx.msk [tilespmem:v39+s3+$0x0], $0xffff;
	_ =	sdelay $0x1  }
0xe6: {  	v11 =	vmax.f32 v11, v13;
	v48 =	vmul.f32 $1.442695020e+00, v63;
	v17 =	vld.idx.msk [tilespmem:v17+s3+$0x0], $0xffff  }
0xe7: {  	v11 =	vmax.f32 v11, v19;
	v25 =	vmul.f32 $1.442695020e+00, v22  }
0xe8: {  	(erf) = vpow2.f32 v48;
	v37 =	vmul.f32 $1.442695020e+00, v26;
	v19 =	vor.u32 v0, v3;
	v0 =	vld [tilespmem:$0x1FFE0]  }
0xe9: {  	(erf) = vpow2.f32 v25;
	v39 =	vmul.f32 $1.442695020e+00, v28  }
0xea: {  	v47 =	vpop (erf);
	(erf) = vpow2.f32 v37  }
0xeb: {  	v5 =	vmax.f32 v5, v12;
	v48 =	vpop (erf);
	(erf) = vpow2.f32 v39;
	v12 =	vld.idx.msk [tilespmem:v16+s3+$0x0], $0xffff;
	v16 =	vmul.f32 $1.442695020e+00, v17  }
0xec: {  	v9 =	vadd.f32 v62, v9;
	v62 =	vpop (erf)  }
0xed: {  	v36 =	vpop (erf);
	(erf) = vpow2.f32 v16;
	v16 =	vor.u32 v0, v3;
	v0 =	vld [tilespmem:$0x1FF00];
	_ =	sdelay $0x2  }
0xee: {  	v2 =	vmax.f32 v2, v51;
	v13 =	vld.idx.msk [tilespmem:v46+s3+$0x0], $0xffff  }
0xef: {  	v5 =	vmax.f32 v5, v23;
	v2 =	vmax.f32 v2, v27;
	v37 =	vpop (erf)  }
0xf0: {  	v5 =	vmax.f32 v5, v20;
	v39 =	vpop (erf);
	v20 =	vsel vm0, v0, v1;
	v0 =	vld [tilespmem:$0x1FDD0]  }
0xf1: {  	v9 =	vadd.f32 v40, v9;
	v8 =	vadd.f32 v36, v8;
	v40 =	vpop (erf)  }
0xf2: {  	v14 =	vmax.f32 v2, v26;
	v2 =	vpop (erf)  }
0xf3: {  	v8 =	vadd.f32 v2, v8;
	v2 =	vmul.f32 $1.442695020e+00, v13;
	_ =	sdelay $0x1  }
0xf4: {  	(erf) = vpow2.f32 v2;
	v2 =	vor.u32 v0, v3;
	v0 =	vld [tilespmem:$0x1FEE0];
	_ =	sdelay $0x4  }
0xf5: {  	v5 =	vmax.f32 v5, v61;
	v61 =	vcombine.low v0, v20;
	v0 =	vld [tilespmem:$0x1FE00];
	_ =	sdelay $0x2  }
0xf6: {  	v7 =	vmax.f32 v7, v21  }
0xf7: {  	v23 =	vld [tilespmem:$0x1FDA0];
	v7 =	vmax.f32 v7, v59  }
0xf8: {  	v7 =	vmax.f32 v7, v22;
	v22 =	vor.u32 v0, v3;
	v0 =	vld [tilespmem:$0x1FD90];
	_ =	sdelay $0x4  }
0xf9: {  	v23 =	vsel vm0, v23, v0;
	v0 =	vld [tilespmem:$0x1FE30];
	_ =	sdelay $0x4  }
0xfa: {  	v9 =	vadd.f32 v62, v9;
	v62 =	vcombine.low v23, v0;
	v0 =	vld [tilespmem:$0x1FDE0]  }
0xfb: {  	v23 =	vld [tilespmem:$0x1FDF0];
	_ =	sdelay $0x4  }
0xfc: {  	v23 =	vsel vm0, v23, v0;
	v0 =	vld [tilespmem:$0x1FE20];
	_ =	sdelay $0x4  }
0xfd: {  	v25 =	vor.u32 v0, v3;
	v0 =	vld [tilespmem:$0x1FE40];
	_ =	sdelay $0x2  }
0xfe: {  	v11 =	vmax.f32 v11, v15  }
0xff: {  	v11 =	vmax.f32 v11, v24  }
0x100: {  	v11 =	vmax.f32 v11, v63;
	v63 =	vcombine.low v23, v0;
	v0 =	vld [tilespmem:$0x1FED0];
	_ =	sdelay $0x4  }
0x101: {  	v23 =	vsel vm0, v1, v0;
	v0 =	vld [tilespmem:$0x1FF10];
	_ =	sdelay $0x4  }
0x102: {  	v51 =	vcombine.low v23, v0;
	v0 =	vld [tilespmem:$0x1FE70]  }
0x103: {  	v23 =	vld [tilespmem:$0x1FE10];
	_ =	sdelay $0x4  }
0x104: {  	v23 =	vsel vm0, v0, v23;
	v0 =	vmov v29;
	v29 =	vld.idx.msk [tilespmem:v2+s3+$0x0], $0xffff  }
0x105: {  	v2 =	vld [tilespmem:$0x1FF20]  }
0x106: {  	v15 =	vld.idx.msk [tilespmem:v45+s3+$0x0], $0xffff  }
0x107: {  	v18 =	vld.idx.msk [tilespmem:v18+s3+$0x0], $0xffff;
	_ =	sdelay $0x1  }
0x108: {  	v10 =	vadd.f32 v48, v10;
	v48 =	vld [tilespmem:$0x1FEA0];
	v26 =	vor.u32 v62, v3  }
0x109: {  	v21 =	vmul.f32 $1.442695020e+00, v12;
	v59 =	vcombine.low v23, v2;
	v2 =	vld [tilespmem:$0x1FE50]  }
0x10a: {  	v46 =	vld [tilespmem:$0x1FE80];
	v27 =	vmul.f32 $1.442695020e+00, v15  }
0x10b: {  	(erf) = vpow2.f32 v21;
	v19 =	vld.idx.msk [tilespmem:v19+s3+$0x0], $0xffff;
	v23 =	vmul.f32 $1.442695020e+00, v18  }
0x10c: {  	v6 =	vadd.f32 v47, v6;
	(erf) = vpow2.f32 v27;
	v16 =	vld.idx.msk [tilespmem:v16+s3+$0x0], $0xffff  }
0x10d: {  	v24 =	vor.u32 v61, v3;
	(erf) = vpow2.f32 v23;
	v23 =	vld.idx.msk [tilespmem:v26+s3+$0x0], $0xffff  }
0x10e: {  	v6 =	vadd.f32 v37, v6;
	v37 =	vmov v31;
	v31 =	vor.u32 v2, v3;
	v2 =	vld [tilespmem:$0x1FF30]  }
0x10f: {  	v26 =	vld [tilespmem:$0x1FE60]  }
0x110: {  	v47 =	vld [tilespmem:$0x1FE90];
	v36 =	vmov v30;
	v30 =	vor.u32 v63, v3  }
0x111: {  	v21 =	vld.idx.msk [tilespmem:v22+s3+$0x0], $0xffff;
	v22 =	vor.u32 v51, v3  }
0x112: {  	v5 =	vmax.f32 v5, v28;
	v10 =	vadd.f32 v39, v10;
	v24 =	vld.idx.msk [tilespmem:v24+s3+$0x0], $0xffff;
	v27 =	vor.u32 v59, v3  }
0x113: {  	v45 =	vmovc v34;
	v34 =	vor.u32 v46, v3;
	v28 =	vmul.f32 $1.442695020e+00, v19;
	v25 =	vld.idx.msk [tilespmem:v25+s3+$0x0], $0xffff;
	v2 =	vcombine.low v20, v2  }
0x114: {  	v46 =	vmovc v35;
	v35 =	vor.u32 v48, v3;
	v48 =	vmovc v41;
	v41 =	vld [tilespmem:$0x1FEB0];
	v26 =	vor.u32 v26, v3;
	v20 =	vmul.f32 $1.442695020e+00, v16  }
0x115: {  	v39 =	vmovc v32;
	v30 =	vld.idx.msk [tilespmem:v30+s3+$0x0], $0xffff;
	(erf) = vpow2.f32 v28;
	v28 =	vmul.f32 $1.442695020e+00, v29;
	v32 =	vor.u32 v2, v3  }
0x116: {  	v9 =	vadd.f32 v40, v9;
	v22 =	vld.idx.msk [tilespmem:v22+s3+$0x0], $0xffff;
	(erf) = vpow2.f32 v20;
	v20 =	vmul.f32 $1.442695020e+00, v21  }
0x117: {  	v40 =	vmovc v33;
	v33 =	vor.u32 v47, v3;
	v27 =	vld.idx.msk [tilespmem:v27+s3+$0x0], $0xffff;
	(erf) = vpow2.f32 v28;
	v28 =	vmul.f32 $1.442695020e+00, v24  }
0x118: {  	v47 =	vmov v38;
	v31 =	vld.idx.msk [tilespmem:v31+s3+$0x0], $0xffff;
	(erf) = vpow2.f32 v20;
	v20 =	vmul.f32 $1.442695020e+00, v25  }
0x119: {  	v41 =	vor.u32 v41, v3;
	v38 =	vpop (erf);
	v26 =	vld.idx.msk [tilespmem:v26+s3+$0x0], $0xffff;
	(erf) = vpow2.f32 v28;
	v28 =	vmul.f32 $1.442695020e+00, v23  }
0x11a: {  	v6 =	vadd.f32 v38, v6;
	v38 =	vpop (erf);
	(erf) = vpow2.f32 v20;
	v20 =	vmul.f32 $1.442695020e+00, v30;
	v32 =	vld.idx.msk [tilespmem:v32+s3+$0x0], $0xffff  }
0x11b: {  	v11 =	vmax.f32 v11, v17;
	v34 =	vld.idx.msk [tilespmem:v34+s3+$0x0], $0xffff;
	v17 =	vpop (erf);
	(erf) = vpow2.f32 v28;
	v28 =	vmul.f32 $1.442695020e+00, v22  }
0x11c: {  	v33 =	vld.idx.msk [tilespmem:v33+s3+$0x0], $0xffff;
	v10 =	vadd.f32 v38, v10;
	v38 =	vpop (erf);
	(erf) = vpow2.f32 v20;
	v20 =	vmul.f32 $1.442695020e+00, v27  }
0x11d: {  	v7 =	vmax.f32 v7, v13;
	v35 =	vld.idx.msk [tilespmem:v35+s3+$0x0], $0xffff;
	v13 =	vpop (erf);
	(erf) = vpow2.f32 v28;
	v28 =	vmul.f32 $1.442695020e+00, v31  }
0x11e: {  	v41 =	vld.idx.msk [tilespmem:v41+s3+$0x0], $0xffff;
	v9 =	vadd.f32 v17, v9;
	v17 =	vpop (erf);
	(erf) = vpow2.f32 v20;
	v20 =	vmul.f32 $1.442695020e+00, v26  }
0x11f: {  	v12 =	vmax.f32 v14, v12;
	v14 =	vpop (erf);
	(erf) = vpow2.f32 v28;
	v28 =	vmul.f32 $1.442695020e+00, v32  }
0x120: {  	v8 =	vadd.f32 v38, v8;
	v38 =	vpop (erf);
	(erf) = vpow2.f32 v20;
	v20 =	vmul.f32 $1.442695020e+00, v34  }
0x121: {  	v5 =	vmax.f32 v5, v15;
	v15 =	vpop (erf);
	(erf) = vpow2.f32 v28;
	v28 =	vmul.f32 $1.442695020e+00, v33  }
0x122: {  	v6 =	vadd.f32 v13, v6;
	v13 =	vpop (erf);
	(erf) = vpow2.f32 v20;
	v20 =	vmul.f32 $1.442695020e+00, v35  }
0x123: {  	v11 =	vmax.f32 v11, v18;
	v18 =	vpop (erf);
	(erf) = vpow2.f32 v28;
	v28 =	vmul.f32 $1.442695020e+00, v41  }
0x124: {  	v7 =	vmax.f32 v7, v19;
	v10 =	vadd.f32 v17, v10;
	v17 =	vpop (erf);
	(erf) = vpow2.f32 v20  }
0x125: {  	v12 =	vmax.f32 v12, v16;
	v9 =	vadd.f32 v14, v9;
	v14 =	vpop (erf);
	(erf) = vpow2.f32 v28  }
0x126: {  	v7 =	vmax.f32 v7, v24;
	v11 =	vmax.f32 v11, v21;
	v6 =	vadd.f32 v15, v6;
	v15 =	vpop (erf)  }
0x127: {  	v12 =	vmax.f32 v12, v25;
	v8 =	vadd.f32 v38, v8;
	v10 =	vadd.f32 v13, v10;
	v13 =	vpop (erf)  }
0x128: {  	v11 =	vmax.f32 v11, v30;
	v5 =	vmax.f32 v5, v29;
	v9 =	vadd.f32 v18, v9;
	v16 =	vpop (erf)  }
0x129: {  	v5 =	vmax.f32 v5, v23;
	v8 =	vadd.f32 v17, v8;
	v6 =	vadd.f32 v14, v6;
	v14 =	vpop (erf)  }
0x12a: {  	v12 =	vmax.f32 v12, v27;
	v10 =	vadd.f32 v15, v10;
	v9 =	vadd.f32 v13, v9;
	v13 =	vpop (erf)  }
0x12b: {  	v7 =	vmax.f32 v7, v22;
	v12 =	vmax.f32 v12, v34;
	v5 =	vmax.f32 v5, v31;
	v15 =	vpop (erf)  }
0x12c: {  	v11 =	vmax.f32 v11, v26;
	v8 =	vadd.f32 v16, v8;
	v10 =	vadd.f32 v13, v10;
	v13 =	vpop (erf)  }
0x12d: {  	v5 =	vmax.f32 v5, v33;
	v11 =	vmax.f32 v11, v35;
	v6 =	vadd.f32 v14, v6;
	v14 =	vpop (erf)  }
0x12e: {  	v7 =	vmax.f32 v7, v32;
	v9 =	vadd.f32 v15, v9;
	v8 =	vadd.f32 v13, v8;
	v13 =	vpop (erf)  }
0x12f: {  	v7 =	vmax.f32 v7, v41;
	v6 =	vadd.f32 v14, v6;
	v10 =	vadd.f32 v13, v10  }
0x130: {  	v5 =	vmax.f32 v12, v5;
	v7 =	vmax.f32 v11, v7  }
0x131: {  	v5 =	vmax.f32 v5, v7;
	v8 =	vadd.f32 v8, v9;
	v6 =	vadd.f32 v10, v6  }
0x132: {  	v7 =	vmul.f32 $1.442695020e+00, v5  }
0x133: {  	v6 =	vadd.f32 v6, v8  }
0x134: {  	(erf) = vpow2.f32 v7  }
0x135: {  	(erf) = vrcp.f32 v6;
	_ =	sdelay $0x6  }
0x136: {  	v4 =	vld.idx.msk [tilespmem:v4+s11+$0x0], $0xffff  }
0x137: {  	v10 =	vpop (erf)  }
0x138: {  	v11 =	vpop (erf)  }
0x139: {  	v6 =	vmul.f32 v11, v10;
	_ =	sdelay $0x1  }
0x13a: {  	v12 =	vand.u32 $0xFFFFFF80, v4;
	v13 =	vmul.f32 $1.500000000e+01, v6  }
0x13b: {  	v4 =	vand.u32 $0x7F, v4;
	v3 =	vadd.s32 v3, v12  }
0x13c: {  	v4 =	vor.u32 v4, v3;
	v3 =	vtrunc.f32 v13  }
0x13d: {  	v15 =	vimm.s32 $0x0;
	vm1 =	veq.f32 v13, v3;
	v3 =	vcvt.f32.s32 v3  }
0x13e: {  	v15 =	vsel vm1, $0xFFFFFFFF, v15  }
0x13f: {  	v7 =	vadd.s32 v3, v15  }
0x140: {  	v3 =	vmul.u32 $0x10, v50;
	vm1 =	vlt.s32 v7, $0xE  }
0x141: {  	v4 =	vld.idx.msk [tilespmem:v4+s3+$0x0], $0xffff;
	v7 =	vnsel vm1, $0xE, v7  }
0x142: {  	v7 =	vadd.s32 v3, v7;
	_ =	sdelay $0x1  }
0x143: {  	p0 =	sne.s32 s26, $0x1D0  }
.Ltmp0:
0x144: {  	v19 =	vmov v44;
	v29 =	vmov v0;
	v21 =	vmov v52;
	(pc) =	sbr.rel @p0 .LBB2_3-.Ltmp0, $4  }
0x145: {  	v24 =	vmovc v55;
	v25 =	vmovc v56;
	v23 =	vmov v54;
	v14 =	vimm.f32 $1.000000000e+00;
	vm1 =	veq.f32 v4, v5  }
0x146: {  	v30 =	vmovc v36;
	v22 =	vmovc v53;
	v27 =	vmov v58;
	v31 =	vmov v37;
	v4 =	vsel vm1, $0x3F800000, v42;
	[tilespmem:v7+s16+$0x0] =	vst.idx.add.f32.msk $0xffff, v14  }
0x147: {  	v26 =	vmovc v57;
	v32 =	vmovc v39;
	v34 =	vmov v45;
	v38 =	vmov v47;
	v33 =	vmov v40;
	[tilespmem:v7+s17+$0x0] =	vst.idx.add.f32.msk $0xffff, v4  }
0x148: {  	s26 =	sadd.s32 $0x10, s26;
	v35 =	vmovc v46;
	v18 =	vmovc v43;
	v41 =	vmov v48;
	v20 =	vmov v49;
	v28 =	vmov v60;
	[tilespmem:v7+s18+$0x0] =	vst.idx.add.f32.msk $0xffff, v6  }
0x149: {  	p0 =	seq.s32 s24, $0x1F  }
0x14a: {  	s25 =	sadd.s32 @!p0 s25, s8  }
0x14b: {  	s26 =	sshll.u32 @!p0 s25, $0x4  }
0x14c: {  	s28 =	simm.s32 @!p0 $0x0;
	s25 =	sshrl.u32 @!p0 s25, $0x3;
	s26 =	sadd.s32 @!p0 s4, s26  }
0x14d: {  	[tilespmem:s28], [sflag:$0x1] =	stream.linear.gather @!p0 [hbm4b:s26+s28], $0xF000, $0x38;
	[tilespmem:$0x1E780] =	vst v63  }
0x14e: {  	s25 =	sadd.s32 @!p0 s1, s25;
	s26 =	simm.s32 @!p0 $0x1E000  }
0x14f: {  	[tilespmem:s26], [sflag:$0x3] =	stream.linear.gather @!p0 [hbm4b:s25+s28], $0x1E0, $0x38;
	[tilespmem:$0x1E780] =	vst v63  }
0x150: {  	_ =	swait.ge [sflag:s19], $0xF000  }
0x151: {  	[sflag:s19] =	ssyncset.done $0x0  }
0x152: {  	[sflag:s19] =	ssyncadd.s32 $0xFFFF1000  }
0x153: {  	_ =	swait.ge [sflag:s20], $0x1E0  }
0x154: {  	[sflag:s20] =	ssyncset.done $0x0  }
0x155: {  	s25 =	simm.s32 $0x0;
	v1 =	vld [tilespmem:$0x1FFF0];
	[sflag:s20] =	ssyncadd.s32 $0xFFFFFE20  }
.LBB2_5:
0x156: {  	v5 =	vor.u32 s25, v50  }
0x157: {  	v4 =	vshll.u32 v5, $0x7  }
0x158: {  	v6 =	vor.u32 v50, v4  }
0x159: {  	v7 =	vor.u32 v18, v4  }
0x15a: {  	v8 =	vor.u32 v19, v4  }
0x15b: {  	v9 =	vor.u32 v20, v4;
	_ =	sdelay $0x1  }
0x15c: {  	v10 =	vor.u32 v21, v4;
	v6 =	vld.idx.msk [tilespmem:v6+s12+$0x0], $0xffff  }
0x15d: {  	v7 =	vld.idx.msk [tilespmem:v7+s12+$0x0], $0xffff  }
0x15e: {  	v11 =	vor.u32 v22, v4;
	v8 =	vld.idx.msk [tilespmem:v8+s12+$0x0], $0xffff  }
0x15f: {  	v12 =	vor.u32 v23, v4;
	v9 =	vld.idx.msk [tilespmem:v9+s12+$0x0], $0xffff;
	_ =	sdelay $0x1  }
0x160: {  	v14 =	vor.u32 v24, v4;
	v10 =	vld.idx.msk [tilespmem:v10+s12+$0x0], $0xffff;
	v13 =	vmul.f32 $1.442695020e+00, v6  }
0x161: {  	v15 =	vmul.f32 $1.442695020e+00, v7  }
0x162: {  	v16 =	vor.u32 v25, v4;
	v11 =	vld.idx.msk [tilespmem:v11+s12+$0x0], $0xffff;
	(erf) = vpow2.f32 v13;
	v13 =	vmul.f32 $1.442695020e+00, v8  }
0x163: {  	v12 =	vld.idx.msk [tilespmem:v12+s12+$0x0], $0xffff;
	v42 =	vmul.f32 $1.442695020e+00, v9;
	(erf) = vpow2.f32 v15  }
0x164: {  	(erf) = vpow2.f32 v13;
	v13 =	vor.u32 v26, v4  }
0x165: {  	v14 =	vld.idx.msk [tilespmem:v14+s12+$0x0], $0xffff;
	(erf) = vpow2.f32 v42;
	v42 =	vmul.f32 $1.442695020e+00, v10  }
0x166: {  	v17 =	vor.u32 v27, v4  }
0x167: {  	v16 =	vld.idx.msk [tilespmem:v16+s12+$0x0], $0xffff;
	(erf) = vpow2.f32 v42;
	v42 =	vmul.f32 $1.442695020e+00, v11  }
0x168: {  	v19 =	vor.u32 v28, v4;
	v18 =	vmul.f32 $1.442695020e+00, v12  }
0x169: {  	(erf) = vpow2.f32 v42;
	v13 =	vld.idx.msk [tilespmem:v13+s12+$0x0], $0xffff;
	v42 =	vor.u32 v29, v4  }
0x16a: {  	(erf) = vpow2.f32 v18;
	v18 =	vmul.f32 $1.442695020e+00, v14  }
0x16b: {  	v21 =	vor.u32 v30, v4;
	v17 =	vld.idx.msk [tilespmem:v17+s12+$0x0], $0xffff  }
0x16c: {  	v23 =	vor.u32 v31, v4;
	(erf) = vpow2.f32 v18;
	v18 =	vmul.f32 $1.442695020e+00, v16  }
0x16d: {  	v19 =	vld.idx.msk [tilespmem:v19+s12+$0x0], $0xffff;
	v20 =	vpop (erf)  }
0x16e: {  	v25 =	vor.u32 v32, v4;
	v22 =	vpop (erf);
	(erf) = vpow2.f32 v18;
	v18 =	vmul.f32 $1.442695020e+00, v13;
	v15 =	vld.idx.msk [tilespmem:v42+s12+$0x0], $0xffff  }
0x16f: {  	v27 =	vor.u32 v33, v4;
	v29 =	vor.u32 v34, v4;
	v24 =	vpop (erf)  }
0x170: {  	v21 =	vld.idx.msk [tilespmem:v21+s12+$0x0], $0xffff;
	v20 =	vadd.f32 $0.0e+00, v20;
	v26 =	vpop (erf);
	(erf) = vpow2.f32 v18;
	v18 =	vmul.f32 $1.442695020e+00, v17  }
0x171: {  	v6 =	vmax.f32 v6, v10;
	v10 =	vld.idx.msk [tilespmem:v23+s12+$0x0], $0xffff;
	v23 =	vor.u32 v35, v4;
	v22 =	vadd.f32 $0.0e+00, v22;
	v28 =	vpop (erf)  }
0x172: {  	v20 =	vadd.f32 v28, v20;
	v28 =	vpop (erf);
	(erf) = vpow2.f32 v18;
	v18 =	vmul.f32 $1.442695020e+00, v19  }
0x173: {  	v30 =	vor.u32 v38, v4;
	v25 =	vld.idx.msk [tilespmem:v25+s12+$0x0], $0xffff;
	v22 =	vadd.f32 v28, v22;
	v28 =	vmul.f32 $1.442695020e+00, v15  }
0x174: {  	v27 =	vld.idx.msk [tilespmem:v27+s12+$0x0], $0xffff;
	v24 =	vadd.f32 $0.0e+00, v24;
	v26 =	vadd.f32 $0.0e+00, v26;
	v42 =	vpop (erf);
	(erf) = vpow2.f32 v18  }
0x175: {  	v32 =	vpop (erf);
	(erf) = vpow2.f32 v28;
	v28 =	vld.idx.msk [tilespmem:v29+s12+$0x0], $0xffff  }
0x176: {  	v7 =	vmax.f32 v7, v11;
	v23 =	vld.idx.msk [tilespmem:v23+s12+$0x0], $0xffff;
	v11 =	vadd.f32 v42, v24;
	v24 =	vmul.f32 $1.442695020e+00, v21  }
0x177: {  	v8 =	vmax.f32 v8, v12;
	v33 =	vmul.f32 $1.442695020e+00, v10  }
0x178: {  	v29 =	vld.idx.msk [tilespmem:v30+s12+$0x0], $0xffff;
	v12 =	vadd.f32 v32, v26;
	v26 =	vpop (erf);
	(erf) = vpow2.f32 v24;
	v24 =	vmul.f32 $1.442695020e+00, v25  }
0x179: {  	v6 =	vmax.f32 v6, v16;
	v34 =	vmul.f32 $1.442695020e+00, v27;
	v30 =	vld [tilespmem:$0x1FCC0];
	(erf) = vpow2.f32 v33  }
0x17a: {  	v20 =	vadd.f32 v26, v20;
	v16 =	vpop (erf);
	(erf) = vpow2.f32 v24;
	v35 =	vmul.f32 $1.442695020e+00, v28  }
0x17b: {  	v26 =	vld [tilespmem:$0x1FCE0];
	v16 =	vadd.f32 v16, v22;
	(erf) = vpow2.f32 v34;
	v22 =	vmul.f32 $1.442695020e+00, v23  }
0x17c: {  	v24 =	vld [tilespmem:$0x1FCD0];
	v38 =	vpop (erf);
	(erf) = vpow2.f32 v35  }
0x17d: {  	v8 =	vmax.f32 v8, v17;
	v18 =	vor.u32 v41, v4;
	v17 =	vpop (erf);
	(erf) = vpow2.f32 v22;
	v22 =	vld [tilespmem:$0x1FCF0]  }
0x17e: {  	v9 =	vmax.f32 v9, v14;
	v30 =	vor.u32 v30, v4  }
0x17f: {  	v9 =	vmax.f32 v9, v19;
	v19 =	vld [tilespmem:$0x1FD00]  }
0x180: {  	v26 =	vor.u32 v26, v4  }
0x181: {  	v24 =	vor.u32 v24, v4  }
0x182: {  	v18 =	vld.idx.msk [tilespmem:v18+s12+$0x0], $0xffff;
	v22 =	vor.u32 v22, v4  }
0x183: {  	v12 =	vadd.f32 v17, v12;
	v17 =	vpop (erf);
	v42 =	vld.idx.msk [tilespmem:v30+s12+$0x0], $0xffff  }
0x184: {  	v19 =	vor.u32 v19, v4;
	v17 =	vadd.f32 v17, v20;
	v20 =	vld [tilespmem:$0x1FD10]  }
0x185: {  	v11 =	vadd.f32 v38, v11;
	v33 =	vpop (erf);
	v34 =	vld.idx.msk [tilespmem:v26+s12+$0x0], $0xffff  }
0x186: {  	v6 =	vmax.f32 v6, v15;
	v15 =	vadd.f32 v33, v16;
	v16 =	vpop (erf);
	v24 =	vld.idx.msk [tilespmem:v24+s12+$0x0], $0xffff  }
0x187: {  	v11 =	vadd.f32 v16, v11;
	v35 =	vpop (erf);
	v16 =	vld.idx.msk [tilespmem:v22+s12+$0x0], $0xffff  }
0x188: {  	v8 =	vmax.f32 v8, v10;
	v41 =	vmul.f32 $1.442695020e+00, v29;
	v38 =	vpop (erf);
	v22 =	vld [tilespmem:$0x1FD20]  }
0x189: {  	v32 =	vmul.f32 $1.442695020e+00, v18;
	v10 =	vadd.f32 v35, v12;
	v12 =	vadd.f32 v38, v17;
	v17 =	vld.idx.msk [tilespmem:v19+s12+$0x0], $0xffff  }
0x18a: {  	(erf) = vpow2.f32 v41;
	v19 =	vld [tilespmem:$0x1FD30]  }
0x18b: {  	v7 =	vmax.f32 v7, v13;
	(erf) = vpow2.f32 v32;
	v26 =	vld [tilespmem:$0x1FD40];
	v20 =	vor.u32 v20, v4  }
0x18c: {  	v7 =	vmax.f32 v7, v21;
	v8 =	vmax.f32 v8, v23;
	v23 =	vld [tilespmem:$0x1FD50];
	v21 =	vmul.f32 $1.442695020e+00, v42  }
0x18d: {  	v22 =	vor.u32 v22, v4  }
0x18e: {  	v6 =	vmax.f32 v6, v27;
	v27 =	vld [tilespmem:$0x1FD60];
	(erf) = vpow2.f32 v21;
	v21 =	vmul.f32 $1.442695020e+00, v24  }
0x18f: {  	v19 =	vor.u32 v19, v4  }
0x190: {  	v26 =	vor.u32 v26, v4;
	v20 =	vld.idx.msk [tilespmem:v20+s12+$0x0], $0xffff;
	(erf) = vpow2.f32 v21;
	v21 =	vmul.f32 $1.442695020e+00, v34  }
0x191: {  	v31 =	vld [tilespmem:$0x1FF40];
	v9 =	vmax.f32 v9, v25;
	v23 =	vor.u32 v23, v4;
	v25 =	vpop (erf)  }
0x192: {  	v15 =	vadd.f32 v25, v15;
	v25 =	vpop (erf);
	(erf) = vpow2.f32 v21;
	v21 =	vmul.f32 $1.442695020e+00, v16;
	v22 =	vld.idx.msk [tilespmem:v22+s12+$0x0], $0xffff  }
0x193: {  	v27 =	vor.u32 v27, v4;
	v7 =	vmax.f32 v7, v28;
	v28 =	vld [tilespmem:$0x1FD70];
	v11 =	vadd.f32 v25, v11;
	v25 =	vpop (erf)  }
0x194: {  	v10 =	vadd.f32 v25, v10;
	v25 =	vpop (erf);
	(erf) = vpow2.f32 v21;
	v21 =	vmul.f32 $1.442695020e+00, v17;
	v19 =	vld.idx.msk [tilespmem:v19+s12+$0x0], $0xffff  }
0x195: {  	v6 =	vmax.f32 v6, v18;
	v12 =	vadd.f32 v25, v12;
	v18 =	vld.idx.msk [tilespmem:v26+s12+$0x0], $0xffff;
	v25 =	vmul.f32 $1.442695020e+00, v20  }
0x196: {  	(erf) = vpow2.f32 v21;
	v21 =	vld [tilespmem:$0x1FFD0]  }
0x197: {  	v41 =	vld.idx.msk [tilespmem:v23+s12+$0x0], $0xffff;
	v26 =	vpop (erf);
	(erf) = vpow2.f32 v25;
	v25 =	vmul.f32 $1.442695020e+00, v22  }
0x198: {  	v28 =	vor.u32 v28, v4;
	v23 =	vld [tilespmem:$0x1FD80]  }
0x199: {  	v27 =	vld.idx.msk [tilespmem:v27+s12+$0x0], $0xffff;
	v15 =	vadd.f32 v26, v15;
	v26 =	vpop (erf);
	(erf) = vpow2.f32 v25;
	v25 =	vmul.f32 $1.442695020e+00, v19  }
0x19a: {  	v8 =	vmax.f32 v8, v24;
	v24 =	vld [tilespmem:$0x1FDB0];
	v11 =	vadd.f32 v26, v11  }
0x19b: {  	v30 =	vld [tilespmem:$0x1FDC0];
	v21 =	vor.u32 v21, v4;
	v26 =	vpop (erf);
	(erf) = vpow2.f32 v25;
	v25 =	vmul.f32 $1.442695020e+00, v18  }
0x19c: {  	v10 =	vadd.f32 v26, v10;
	v26 =	vld [tilespmem:$0x1FEC0]  }
0x19d: {  	v13 =	vld.idx.msk [tilespmem:v28+s12+$0x0], $0xffff;
	v23 =	vor.u32 v23, v4;
	v28 =	vpop (erf);
	(erf) = vpow2.f32 v25;
	v25 =	vmul.f32 $1.442695020e+00, v41  }
0x19e: {  	v9 =	vmax.f32 v9, v29;
	v29 =	vor.u32 v1, v4;
	v7 =	vmax.f32 v7, v42;
	v42 =	vld [tilespmem:$0x1FF50]  }
0x19f: {  	v24 =	vor.u32 v24, v4;
	(erf) = vpow2.f32 v25;
	v25 =	vld [tilespmem:$0x1FF60]  }
0x1a0: {  	v30 =	vor.u32 v30, v4;
	v21 =	vld.idx.msk [tilespmem:v21+s12+$0x0], $0xffff  }
0x1a1: {  	v26 =	vor.u32 v26, v4  }
0x1a2: {  	v31 =	vor.u32 v31, v4;
	v23 =	vld.idx.msk [tilespmem:v23+s12+$0x0], $0xffff  }
0x1a3: {  	v29 =	vld.idx.msk [tilespmem:v29+s12+$0x0], $0xffff;
	v32 =	vor.u32 v42, v4;
	v12 =	vadd.f32 v28, v12;
	v28 =	vmul.f32 $1.442695020e+00, v27  }
0x1a4: {  	v9 =	vmax.f32 v9, v34;
	v6 =	vmax.f32 v6, v16;
	v24 =	vld.idx.msk [tilespmem:v24+s12+$0x0], $0xffff;
	v16 =	vpop (erf);
	v25 =	vor.u32 v25, v4  }
0x1a5: {  	v30 =	vld.idx.msk [tilespmem:v30+s12+$0x0], $0xffff;
	v15 =	vadd.f32 v16, v15;
	v16 =	vpop (erf);
	(erf) = vpow2.f32 v28;
	v28 =	vmul.f32 $1.442695020e+00, v21  }
0x1a6: {  	v7 =	vmax.f32 v7, v17;
	v11 =	vadd.f32 v16, v11;
	v16 =	vmul.f32 $1.442695020e+00, v13;
	v17 =	vld.idx.msk [tilespmem:v26+s12+$0x0], $0xffff  }
0x1a7: {  	v8 =	vmax.f32 v8, v20;
	v26 =	vmul.f32 $1.442695020e+00, v23;
	v20 =	vpop (erf);
	(erf) = vpow2.f32 v28;
	v28 =	vld.idx.msk [tilespmem:v31+s12+$0x0], $0xffff  }
0x1a8: {  	v10 =	vadd.f32 v20, v10;
	(erf) = vpow2.f32 v16;
	v16 =	vmul.f32 $1.442695020e+00, v29;
	v20 =	vld.idx.msk [tilespmem:v32+s12+$0x0], $0xffff  }
0x1a9: {  	v7 =	vmax.f32 v7, v18;
	(erf) = vpow2.f32 v26;
	v26 =	vmul.f32 $1.442695020e+00, v24;
	v25 =	vld.idx.msk [tilespmem:v25+s12+$0x0], $0xffff  }
0x1aa: {  	v9 =	vmax.f32 v9, v22;
	v22 =	vpop (erf);
	(erf) = vpow2.f32 v16;
	v16 =	vmul.f32 $1.442695020e+00, v30  }
0x1ab: {  	v12 =	vadd.f32 v22, v12;
	(erf) = vpow2.f32 v26;
	v22 =	vmul.f32 $1.442695020e+00, v17  }
0x1ac: {  	v6 =	vmax.f32 v6, v19;
	v19 =	vpop (erf);
	(erf) = vpow2.f32 v16;
	v16 =	vmul.f32 $1.442695020e+00, v28  }
0x1ad: {  	v15 =	vadd.f32 v19, v15;
	v18 =	vpop (erf);
	(erf) = vpow2.f32 v22;
	v19 =	vmul.f32 $1.442695020e+00, v20  }
0x1ae: {  	(erf) = vpow2.f32 v16;
	v16 =	vmul.f32 $1.442695020e+00, v25  }
0x1af: {  	v11 =	vadd.f32 v18, v11;
	v18 =	vpop (erf);
	(erf) = vpow2.f32 v19  }
0x1b0: {  	v38 =	vpop (erf);
	(erf) = vpow2.f32 v16;
	v16 =	vld [tilespmem:$0x1FF70]  }
0x1b1: {  	v10 =	vadd.f32 v18, v10;
	v18 =	vld [tilespmem:$0x1FF80]  }
0x1b2: {  	v32 =	vld [tilespmem:$0x1FF90]  }
0x1b3: {  	v19 =	vld [tilespmem:$0x1FFA0]  }
0x1b4: {  	v6 =	vmax.f32 v6, v21;
	v21 =	vld [tilespmem:$0x1FFB0]  }
0x1b5: {  	v8 =	vmax.f32 v8, v41;
	v22 =	vld [tilespmem:$0x1FFC0];
	v16 =	vor.u32 v16, v4  }
0x1b6: {  	v8 =	vmax.f32 v8, v23;
	v23 =	vld [tilespmem:$0x1FFE0];
	v41 =	vpop (erf);
	v18 =	vor.u32 v18, v4  }
0x1b7: {  	v8 =	vmax.f32 v8, v17;
	v17 =	vld [tilespmem:$0x1FDD0];
	v14 =	vadd.f32 v41, v15;
	v15 =	vor.u32 v32, v4  }
0x1b8: {  	v6 =	vmax.f32 v6, v24;
	v24 =	vld [tilespmem:$0x1FE00];
	v19 =	vor.u32 v19, v4  }
0x1b9: {  	v21 =	vor.u32 v21, v4;
	v26 =	vld [tilespmem:$0x1FE20]  }
0x1ba: {  	v22 =	vor.u32 v22, v4;
	v16 =	vld.idx.msk [tilespmem:v16+s12+$0x0], $0xffff  }
0x1bb: {  	v23 =	vor.u32 v23, v4;
	v42 =	vpop (erf);
	v18 =	vld.idx.msk [tilespmem:v18+s12+$0x0], $0xffff  }
0x1bc: {  	v7 =	vmax.f32 v7, v13;
	v9 =	vmax.f32 v9, v27;
	v17 =	vor.u32 v17, v4;
	v33 =	vpop (erf);
	v15 =	vld.idx.msk [tilespmem:v15+s12+$0x0], $0xffff  }
0x1bd: {  	v7 =	vmax.f32 v7, v30;
	v9 =	vmax.f32 v9, v29;
	v24 =	vor.u32 v24, v4;
	v34 =	vpop (erf);
	v19 =	vld.idx.msk [tilespmem:v19+s12+$0x0], $0xffff  }
0x1be: {  	v27 =	vor.u32 v62, v4;
	v29 =	vor.u32 v51, v4;
	v6 =	vmax.f32 v6, v20;
	v20 =	vld.idx.msk [tilespmem:v21+s12+$0x0], $0xffff;
	v35 =	vpop (erf)  }
0x1bf: {  	v12 =	vadd.f32 v38, v12;
	v10 =	vadd.f32 v33, v10;
	v38 =	vpop (erf);
	v22 =	vld.idx.msk [tilespmem:v22+s12+$0x0], $0xffff;
	v33 =	vmul.f32 $1.442695020e+00, v16  }
0x1c0: {  	v23 =	vld.idx.msk [tilespmem:v23+s12+$0x0], $0xffff;
	v11 =	vadd.f32 v42, v11;
	v7 =	vmax.f32 v7, v25;
	v41 =	vpop (erf);
	v25 =	vmul.f32 $1.442695020e+00, v18  }
0x1c1: {  	v12 =	vadd.f32 v34, v12;
	v17 =	vld.idx.msk [tilespmem:v17+s12+$0x0], $0xffff;
	v42 =	vpop (erf);
	v34 =	vmul.f32 $1.442695020e+00, v15;
	(erf) = vpow2.f32 v33  }
0x1c2: {  	v21 =	vor.u32 v61, v4;
	v24 =	vld.idx.msk [tilespmem:v24+s12+$0x0], $0xffff;
	v32 =	vpop (erf);
	(erf) = vpow2.f32 v25;
	v25 =	vmul.f32 $1.442695020e+00, v19  }
0x1c3: {  	v13 =	vadd.f32 v35, v14;
	v35 =	vmul.f32 $1.442695020e+00, v20;
	(erf) = vpow2.f32 v34  }
0x1c4: {  	v27 =	vld.idx.msk [tilespmem:v27+s12+$0x0], $0xffff;
	v26 =	vor.u32 v26, v4;
	(erf) = vpow2.f32 v25;
	v25 =	vmul.f32 $1.442695020e+00, v22  }
0x1c5: {  	v31 =	vld [tilespmem:$0x1FE50];
	v11 =	vadd.f32 v38, v11;
	v38 =	vmul.f32 $1.442695020e+00, v23;
	(erf) = vpow2.f32 v35  }
0x1c6: {  	v29 =	vld.idx.msk [tilespmem:v29+s12+$0x0], $0xffff;
	v10 =	vadd.f32 v41, v10;
	(erf) = vpow2.f32 v25;
	v25 =	vmul.f32 $1.442695020e+00, v17  }
0x1c7: {  	v41 =	vld [tilespmem:$0x1FE60];
	v12 =	vadd.f32 v42, v12;
	v42 =	vmul.f32 $1.442695020e+00, v24;
	(erf) = vpow2.f32 v38  }
0x1c8: {  	v9 =	vmax.f32 v9, v28;
	v28 =	vor.u32 v63, v4;
	v38 =	vld [tilespmem:$0x1FE80];
	(erf) = vpow2.f32 v25  }
0x1c9: {  	(erf) = vpow2.f32 v42;
	v42 =	vld [tilespmem:$0x1FEA0]  }
0x1ca: {  	v30 =	vor.u32 v59, v4;
	v21 =	vld.idx.msk [tilespmem:v21+s12+$0x0], $0xffff  }
0x1cb: {  	v31 =	vor.u32 v31, v4;
	v26 =	vld.idx.msk [tilespmem:v26+s12+$0x0], $0xffff  }
0x1cc: {  	v13 =	vadd.f32 v32, v13;
	v32 =	vor.u32 v41, v4;
	v41 =	vld [tilespmem:$0x1FE90]  }
0x1cd: {  	v28 =	vld.idx.msk [tilespmem:v28+s12+$0x0], $0xffff;
	v33 =	vor.u32 v2, v4  }
0x1ce: {  	v34 =	vor.u32 v38, v4;
	v38 =	vor.u32 v42, v4;
	v42 =	vld [tilespmem:$0x1FEB0]  }
0x1cf: {  	v30 =	vld.idx.msk [tilespmem:v30+s12+$0x0], $0xffff;
	v25 =	vmul.f32 $1.442695020e+00, v21  }
0x1d0: {  	v31 =	vld.idx.msk [tilespmem:v31+s12+$0x0], $0xffff;
	v14 =	vmul.f32 $1.442695020e+00, v26;
	v8 =	vmax.f32 v8, v16  }
0x1d1: {  	v32 =	vld.idx.msk [tilespmem:v32+s12+$0x0], $0xffff;
	v35 =	vor.u32 v41, v4;
	v41 =	vpop (erf);
	(erf) = vpow2.f32 v25;
	v25 =	vmul.f32 $1.442695020e+00, v27  }
0x1d2: {  	v33 =	vld.idx.msk [tilespmem:v33+s12+$0x0], $0xffff;
	v11 =	vadd.f32 v41, v11;
	v41 =	vpop (erf);
	(erf) = vpow2.f32 v14;
	v14 =	vmul.f32 $1.442695020e+00, v28  }
0x1d3: {  	v16 =	vpop (erf);
	(erf) = vpow2.f32 v25;
	v25 =	vmul.f32 $1.442695020e+00, v29;
	v34 =	vld.idx.msk [tilespmem:v34+s12+$0x0], $0xffff;
	v42 =	vor.u32 v42, v4  }
0x1d4: {  	v10 =	vadd.f32 v41, v10;
	v41 =	vpop (erf);
	(erf) = vpow2.f32 v14;
	v14 =	vmul.f32 $1.442695020e+00, v30  }
0x1d5: {  	v9 =	vmax.f32 v9, v18;
	v18 =	vpop (erf);
	(erf) = vpow2.f32 v25;
	v25 =	vmul.f32 $1.442695020e+00, v31;
	v38 =	vld.idx.msk [tilespmem:v38+s12+$0x0], $0xffff  }
0x1d6: {  	v35 =	vld.idx.msk [tilespmem:v35+s12+$0x0], $0xffff;
	v12 =	vadd.f32 v16, v12;
	v16 =	vpop (erf);
	(erf) = vpow2.f32 v14;
	v14 =	vmul.f32 $1.442695020e+00, v32  }
0x1d7: {  	v6 =	vmax.f32 v6, v15;
	v15 =	vpop (erf);
	(erf) = vpow2.f32 v25;
	v25 =	vmul.f32 $1.442695020e+00, v33  }
0x1d8: {  	v13 =	vadd.f32 v41, v13;
	v41 =	vpop (erf);
	(erf) = vpow2.f32 v14;
	v14 =	vmul.f32 $1.442695020e+00, v34;
	v42 =	vld.idx.msk [tilespmem:v42+s12+$0x0], $0xffff  }
0x1d9: {  	v7 =	vmax.f32 v7, v19;
	v19 =	vpop (erf);
	(erf) = vpow2.f32 v25  }
0x1da: {  	v11 =	vadd.f32 v18, v11;
	v18 =	vpop (erf);
	(erf) = vpow2.f32 v14;
	v14 =	vmul.f32 $1.442695020e+00, v38  }
0x1db: {  	v25 =	vmul.f32 $1.442695020e+00, v35  }
0x1dc: {  	v6 =	vmax.f32 v6, v23  }
0x1dd: {  	v8 =	vmax.f32 v8, v20;
	v20 =	vpop (erf);
	(erf) = vpow2.f32 v25;
	v25 =	vmul.f32 $1.442695020e+00, v42  }
0x1de: {  	v6 =	vmax.f32 v6, v26;
	(erf) = vpow2.f32 v14;
	v14 =	vpop (erf)  }
0x1df: {  	v9 =	vmax.f32 v9, v22;
	v12 =	vadd.f32 v15, v12;
	v15 =	vpop (erf);
	(erf) = vpow2.f32 v25  }
0x1e0: {  	v7 =	vmax.f32 v7, v17;
	v10 =	vadd.f32 v16, v10;
	v13 =	vadd.f32 v41, v13;
	v16 =	vpop (erf)  }
0x1e1: {  	v6 =	vmax.f32 v6, v30;
	v9 =	vmax.f32 v9, v21;
	v11 =	vadd.f32 v19, v11;
	v17 =	vpop (erf)  }
0x1e2: {  	v7 =	vmax.f32 v7, v27;
	v10 =	vadd.f32 v18, v10;
	v13 =	vadd.f32 v14, v13;
	v14 =	vpop (erf)  }
0x1e3: {  	v9 =	vmax.f32 v9, v29;
	v12 =	vadd.f32 v20, v12;
	v11 =	vadd.f32 v15, v11;
	v15 =	vpop (erf)  }
0x1e4: {  	v7 =	vmax.f32 v7, v31;
	v8 =	vmax.f32 v8, v24;
	v10 =	vadd.f32 v16, v10;
	v16 =	vpop (erf)  }
0x1e5: {  	v8 =	vmax.f32 v8, v28;
	v12 =	vadd.f32 v17, v12;
	v13 =	vadd.f32 v14, v13;
	v14 =	vpop (erf)  }
0x1e6: {  	v8 =	vmax.f32 v8, v32;
	v9 =	vmax.f32 v9, v33;
	v11 =	vadd.f32 v15, v11;
	v15 =	vpop (erf)  }
0x1e7: {  	v7 =	vmax.f32 v7, v35;
	v10 =	vadd.f32 v16, v10;
	v12 =	vadd.f32 v14, v12;
	v14 =	vpop (erf)  }
0x1e8: {  	v6 =	vmax.f32 v6, v34;
	v8 =	vmax.f32 v8, v38;
	v11 =	vadd.f32 v14, v11;
	v14 =	vpop (erf)  }
0x1e9: {  	v9 =	vmax.f32 v9, v42;
	v13 =	vadd.f32 v15, v13;
	v10 =	vadd.f32 v14, v10  }
0x1ea: {  	v6 =	vmax.f32 v6, v7;
	v7 =	vmax.f32 v8, v9  }
0x1eb: {  	v6 =	vmax.f32 v6, v7;
	v14 =	vadd.f32 v13, v12;
	v15 =	vadd.f32 v10, v11  }
0x1ec: {  	v7 =	vmul.f32 $1.442695020e+00, v6  }
0x1ed: {  	v8 =	vadd.f32 v15, v14  }
0x1ee: {  	(erf) = vpow2.f32 v7  }
0x1ef: {  	(erf) = vrcp.f32 v8;
	_ =	sdelay $0x6  }
0x1f0: {  	v5 =	vld.idx.msk [tilespmem:v5+s13+$0x0], $0xffff  }
0x1f1: {  	v7 =	vpop (erf)  }
0x1f2: {  	v8 =	vpop (erf)  }
0x1f3: {  	v7 =	vmul.f32 v8, v7;
	_ =	sdelay $0x1  }
0x1f4: {  	v12 =	vand.u32 $0xFFFFFF80, v5;
	v13 =	vmul.f32 $1.500000000e+01, v7  }
0x1f5: {  	v5 =	vand.u32 $0x7F, v5;
	v4 =	vadd.s32 v4, v12  }
0x1f6: {  	v4 =	vor.u32 v5, v4;
	v5 =	vtrunc.f32 v13  }
0x1f7: {  	v14 =	vimm.s32 $0x0;
	vm1 =	veq.f32 v13, v5;
	v5 =	vcvt.f32.s32 v5  }
0x1f8: {  	v8 =	vsel vm1, $0xFFFFFFFF, v14  }
0x1f9: {  	v5 =	vadd.s32 v5, v8  }
0x1fa: {  	vm1 =	vlt.s32 v5, $0xE  }
0x1fb: {  	v4 =	vld.idx.msk [tilespmem:v4+s12+$0x0], $0xffff;
	v5 =	vnsel vm1, $0xE, v5  }
0x1fc: {  	v5 =	vadd.s32 v3, v5;
	_ =	sdelay $0x1  }
0x1fd: {  	p0 =	sne.s32 s25, $0x1D0  }
.Ltmp1:
0x1fe: {  	v23 =	vmovc v54;
	v26 =	vmov v57;
	v24 =	vmov v55;
	v22 =	vmov v53;
	(pc) =	sbr.rel @p0 .LBB2_5-.Ltmp1, $4  }
0x1ff: {  	v21 =	vmovc v52;
	v27 =	vmovc v58;
	v42 =	vimm.f32 $0.0e+00;
	v15 =	vimm.f32 $1.000000000e+00;
	vm1 =	veq.f32 v4, v6  }
0x200: {  	v28 =	vmovc v60;
	v29 =	vmovc v0;
	v30 =	vmov v36;
	v31 =	vmov v37;
	v4 =	vsel vm1, $0x3F800000, v42;
	[tilespmem:v5+s16+$0x0] =	vst.idx.add.f32.msk $0xffff, v15  }
0x201: {  	v32 =	vmovc v39;
	v33 =	vmovc v40;
	v41 =	vmov v48;
	v35 =	vmov v46;
	v19 =	vmov v44;
	[tilespmem:v5+s17+$0x0] =	vst.idx.add.f32.msk $0xffff, v4  }
0x202: {  	s25 =	sadd.s32 $0x10, s25;
	v18 =	vmovc v43;
	v20 =	vmovc v49;
	v34 =	vmov v45;
	v38 =	vmov v47;
	v25 =	vmov v56;
	[tilespmem:v5+s18+$0x0] =	vst.idx.add.f32.msk $0xffff, v7  }
0x203: {  	s24 =	sadd.s32 $0x1, s24  }
0x204: {  	p0 =	sne.s32 s24, $0x20  }
.Ltmp2:
0x205: {  	_ = 	snop;
	(pc) =	sbr.rel @p0 .LBB2_2-.Ltmp2, $1  }
0x206: {  	_ =	sdelay $0x3  }
0x207: {  	v0 =	vlaneseq.u32  }
0x208: {  	v43 =	vld [tilespmem:$0x1FFD0];
	_ =	sdelay $0x1  }
0x209: {  	v36 =	vld [tilespmem:$0x1FFE0];
	_ =	sdelay $0x1  }
0x20a: {  	v2 =	vld.idx.msk [tilespmem:v0+s16+$0x0], $0xffff;
	_ =	sdelay $0x1  }
0x20b: {  	v3 =	vld.idx.msk [tilespmem:v33+s16+$0x0], $0xffff  }
0x20c: {  	v4 =	vor.u32 $0x40, v0  }
0x20d: {  	v5 =	vld.idx.msk [tilespmem:v43+s16+$0x0], $0xffff  }
0x20e: {  	v6 =	vor.u32 $0x50, v0;
	v2 =	vadd.f32 $0.0e+00, v2  }
0x20f: {  	v7 =	vld.idx.msk [tilespmem:v36+s16+$0x0], $0xffff  }
0x210: {  	v60 =	vor.u32 $0x60, v0;
	v2 =	vadd.f32 v3, v2  }
0x211: {  	v8 =	vld.idx.msk [tilespmem:v4+s16+$0x0], $0xffff  }
0x212: {  	v61 =	vor.u32 $0x70, v0;
	v2 =	vadd.f32 v5, v2  }
0x213: {  	v9 =	vld.idx.msk [tilespmem:v6+s16+$0x0], $0xffff  }
0x214: {  	v62 =	vor.u32 $0x80, v0;
	v2 =	vadd.f32 v7, v2  }
0x215: {  	v10 =	vld.idx.msk [tilespmem:v60+s16+$0x0], $0xffff  }
0x216: {  	v63 =	vor.u32 $0x90, v0;
	v2 =	vadd.f32 v8, v2  }
0x217: {  	v11 =	vld.idx.msk [tilespmem:v61+s16+$0x0], $0xffff  }
0x218: {  	v37 =	vor.u32 $0xA0, v0;
	v2 =	vadd.f32 v9, v2  }
0x219: {  	v12 =	vld.idx.msk [tilespmem:v62+s16+$0x0], $0xffff  }
0x21a: {  	v39 =	vor.u32 $0xB0, v0;
	v2 =	vadd.f32 v10, v2  }
0x21b: {  	v13 =	vld.idx.msk [tilespmem:v63+s16+$0x0], $0xffff  }
0x21c: {  	v40 =	vor.u32 $0xC0, v0;
	v2 =	vadd.f32 v11, v2  }
0x21d: {  	v14 =	vld.idx.msk [tilespmem:v37+s16+$0x0], $0xffff  }
0x21e: {  	v44 =	vor.u32 $0xD0, v0;
	v2 =	vadd.f32 v12, v2  }
0x21f: {  	v15 =	vld.idx.msk [tilespmem:v39+s16+$0x0], $0xffff  }
0x220: {  	v45 =	vor.u32 $0xE0, v0;
	v2 =	vadd.f32 v13, v2  }
0x221: {  	v16 =	vld.idx.msk [tilespmem:v40+s16+$0x0], $0xffff  }
0x222: {  	v46 =	vor.u32 $0xF0, v0;
	v2 =	vadd.f32 v14, v2  }
0x223: {  	v17 =	vld.idx.msk [tilespmem:v44+s16+$0x0], $0xffff  }
0x224: {  	v2 =	vadd.f32 v15, v2  }
0x225: {  	v47 =	vld.idx.msk [tilespmem:v45+s16+$0x0], $0xffff  }
0x226: {  	v2 =	vadd.f32 v16, v2  }
0x227: {  	v16 =	vld.idx.msk [tilespmem:v46+s16+$0x0], $0xffff  }
0x228: {  	v2 =	vadd.f32 v17, v2;
	_ =	sdelay $0x1  }
0x229: {  	v2 =	vadd.f32 v47, v2;
	_ =	sdelay $0x1  }
0x22a: {  	v2 =	vadd.f32 v16, v2;
	_ =	sdelay $0x1  }
0x22b: {  	[tilespmem:$0x1E700] =	vst v2  }
0x22c: {  	v2 =	vld.idx.msk [tilespmem:v0+s17+$0x0], $0xffff;
	_ =	sdelay $0x1  }
0x22d: {  	v48 =	vld.idx.msk [tilespmem:v33+s17+$0x0], $0xffff;
	_ =	sdelay $0x1  }
0x22e: {  	v16 =	vld.idx.msk [tilespmem:v43+s17+$0x0], $0xffff  }
0x22f: {  	v2 =	vadd.f32 $0.0e+00, v2  }
0x230: {  	v17 =	vld.idx.msk [tilespmem:v36+s17+$0x0], $0xffff  }
0x231: {  	v2 =	vadd.f32 v48, v2  }
0x232: {  	v49 =	vld.idx.msk [tilespmem:v4+s17+$0x0], $0xffff  }
0x233: {  	v2 =	vadd.f32 v16, v2  }
0x234: {  	v16 =	vld.idx.msk [tilespmem:v6+s17+$0x0], $0xffff  }
0x235: {  	v2 =	vadd.f32 v17, v2  }
0x236: {  	v17 =	vld.idx.msk [tilespmem:v60+s17+$0x0], $0xffff  }
0x237: {  	v2 =	vadd.f32 v49, v2  }
0x238: {  	v51 =	vld.idx.msk [tilespmem:v61+s17+$0x0], $0xffff  }
0x239: {  	v2 =	vadd.f32 v16, v2  }
0x23a: {  	v16 =	vld.idx.msk [tilespmem:v62+s17+$0x0], $0xffff  }
0x23b: {  	v2 =	vadd.f32 v17, v2  }
0x23c: {  	v17 =	vld.idx.msk [tilespmem:v63+s17+$0x0], $0xffff  }
0x23d: {  	v2 =	vadd.f32 v51, v2  }
0x23e: {  	v52 =	vld.idx.msk [tilespmem:v37+s17+$0x0], $0xffff  }
0x23f: {  	v2 =	vadd.f32 v16, v2  }
0x240: {  	v16 =	vld.idx.msk [tilespmem:v39+s17+$0x0], $0xffff  }
0x241: {  	v2 =	vadd.f32 v17, v2  }
0x242: {  	v17 =	vld.idx.msk [tilespmem:v40+s17+$0x0], $0xffff  }
0x243: {  	v2 =	vadd.f32 v52, v2  }
0x244: {  	v53 =	vld.idx.msk [tilespmem:v44+s17+$0x0], $0xffff  }
0x245: {  	v2 =	vadd.f32 v16, v2  }
0x246: {  	v16 =	vld.idx.msk [tilespmem:v45+s17+$0x0], $0xffff  }
0x247: {  	v2 =	vadd.f32 v17, v2  }
0x248: {  	v17 =	vld.idx.msk [tilespmem:v46+s17+$0x0], $0xffff  }
0x249: {  	v2 =	vadd.f32 v53, v2;
	_ =	sdelay $0x1  }
0x24a: {  	v2 =	vadd.f32 v16, v2;
	_ =	sdelay $0x1  }
0x24b: {  	v2 =	vadd.f32 v17, v2;
	_ =	sdelay $0x1  }
0x24c: {  	[tilespmem:$0x1E710] =	vst v2  }
0x24d: {  	v2 =	vld.idx.msk [tilespmem:v0+s18+$0x0], $0xffff;
	_ =	sdelay $0x1  }
0x24e: {  	v54 =	vld.idx.msk [tilespmem:v33+s18+$0x0], $0xffff;
	_ =	sdelay $0x1  }
0x24f: {  	v16 =	vld.idx.msk [tilespmem:v43+s18+$0x0], $0xffff  }
0x250: {  	v2 =	vadd.f32 $0.0e+00, v2  }
0x251: {  	v17 =	vld.idx.msk [tilespmem:v36+s18+$0x0], $0xffff  }
0x252: {  	v2 =	vadd.f32 v54, v2  }
0x253: {  	v4 =	vld.idx.msk [tilespmem:v4+s18+$0x0], $0xffff  }
0x254: {  	v2 =	vadd.f32 v16, v2  }
0x255: {  	v6 =	vld.idx.msk [tilespmem:v6+s18+$0x0], $0xffff  }
0x256: {  	v2 =	vadd.f32 v17, v2  }
0x257: {  	v3 =	vld.idx.msk [tilespmem:v60+s18+$0x0], $0xffff  }
0x258: {  	v2 =	vadd.f32 v4, v2  }
0x259: {  	v55 =	vld.idx.msk [tilespmem:v61+s18+$0x0], $0xffff  }
0x25a: {  	v2 =	vadd.f32 v6, v2  }
0x25b: {  	v56 =	vld.idx.msk [tilespmem:v62+s18+$0x0], $0xffff  }
0x25c: {  	v2 =	vadd.f32 v3, v2  }
0x25d: {  	v57 =	vld.idx.msk [tilespmem:v63+s18+$0x0], $0xffff  }
0x25e: {  	v2 =	vadd.f32 v55, v2  }
0x25f: {  	v58 =	vld.idx.msk [tilespmem:v37+s18+$0x0], $0xffff  }
0x260: {  	v2 =	vadd.f32 v56, v2  }
0x261: {  	v59 =	vld.idx.msk [tilespmem:v39+s18+$0x0], $0xffff  }
0x262: {  	v2 =	vadd.f32 v57, v2  }
0x263: {  	v60 =	vld.idx.msk [tilespmem:v40+s18+$0x0], $0xffff  }
0x264: {  	v2 =	vadd.f32 v58, v2  }
0x265: {  	v61 =	vld.idx.msk [tilespmem:v44+s18+$0x0], $0xffff  }
0x266: {  	v2 =	vadd.f32 v59, v2  }
0x267: {  	v62 =	vld.idx.msk [tilespmem:v45+s18+$0x0], $0xffff  }
0x268: {  	v2 =	vadd.f32 v60, v2  }
0x269: {  	v63 =	vld.idx.msk [tilespmem:v46+s18+$0x0], $0xffff  }
0x26a: {  	v2 =	vadd.f32 v61, v2;
	_ =	sdelay $0x1  }
0x26b: {  	v2 =	vadd.f32 v62, v2;
	_ =	sdelay $0x1  }
0x26c: {  	s23 =	sadd.s32 $0x1, s23;
	v2 =	vadd.f32 v63, v2  }
0x26d: {  	p0 =	sne.s32 s23, s10  }
.Ltmp3:
0x26e: {  	[tilespmem:$0x1E720] =	vst v2;
	(pc) =	sbr.rel @p0 .LBB2_1-.Ltmp3, $4  }
0x26f: {  	[hbm4b:s9+s3] =	stream.linear.scatter [tilespmem:s21], [sflag:$0x5], $0x80, $0x38;
	[tilespmem:$0x1E780] =	vst v63  }
0x270: {  	_ =	swait.ge [sflag:s22], $0x80  }
0x271: {  	[sflag:s22] =	ssyncset.done $0x0  }
0x272: {  	[sflag:s22] =	ssyncadd.s32 $0xFFFFFF80  }
0x273: {  	_ =	sfence.sel $0x180000  }
0x274: {  	[bflag:$0x0] =	sbarrier.arrive $0xFFFF  }
0x275: {  	p0 =	sne.s32 s2, $0x0;
	_ =	strace $0x90000047  }
0x276: {  	s0 =	sadd.s32 @!p0 $0x100000, s0;
	[bflag:$0x2] =	sbarrier.arrive $0xFFFF  }
0x277: {  	[sflag:s0] =	ssyncadd.tile.s32 @!p0 $0x1;
	_ =	shalt  }
.Lfunc_end2:
_tile_overlayer_lowered:
.L_overlay_start_2:
0x278: {  	(tag) =	ssettag $0x2  }
0x279: {  	s0 =	rddreg [dreg:$0x0];
	s2 =	stileid.u32  }
0x27a: {  	s1 =	rddreg [dreg:$0x1];
	p0 =	sne.s32 s2, $0x0  }
0x27b: {  	s3 =	rddreg [dreg:$0x2];
	[bflag:$0x3] =	sbarrier.arrive $0xFFFF;
	s2 =	simm.s32 @!p0 $0x1C05  }
0x27c: {  	[timem:s3], [sflag:s2] =	dma.local @!p0 [hbm:s0], s1  }
0x27d: {  	s0 =	simm.s32 @!p0 $0x5  }
0x27e: {  	_ =	swait.ge @!p0 [sflag:s0], s1  }
0x27f: {  	s1 =	ssub.s32 @!p0 $0x0, s1;
	[sflag:s0] =	ssyncset.done @!p0 $0x0  }
0x280: {  	[sflag:s0] =	ssyncadd.s32 @!p0 s1  }
0x281: {  	[bflag:$0x3] =	sbarrier.arrive $0xFFFF  }
0x282: {  	_ =	shalt  }

</sc_bundles>
